<compile_context>
chip_gen: v7x
topology: tpu7x:2x2x1
jax: 0.10.2.dev20260603
libtpu: 0.0.44.dev20260713+nightly
codegen_flags: <defaults>
</compile_context>

<pallas_src>
import functools

import jax
import jax.numpy as jnp
from jax import lax
from jax.experimental import pallas as pl
from jax.experimental.pallas import tpu as pltpu
from jax.experimental.pallas import tpu_sc as plsc

BATCH = 16384
HIST = 200
EMBED = 32
TOKENS = 100000

NC = 2
NS = 16
NW = NC * NS
B_PER_W = BATCH // NW
HALF = HIST // 2
NBUF = 4

_mesh = plsc.VectorSubcoreMesh(core_axis_name="c", subcore_axis_name="s")


@functools.partial(
    pl.kernel,
    mesh=_mesh,
    out_type=jax.ShapeDtypeStruct((BATCH, EMBED), jnp.float32),
    scratch_types=[
        pltpu.VMEM((NBUF, 2, HALF), jnp.int32),
        pltpu.VMEM((NBUF, 2, HALF, EMBED), jnp.float32),
        pltpu.VMEM((B_PER_W, EMBED), jnp.float32),
        pltpu.SemaphoreType.DMA,
        [pltpu.SemaphoreType.DMA] * NBUF,
    ],
    compiler_params=pltpu.CompilerParams(use_tc_tiling_on_sc=False),
)
def _sc_embed_sum(x_hbm, table_hbm, out_hbm, idx_v, rows_v, out_v,
                  isem, gsems):
    cid = lax.axis_index("c")
    sid = lax.axis_index("s")
    wid = sid * NC + cid
    base = wid * B_PER_W

    def fire_idx(r, p):
        pltpu.async_copy(x_hbm.at[base + r], idx_v.at[p], isem)

    def wait_idx(r, p):
        pltpu.make_async_copy(x_hbm.at[base + r], idx_v.at[p], isem).wait()

    def fire_gather(p):
        pltpu.async_copy(table_hbm.at[idx_v.at[p, 0]], rows_v.at[p, 0], gsems[p])
        pltpu.async_copy(table_hbm.at[idx_v.at[p, 1]], rows_v.at[p, 1], gsems[p])

    def wait_gather(p):
        pltpu.make_async_copy(table_hbm.at[idx_v.at[p, 0]], rows_v.at[p, 0],
                              gsems[p]).wait()
        pltpu.make_async_copy(table_hbm.at[idx_v.at[p, 1]], rows_v.at[p, 1],
                              gsems[p]).wait()

    def accumulate(p, r):
        def hbody(h, accs):
            a00, a01, a10, a11 = accs
            a00 = a00 + rows_v[p, 0, h, pl.ds(0, 16)]
            a10 = a10 + rows_v[p, 0, h, pl.ds(16, 16)]
            a01 = a01 + rows_v[p, 1, h, pl.ds(0, 16)]
            a11 = a11 + rows_v[p, 1, h, pl.ds(16, 16)]
            return (a00, a01, a10, a11)

        zero = jnp.zeros((16,), jnp.float32)
        a00, a01, a10, a11 = lax.fori_loop(
            0, HALF, hbody, (zero, zero, zero, zero), unroll=10)
        out_v[r, pl.ds(0, 16)] = a00 + a01
        out_v[r, pl.ds(16, 16)] = a10 + a11

    for j in range(NBUF):
        fire_idx(j, j)
    for j in range(NBUF - 1):
        wait_idx(j, j)
        fire_gather(j)

    @pl.loop(0, B_PER_W, step=NBUF)
    def ring_body(r0):
        for b in range(NBUF):
            r = r0 + b

            @pl.when(r + NBUF - 1 < B_PER_W)
            def _():
                wait_idx(r + NBUF - 1, (b + NBUF - 1) % NBUF)
                fire_gather((b + NBUF - 1) % NBUF)

            wait_gather(b)

            @pl.when(r + NBUF < B_PER_W)
            def _():
                fire_idx(r + NBUF, b)

            accumulate(b, r)

    pltpu.sync_copy(out_v, out_hbm.at[pl.ds(base, B_PER_W)])


def kernel(x, action_emb):
    x3 = x.astype(jnp.int32).reshape(BATCH, 2, HALF)
    return _sc_embed_sum(x3, action_emb)

# --- scband reference (transcript-rebuilt; emitter-appended) ---
"""Pipeline reference for scband-action-tokenized-embedding-13159779795577 (READ-ONLY COPY).

The authoritative reference and input builder live on the scoring server;
editing this copy changes nothing except your own understanding.
"""

import jax, jax.numpy as jnp
import numpy as np

TOKEN_SIZE = 100000
EMBED_DIM = 32
BATCH = 16384
HIST = 200

def setup_inputs(seed: int = 0) -> dict:
    key = jax.random.key(seed)
    k1, k2 = jax.random.split(key)
    x = jax.random.randint(k1, (BATCH, HIST), 0, TOKEN_SIZE, dtype=jnp.int64 if jax.config.jax_enable_x64 else jnp.int32)
    action_emb = jax.random.normal(k2, (TOKEN_SIZE, EMBED_DIM), dtype=jnp.float32)
    return {"x": x, "action_emb": action_emb}

def reference(x, action_emb):
    # nn.Embedding lookup: gather rows from the table
    emb = jnp.take(action_emb, x, axis=0)  # [B, HIST, EMBED_DIM]
    # pool_fn = torch.sum over dim=-2 (the history/token dimension)
    out = jnp.sum(emb, axis=-2)  # [B, EMBED_DIM]
    return out

if __name__ == "__main__":
    import jax
    _d = setup_inputs()
    print(jax.jit(kernel)(*tuple(_d.values())))

</pallas_src>

<mosaic_0001>
#map = affine_map<(d0, d1) -> (0, 0, 0)>
#map1 = affine_map<(d0, d1) -> (0, 0)>
module attributes {stable_mosaic.version = 14 : i64} {
  func.func @_sc_embed_sum(%arg0: i32, %arg1: i32, %arg2: memref<16384x2x100xi32, #tpu.memory_space<hbm>>, %arg3: memref<100000x32xf32, #tpu.memory_space<hbm>>, %arg4: memref<16384x32xf32, #tpu.memory_space<hbm>>, %arg5: memref<4x2x100xi32, #tpu.memory_space<vmem>>, %arg6: memref<4x2x100x32xf32, #tpu.memory_space<vmem>>, %arg7: memref<512x32xf32, #tpu.memory_space<vmem>>, %arg8: memref<!tpu.dma_semaphore, #tpu.memory_space<semaphore_mem>>, %arg9: memref<!tpu.dma_semaphore, #tpu.memory_space<semaphore_mem>>, %arg10: memref<!tpu.dma_semaphore, #tpu.memory_space<semaphore_mem>>, %arg11: memref<!tpu.dma_semaphore, #tpu.memory_space<semaphore_mem>>, %arg12: memref<!tpu.dma_semaphore, #tpu.memory_space<semaphore_mem>>) attributes {dimension_semantics = [#tpu.dimension_semantics<core_parallel>, #tpu.dimension_semantics<subcore_parallel>], iteration_bounds = array<i64: 2, 16>, scalar_prefetch = 0 : i64, scratch_operands = 8 : i64, tpu.core_type = #tpu.core_type<sc_vector_subcore>, window_params = [{transform_indices = #map}, {transform_indices = #map1}, {transform_indices = #map1}]} {
    %mul3A = arith.constant 2 : i32
    %mul3A_0 = arith.muli %arg1, %mul3A : i32
    %add3A = arith.addi %mul3A_0, %arg0 : i32
    %mul3A_1 = arith.constant 512 : i32
    %mul3A_2 = arith.muli %add3A, %mul3A_1 : i32
    %add3A_3 = arith.constant 0 : i32
    %add3A_4 = arith.addi %mul3A_2, %add3A_3 : i32
    %dma_start3A = arith.constant 0 : i32
    %dma_start3A_5 = arith.constant 0 : i32
    %dma_start3A_6 = arith.constant 0 : i32
    %dma_start3A_7 = tpu.memref_slice %arg5[%dma_start3A, %dma_start3A_5, %dma_start3A_6] : memref<4x2x100xi32, #tpu.memory_space<vmem>> -> memref<1x2x100xi32, #tpu.memory_space<vmem>>
    %dma_start3A_8 = tpu.memref_squeeze %dma_start3A_7 : memref<1x2x100xi32, #tpu.memory_space<vmem>> -> memref<2x100xi32, #tpu.memory_space<vmem>>
    %dma_start3A_9 = arith.constant 0 : i32
    %dma_start3A_10 = arith.constant 0 : i32
    %dma_start3A_11 = tpu.memref_slice %arg2[%add3A_4, %dma_start3A_9, %dma_start3A_10] : memref<16384x2x100xi32, #tpu.memory_space<hbm>> -> memref<1x2x100xi32, #tpu.memory_space<hbm>>
    %dma_start3A_12 = tpu.memref_squeeze %dma_start3A_11 : memref<1x2x100xi32, #tpu.memory_space<hbm>> -> memref<2x100xi32, #tpu.memory_space<hbm>>
    %dma_start3A_13 = arith.constant 0 : i32
    %dma_start3A_14 = arith.constant 0 : i32
    %dma_start3A_15 = tpu.memref_slice %arg5[%dma_start3A, %dma_start3A_13, %dma_start3A_14] : memref<4x2x100xi32, #tpu.memory_space<vmem>> -> memref<1x2x100xi32, #tpu.memory_space<vmem>>
    %dma_start3A_16 = tpu.memref_squeeze %dma_start3A_15 : memref<1x2x100xi32, #tpu.memory_space<vmem>> -> memref<2x100xi32, #tpu.memory_space<vmem>>
    %dma_start3A_17 = arith.constant 0 : i32
    %dma_start3A_18 = arith.constant 0 : i32
    %dma_start3A_19 = tpu.memref_slice %arg2[%add3A_4, %dma_start3A_17, %dma_start3A_18] : memref<16384x2x100xi32, #tpu.memory_space<hbm>> -> memref<1x2x100xi32, #tpu.memory_space<hbm>>
    %dma_start3A_20 = tpu.memref_squeeze %dma_start3A_19 : memref<1x2x100xi32, #tpu.memory_space<hbm>> -> memref<2x100xi32, #tpu.memory_space<hbm>>
    tpu.enqueue_dma source(%dma_start3A_20 : memref<2x100xi32, #tpu.memory_space<hbm>>) target(%dma_start3A_16 : memref<2x100xi32, #tpu.memory_space<vmem>>) target_semaphore(%arg8 : memref<!tpu.dma_semaphore, #tpu.memory_space<semaphore_mem>>)
    %add3A_21 = arith.constant 1 : i32
    %add3A_22 = arith.addi %mul3A_2, %add3A_21 : i32
    %dma_start3A_23 = arith.constant 1 : i32
    %dma_start3A_24 = arith.constant 0 : i32
    %dma_start3A_25 = arith.constant 0 : i32
    %dma_start3A_26 = tpu.memref_slice %arg5[%dma_start3A_23, %dma_start3A_24, %dma_start3A_25] : memref<4x2x100xi32, #tpu.memory_space<vmem>> -> memref<1x2x100xi32, #tpu.memory_space<vmem>>
    %dma_start3A_27 = tpu.memref_squeeze %dma_start3A_26 : memref<1x2x100xi32, #tpu.memory_space<vmem>> -> memref<2x100xi32, #tpu.memory_space<vmem>>
    %dma_start3A_28 = arith.constant 0 : i32
    %dma_start3A_29 = arith.constant 0 : i32
    %dma_start3A_30 = tpu.memref_slice %arg2[%add3A_22, %dma_start3A_28, %dma_start3A_29] : memref<16384x2x100xi32, #tpu.memory_space<hbm>> -> memref<1x2x100xi32, #tpu.memory_space<hbm>>
    %dma_start3A_31 = tpu.memref_squeeze %dma_start3A_30 : memref<1x2x100xi32, #tpu.memory_space<hbm>> -> memref<2x100xi32, #tpu.memory_space<hbm>>
    %dma_start3A_32 = arith.constant 0 : i32
    %dma_start3A_33 = arith.constant 0 : i32
    %dma_start3A_34 = tpu.memref_slice %arg5[%dma_start3A_23, %dma_start3A_32, %dma_start3A_33] : memref<4x2x100xi32, #tpu.memory_space<vmem>> -> memref<1x2x100xi32, #tpu.memory_space<vmem>>
    %dma_start3A_35 = tpu.memref_squeeze %dma_start3A_34 : memref<1x2x100xi32, #tpu.memory_space<vmem>> -> memref<2x100xi32, #tpu.memory_space<vmem>>
    %dma_start3A_36 = arith.constant 0 : i32
    %dma_start3A_37 = arith.constant 0 : i32
    %dma_start3A_38 = tpu.memref_slice %arg2[%add3A_22, %dma_start3A_36, %dma_start3A_37] : memref<16384x2x100xi32, #tpu.memory_space<hbm>> -> memref<1x2x100xi32, #tpu.memory_space<hbm>>
    %dma_start3A_39 = tpu.memref_squeeze %dma_start3A_38 : memref<1x2x100xi32, #tpu.memory_space<hbm>> -> memref<2x100xi32, #tpu.memory_space<hbm>>
    tpu.enqueue_dma source(%dma_start3A_39 : memref<2x100xi32, #tpu.memory_space<hbm>>) target(%dma_start3A_35 : memref<2x100xi32, #tpu.memory_space<vmem>>) target_semaphore(%arg8 : memref<!tpu.dma_semaphore, #tpu.memory_space<semaphore_mem>>)
    %add3A_40 = arith.constant 2 : i32
    %add3A_41 = arith.addi %mul3A_2, %add3A_40 : i32
    %dma_start3A_42 = arith.constant 2 : i32
    %dma_start3A_43 = arith.constant 0 : i32
    %dma_start3A_44 = arith.constant 0 : i32
    %dma_start3A_45 = tpu.memref_slice %arg5[%dma_start3A_42, %dma_start3A_43, %dma_start3A_44] : memref<4x2x100xi32, #tpu.memory_space<vmem>> -> memref<1x2x100xi32, #tpu.memory_space<vmem>>
    %dma_start3A_46 = tpu.memref_squeeze %dma_start3A_45 : memref<1x2x100xi32, #tpu.memory_space<vmem>> -> memref<2x100xi32, #tpu.memory_space<vmem>>
    %dma_start3A_47 = arith.constant 0 : i32
    %dma_start3A_48 = arith.constant 0 : i32
    %dma_start3A_49 = tpu.memref_slice %arg2[%add3A_41, %dma_start3A_47, %dma_start3A_48] : memref<16384x2x100xi32, #tpu.memory_space<hbm>> -> memref<1x2x100xi32, #tpu.memory_space<hbm>>
    %dma_start3A_50 = tpu.memref_squeeze %dma_start3A_49 : memref<1x2x100xi32, #tpu.memory_space<hbm>> -> memref<2x100xi32, #tpu.memory_space<hbm>>
    %dma_start3A_51 = arith.constant 0 : i32
    %dma_start3A_52 = arith.constant 0 : i32
    %dma_start3A_53 = tpu.memref_slice %arg5[%dma_start3A_42, %dma_start3A_51, %dma_start3A_52] : memref<4x2x100xi32, #tpu.memory_space<vmem>> -> memref<1x2x100xi32, #tpu.memory_space<vmem>>
    %dma_start3A_54 = tpu.memref_squeeze %dma_start3A_53 : memref<1x2x100xi32, #tpu.memory_space<vmem>> -> memref<2x100xi32, #tpu.memory_space<vmem>>
    %dma_start3A_55 = arith.constant 0 : i32
    %dma_start3A_56 = arith.constant 0 : i32
    %dma_start3A_57 = tpu.memref_slice %arg2[%add3A_41, %dma_start3A_55, %dma_start3A_56] : memref<16384x2x100xi32, #tpu.memory_space<hbm>> -> memref<1x2x100xi32, #tpu.memory_space<hbm>>
    %dma_start3A_58 = tpu.memref_squeeze %dma_start3A_57 : memref<1x2x100xi32, #tpu.memory_space<hbm>> -> memref<2x100xi32, #tpu.memory_space<hbm>>
    tpu.enqueue_dma source(%dma_start3A_58 : memref<2x100xi32, #tpu.memory_space<hbm>>) target(%dma_start3A_54 : memref<2x100xi32, #tpu.memory_space<vmem>>) target_semaphore(%arg8 : memref<!tpu.dma_semaphore, #tpu.memory_space<semaphore_mem>>)
    %add3A_59 = arith.constant 3 : i32
    %add3A_60 = arith.addi %mul3A_2, %add3A_59 : i32
    %dma_start3A_61 = arith.constant 3 : i32
    %dma_start3A_62 = arith.constant 0 : i32
    %dma_start3A_63 = arith.constant 0 : i32
    %dma_start3A_64 = tpu.memref_slice %arg5[%dma_start3A_61, %dma_start3A_62, %dma_start3A_63] : memref<4x2x100xi32, #tpu.memory_space<vmem>> -> memref<1x2x100xi32, #tpu.memory_space<vmem>>
    %dma_start3A_65 = tpu.memref_squeeze %dma_start3A_64 : memref<1x2x100xi32, #tpu.memory_space<vmem>> -> memref<2x100xi32, #tpu.memory_space<vmem>>
    %dma_start3A_66 = arith.constant 0 : i32
    %dma_start3A_67 = arith.constant 0 : i32
    %dma_start3A_68 = tpu.memref_slice %arg2[%add3A_60, %dma_start3A_66, %dma_start3A_67] : memref<16384x2x100xi32, #tpu.memory_space<hbm>> -> memref<1x2x100xi32, #tpu.memory_space<hbm>>
    %dma_start3A_69 = tpu.memref_squeeze %dma_start3A_68 : memref<1x2x100xi32, #tpu.memory_space<hbm>> -> memref<2x100xi32, #tpu.memory_space<hbm>>
    %dma_start3A_70 = arith.constant 0 : i32
    %dma_start3A_71 = arith.constant 0 : i32
    %dma_start3A_72 = tpu.memref_slice %arg5[%dma_start3A_61, %dma_start3A_70, %dma_start3A_71] : memref<4x2x100xi32, #tpu.memory_space<vmem>> -> memref<1x2x100xi32, #tpu.memory_space<vmem>>
    %dma_start3A_73 = tpu.memref_squeeze %dma_start3A_72 : memref<1x2x100xi32, #tpu.memory_space<vmem>> -> memref<2x100xi32, #tpu.memory_space<vmem>>
    %dma_start3A_74 = arith.constant 0 : i32
    %dma_start3A_75 = arith.constant 0 : i32
    %dma_start3A_76 = tpu.memref_slice %arg2[%add3A_60, %dma_start3A_74, %dma_start3A_75] : memref<16384x2x100xi32, #tpu.memory_space<hbm>> -> memref<1x2x100xi32, #tpu.memory_space<hbm>>
    %dma_start3A_77 = tpu.memref_squeeze %dma_start3A_76 : memref<1x2x100xi32, #tpu.memory_space<hbm>> -> memref<2x100xi32, #tpu.memory_space<hbm>>
    tpu.enqueue_dma source(%dma_start3A_77 : memref<2x100xi32, #tpu.memory_space<hbm>>) target(%dma_start3A_73 : memref<2x100xi32, #tpu.memory_space<vmem>>) target_semaphore(%arg8 : memref<!tpu.dma_semaphore, #tpu.memory_space<semaphore_mem>>)
    %add3A_78 = arith.constant 0 : i32
    %add3A_79 = arith.addi %mul3A_2, %add3A_78 : i32
    %dma_wait3A = arith.constant 0 : i32
    %dma_wait3A_80 = arith.constant 0 : i32
    %dma_wait3A_81 = arith.constant 0 : i32
    %dma_wait3A_82 = tpu.memref_slice %arg5[%dma_wait3A, %dma_wait3A_80, %dma_wait3A_81] : memref<4x2x100xi32, #tpu.memory_space<vmem>> -> memref<1x2x100xi32, #tpu.memory_space<vmem>>
    %dma_wait3A_83 = tpu.memref_squeeze %dma_wait3A_82 : memref<1x2x100xi32, #tpu.memory_space<vmem>> -> memref<2x100xi32, #tpu.memory_space<vmem>>
    %dma_wait3A_84 = arith.constant 0 : i32
    %dma_wait3A_85 = arith.constant 0 : i32
    %dma_wait3A_86 = tpu.memref_slice %arg2[%add3A_79, %dma_wait3A_84, %dma_wait3A_85] : memref<16384x2x100xi32, #tpu.memory_space<hbm>> -> memref<1x2x100xi32, #tpu.memory_space<hbm>>
    %dma_wait3A_87 = tpu.memref_squeeze %dma_wait3A_86 : memref<1x2x100xi32, #tpu.memory_space<hbm>> -> memref<2x100xi32, #tpu.memory_space<hbm>>
    %dma_wait3A_88 = arith.constant 0 : i32
    %dma_wait3A_89 = arith.constant 0 : i32
    %dma_wait3A_90 = tpu.memref_slice %arg5[%dma_wait3A, %dma_wait3A_88, %dma_wait3A_89] : memref<4x2x100xi32, #tpu.memory_space<vmem>> -> memref<1x2x100xi32, #tpu.memory_space<vmem>>
    %dma_wait3A_91 = tpu.memref_squeeze %dma_wait3A_90 : memref<1x2x100xi32, #tpu.memory_space<vmem>> -> memref<2x100xi32, #tpu.memory_space<vmem>>
    %dma_wait3A_92 = arith.constant 0 : i32
    %dma_wait3A_93 = arith.constant 0 : i32
    %dma_wait3A_94 = tpu.memref_slice %arg2[%add3A_79, %dma_wait3A_92, %dma_wait3A_93] : memref<16384x2x100xi32, #tpu.memory_space<hbm>> -> memref<1x2x100xi32, #tpu.memory_space<hbm>>
    %dma_wait3A_95 = tpu.memref_squeeze %dma_wait3A_94 : memref<1x2x100xi32, #tpu.memory_space<hbm>> -> memref<2x100xi32, #tpu.memory_space<hbm>>
    tpu.wait_dma2 semaphore(%arg8 : memref<!tpu.dma_semaphore, #tpu.memory_space<semaphore_mem>>) src(%dma_wait3A_95 : memref<2x100xi32, #tpu.memory_space<hbm>>) dst(%dma_wait3A_91 : memref<2x100xi32, #tpu.memory_space<vmem>>)
    %dma_start3A_96 = arith.constant 0 : i32
    %dma_start3A_97 = arith.constant 0 : i32
    %dma_start3A_98 = arith.constant 0 : i32
    %dma_start3A_99 = arith.constant 0 : i32
    %dma_start3A_100 = arith.constant 0 : i32
    %dma_start3A_101 = arith.constant 0 : i32
    %dma_start3A_102 = tpu.memref_slice %arg6[%dma_start3A_98, %dma_start3A_99, %dma_start3A_100, %dma_start3A_101] : memref<4x2x100x32xf32, #tpu.memory_space<vmem>> -> memref<1x1x100x32xf32, #tpu.memory_space<vmem>>
    %dma_start3A_103 = tpu.memref_squeeze %dma_start3A_102 : memref<1x1x100x32xf32, #tpu.memory_space<vmem>> -> memref<100x32xf32, #tpu.memory_space<vmem>>
    %dma_start3A_104 = arith.constant 0 : i32
    %dma_start3A_105 = tpu.memref_slice %arg5[%dma_start3A_96, %dma_start3A_97, %dma_start3A_104] : memref<4x2x100xi32, #tpu.memory_space<vmem>> -> memref<1x1x100xi32, #tpu.memory_space<vmem>>
    %dma_start3A_106 = tpu.memref_squeeze %dma_start3A_105 : memref<1x1x100xi32, #tpu.memory_space<vmem>> -> memref<100xi32, #tpu.memory_space<vmem>>
    %dma_start3A_107 = arith.constant 0 : i32
    %dma_start3A_108 = arith.constant 0 : i32
    %dma_start3A_109 = tpu.memref_slice %arg3[%dma_start3A_107, %dma_start3A_108] : memref<100000x32xf32, #tpu.memory_space<hbm>> -> memref<100000x32xf32, #tpu.memory_space<hbm>>
    tpu.enqueue_indirect_dma source(%dma_start3A_109 : memref<100000x32xf32, #tpu.memory_space<hbm>>) target(%dma_start3A_103 : memref<100x32xf32, #tpu.memory_space<vmem>>) offsets(%dma_start3A_106 : memref<100xi32, #tpu.memory_space<vmem>>) semaphore(%arg9 : memref<!tpu.dma_semaphore, #tpu.memory_space<semaphore_mem>>)
    %dma_start3A_110 = arith.constant 0 : i32
    %dma_start3A_111 = arith.constant 1 : i32
    %dma_start3A_112 = arith.constant 0 : i32
    %dma_start3A_113 = arith.constant 1 : i32
    %dma_start3A_114 = arith.constant 0 : i32
    %dma_start3A_115 = arith.constant 0 : i32
    %dma_start3A_116 = tpu.memref_slice %arg6[%dma_start3A_112, %dma_start3A_113, %dma_start3A_114, %dma_start3A_115] : memref<4x2x100x32xf32, #tpu.memory_space<vmem>> -> memref<1x1x100x32xf32, #tpu.memory_space<vmem>>
    %dma_start3A_117 = tpu.memref_squeeze %dma_start3A_116 : memref<1x1x100x32xf32, #tpu.memory_space<vmem>> -> memref<100x32xf32, #tpu.memory_space<vmem>>
    %dma_start3A_118 = arith.constant 0 : i32
    %dma_start3A_119 = tpu.memref_slice %arg5[%dma_start3A_110, %dma_start3A_111, %dma_start3A_118] : memref<4x2x100xi32, #tpu.memory_space<vmem>> -> memref<1x1x100xi32, #tpu.memory_space<vmem>>
    %dma_start3A_120 = tpu.memref_squeeze %dma_start3A_119 : memref<1x1x100xi32, #tpu.memory_space<vmem>> -> memref<100xi32, #tpu.memory_space<vmem>>
    %dma_start3A_121 = arith.constant 0 : i32
    %dma_start3A_122 = arith.constant 0 : i32
    %dma_start3A_123 = tpu.memref_slice %arg3[%dma_start3A_121, %dma_start3A_122] : memref<100000x32xf32, #tpu.memory_space<hbm>> -> memref<100000x32xf32, #tpu.memory_space<hbm>>
    tpu.enqueue_indirect_dma source(%dma_start3A_123 : memref<100000x32xf32, #tpu.memory_space<hbm>>) target(%dma_start3A_117 : memref<100x32xf32, #tpu.memory_space<vmem>>) offsets(%dma_start3A_120 : memref<100xi32, #tpu.memory_space<vmem>>) semaphore(%arg9 : memref<!tpu.dma_semaphore, #tpu.memory_space<semaphore_mem>>)
    %add3A_124 = arith.constant 1 : i32
    %add3A_125 = arith.addi %mul3A_2, %add3A_124 : i32
    %dma_wait3A_126 = arith.constant 1 : i32
    %dma_wait3A_127 = arith.constant 0 : i32
    %dma_wait3A_128 = arith.constant 0 : i32
    %dma_wait3A_129 = tpu.memref_slice %arg5[%dma_wait3A_126, %dma_wait3A_127, %dma_wait3A_128] : memref<4x2x100xi32, #tpu.memory_space<vmem>> -> memref<1x2x100xi32, #tpu.memory_space<vmem>>
    %dma_wait3A_130 = tpu.memref_squeeze %dma_wait3A_129 : memref<1x2x100xi32, #tpu.memory_space<vmem>> -> memref<2x100xi32, #tpu.memory_space<vmem>>
    %dma_wait3A_131 = arith.constant 0 : i32
    %dma_wait3A_132 = arith.constant 0 : i32
    %dma_wait3A_133 = tpu.memref_slice %arg2[%add3A_125, %dma_wait3A_131, %dma_wait3A_132] : memref<16384x2x100xi32, #tpu.memory_space<hbm>> -> memref<1x2x100xi32, #tpu.memory_space<hbm>>
    %dma_wait3A_134 = tpu.memref_squeeze %dma_wait3A_133 : memref<1x2x100xi32, #tpu.memory_space<hbm>> -> memref<2x100xi32, #tpu.memory_space<hbm>>
    %dma_wait3A_135 = arith.constant 0 : i32
    %dma_wait3A_136 = arith.constant 0 : i32
    %dma_wait3A_137 = tpu.memref_slice %arg5[%dma_wait3A_126, %dma_wait3A_135, %dma_wait3A_136] : memref<4x2x100xi32, #tpu.memory_space<vmem>> -> memref<1x2x100xi32, #tpu.memory_space<vmem>>
    %dma_wait3A_138 = tpu.memref_squeeze %dma_wait3A_137 : memref<1x2x100xi32, #tpu.memory_space<vmem>> -> memref<2x100xi32, #tpu.memory_space<vmem>>
    %dma_wait3A_139 = arith.constant 0 : i32
    %dma_wait3A_140 = arith.constant 0 : i32
    %dma_wait3A_141 = tpu.memref_slice %arg2[%add3A_125, %dma_wait3A_139, %dma_wait3A_140] : memref<16384x2x100xi32, #tpu.memory_space<hbm>> -> memref<1x2x100xi32, #tpu.memory_space<hbm>>
    %dma_wait3A_142 = tpu.memref_squeeze %dma_wait3A_141 : memref<1x2x100xi32, #tpu.memory_space<hbm>> -> memref<2x100xi32, #tpu.memory_space<hbm>>
    tpu.wait_dma2 semaphore(%arg8 : memref<!tpu.dma_semaphore, #tpu.memory_space<semaphore_mem>>) src(%dma_wait3A_142 : memref<2x100xi32, #tpu.memory_space<hbm>>) dst(%dma_wait3A_138 : memref<2x100xi32, #tpu.memory_space<vmem>>)
    %dma_start3A_143 = arith.constant 1 : i32
    %dma_start3A_144 = arith.constant 0 : i32
    %dma_start3A_145 = arith.constant 1 : i32
    %dma_start3A_146 = arith.constant 0 : i32
    %dma_start3A_147 = arith.constant 0 : i32
    %dma_start3A_148 = arith.constant 0 : i32
    %dma_start3A_149 = tpu.memref_slice %arg6[%dma_start3A_145, %dma_start3A_146, %dma_start3A_147, %dma_start3A_148] : memref<4x2x100x32xf32, #tpu.memory_space<vmem>> -> memref<1x1x100x32xf32, #tpu.memory_space<vmem>>
    %dma_start3A_150 = tpu.memref_squeeze %dma_start3A_149 : memref<1x1x100x32xf32, #tpu.memory_space<vmem>> -> memref<100x32xf32, #tpu.memory_space<vmem>>
    %dma_start3A_151 = arith.constant 0 : i32
    %dma_start3A_152 = tpu.memref_slice %arg5[%dma_start3A_143, %dma_start3A_144, %dma_start3A_151] : memref<4x2x100xi32, #tpu.memory_space<vmem>> -> memref<1x1x100xi32, #tpu.memory_space<vmem>>
    %dma_start3A_153 = tpu.memref_squeeze %dma_start3A_152 : memref<1x1x100xi32, #tpu.memory_space<vmem>> -> memref<100xi32, #tpu.memory_space<vmem>>
    %dma_start3A_154 = arith.constant 0 : i32
    %dma_start3A_155 = arith.constant 0 : i32
    %dma_start3A_156 = tpu.memref_slice %arg3[%dma_start3A_154, %dma_start3A_155] : memref<100000x32xf32, #tpu.memory_space<hbm>> -> memref<100000x32xf32, #tpu.memory_space<hbm>>
    tpu.enqueue_indirect_dma source(%dma_start3A_156 : memref<100000x32xf32, #tpu.memory_space<hbm>>) target(%dma_start3A_150 : memref<100x32xf32, #tpu.memory_space<vmem>>) offsets(%dma_start3A_153 : memref<100xi32, #tpu.memory_space<vmem>>) semaphore(%arg10 : memref<!tpu.dma_semaphore, #tpu.memory_space<semaphore_mem>>)
    %dma_start3A_157 = arith.constant 1 : i32
    %dma_start3A_158 = arith.constant 1 : i32
    %dma_start3A_159 = arith.constant 1 : i32
    %dma_start3A_160 = arith.constant 1 : i32
    %dma_start3A_161 = arith.constant 0 : i32
    %dma_start3A_162 = arith.constant 0 : i32
    %dma_start3A_163 = tpu.memref_slice %arg6[%dma_start3A_159, %dma_start3A_160, %dma_start3A_161, %dma_start3A_162] : memref<4x2x100x32xf32, #tpu.memory_space<vmem>> -> memref<1x1x100x32xf32, #tpu.memory_space<vmem>>
    %dma_start3A_164 = tpu.memref_squeeze %dma_start3A_163 : memref<1x1x100x32xf32, #tpu.memory_space<vmem>> -> memref<100x32xf32, #tpu.memory_space<vmem>>
    %dma_start3A_165 = arith.constant 0 : i32
    %dma_start3A_166 = tpu.memref_slice %arg5[%dma_start3A_157, %dma_start3A_158, %dma_start3A_165] : memref<4x2x100xi32, #tpu.memory_space<vmem>> -> memref<1x1x100xi32, #tpu.memory_space<vmem>>
    %dma_start3A_167 = tpu.memref_squeeze %dma_start3A_166 : memref<1x1x100xi32, #tpu.memory_space<vmem>> -> memref<100xi32, #tpu.memory_space<vmem>>
    %dma_start3A_168 = arith.constant 0 : i32
    %dma_start3A_169 = arith.constant 0 : i32
    %dma_start3A_170 = tpu.memref_slice %arg3[%dma_start3A_168, %dma_start3A_169] : memref<100000x32xf32, #tpu.memory_space<hbm>> -> memref<100000x32xf32, #tpu.memory_space<hbm>>
    tpu.enqueue_indirect_dma source(%dma_start3A_170 : memref<100000x32xf32, #tpu.memory_space<hbm>>) target(%dma_start3A_164 : memref<100x32xf32, #tpu.memory_space<vmem>>) offsets(%dma_start3A_167 : memref<100xi32, #tpu.memory_space<vmem>>) semaphore(%arg10 : memref<!tpu.dma_semaphore, #tpu.memory_space<semaphore_mem>>)
    %add3A_171 = arith.constant 2 : i32
    %add3A_172 = arith.addi %mul3A_2, %add3A_171 : i32
    %dma_wait3A_173 = arith.constant 2 : i32
    %dma_wait3A_174 = arith.constant 0 : i32
    %dma_wait3A_175 = arith.constant 0 : i32
    %dma_wait3A_176 = tpu.memref_slice %arg5[%dma_wait3A_173, %dma_wait3A_174, %dma_wait3A_175] : memref<4x2x100xi32, #tpu.memory_space<vmem>> -> memref<1x2x100xi32, #tpu.memory_space<vmem>>
    %dma_wait3A_177 = tpu.memref_squeeze %dma_wait3A_176 : memref<1x2x100xi32, #tpu.memory_space<vmem>> -> memref<2x100xi32, #tpu.memory_space<vmem>>
    %dma_wait3A_178 = arith.constant 0 : i32
    %dma_wait3A_179 = arith.constant 0 : i32
    %dma_wait3A_180 = tpu.memref_slice %arg2[%add3A_172, %dma_wait3A_178, %dma_wait3A_179] : memref<16384x2x100xi32, #tpu.memory_space<hbm>> -> memref<1x2x100xi32, #tpu.memory_space<hbm>>
    %dma_wait3A_181 = tpu.memref_squeeze %dma_wait3A_180 : memref<1x2x100xi32, #tpu.memory_space<hbm>> -> memref<2x100xi32, #tpu.memory_space<hbm>>
    %dma_wait3A_182 = arith.constant 0 : i32
    %dma_wait3A_183 = arith.constant 0 : i32
    %dma_wait3A_184 = tpu.memref_slice %arg5[%dma_wait3A_173, %dma_wait3A_182, %dma_wait3A_183] : memref<4x2x100xi32, #tpu.memory_space<vmem>> -> memref<1x2x100xi32, #tpu.memory_space<vmem>>
    %dma_wait3A_185 = tpu.memref_squeeze %dma_wait3A_184 : memref<1x2x100xi32, #tpu.memory_space<vmem>> -> memref<2x100xi32, #tpu.memory_space<vmem>>
    %dma_wait3A_186 = arith.constant 0 : i32
    %dma_wait3A_187 = arith.constant 0 : i32
    %dma_wait3A_188 = tpu.memref_slice %arg2[%add3A_172, %dma_wait3A_186, %dma_wait3A_187] : memref<16384x2x100xi32, #tpu.memory_space<hbm>> -> memref<1x2x100xi32, #tpu.memory_space<hbm>>
    %dma_wait3A_189 = tpu.memref_squeeze %dma_wait3A_188 : memref<1x2x100xi32, #tpu.memory_space<hbm>> -> memref<2x100xi32, #tpu.memory_space<hbm>>
    tpu.wait_dma2 semaphore(%arg8 : memref<!tpu.dma_semaphore, #tpu.memory_space<semaphore_mem>>) src(%dma_wait3A_189 : memref<2x100xi32, #tpu.memory_space<hbm>>) dst(%dma_wait3A_185 : memref<2x100xi32, #tpu.memory_space<vmem>>)
    %dma_start3A_190 = arith.constant 2 : i32
    %dma_start3A_191 = arith.constant 0 : i32
    %dma_start3A_192 = arith.constant 2 : i32
    %dma_start3A_193 = arith.constant 0 : i32
    %dma_start3A_194 = arith.constant 0 : i32
    %dma_start3A_195 = arith.constant 0 : i32
    %dma_start3A_196 = tpu.memref_slice %arg6[%dma_start3A_192, %dma_start3A_193, %dma_start3A_194, %dma_start3A_195] : memref<4x2x100x32xf32, #tpu.memory_space<vmem>> -> memref<1x1x100x32xf32, #tpu.memory_space<vmem>>
    %dma_start3A_197 = tpu.memref_squeeze %dma_start3A_196 : memref<1x1x100x32xf32, #tpu.memory_space<vmem>> -> memref<100x32xf32, #tpu.memory_space<vmem>>
    %dma_start3A_198 = arith.constant 0 : i32
    %dma_start3A_199 = tpu.memref_slice %arg5[%dma_start3A_190, %dma_start3A_191, %dma_start3A_198] : memref<4x2x100xi32, #tpu.memory_space<vmem>> -> memref<1x1x100xi32, #tpu.memory_space<vmem>>
    %dma_start3A_200 = tpu.memref_squeeze %dma_start3A_199 : memref<1x1x100xi32, #tpu.memory_space<vmem>> -> memref<100xi32, #tpu.memory_space<vmem>>
    %dma_start3A_201 = arith.constant 0 : i32
    %dma_start3A_202 = arith.constant 0 : i32
    %dma_start3A_203 = tpu.memref_slice %arg3[%dma_start3A_201, %dma_start3A_202] : memref<100000x32xf32, #tpu.memory_space<hbm>> -> memref<100000x32xf32, #tpu.memory_space<hbm>>
    tpu.enqueue_indirect_dma source(%dma_start3A_203 : memref<100000x32xf32, #tpu.memory_space<hbm>>) target(%dma_start3A_197 : memref<100x32xf32, #tpu.memory_space<vmem>>) offsets(%dma_start3A_200 : memref<100xi32, #tpu.memory_space<vmem>>) semaphore(%arg11 : memref<!tpu.dma_semaphore, #tpu.memory_space<semaphore_mem>>)
    %dma_start3A_204 = arith.constant 2 : i32
    %dma_start3A_205 = arith.constant 1 : i32
    %dma_start3A_206 = arith.constant 2 : i32
    %dma_start3A_207 = arith.constant 1 : i32
    %dma_start3A_208 = arith.constant 0 : i32
    %dma_start3A_209 = arith.constant 0 : i32
    %dma_start3A_210 = tpu.memref_slice %arg6[%dma_start3A_206, %dma_start3A_207, %dma_start3A_208, %dma_start3A_209] : memref<4x2x100x32xf32, #tpu.memory_space<vmem>> -> memref<1x1x100x32xf32, #tpu.memory_space<vmem>>
    %dma_start3A_211 = tpu.memref_squeeze %dma_start3A_210 : memref<1x1x100x32xf32, #tpu.memory_space<vmem>> -> memref<100x32xf32, #tpu.memory_space<vmem>>
    %dma_start3A_212 = arith.constant 0 : i32
    %dma_start3A_213 = tpu.memref_slice %arg5[%dma_start3A_204, %dma_start3A_205, %dma_start3A_212] : memref<4x2x100xi32, #tpu.memory_space<vmem>> -> memref<1x1x100xi32, #tpu.memory_space<vmem>>
    %dma_start3A_214 = tpu.memref_squeeze %dma_start3A_213 : memref<1x1x100xi32, #tpu.memory_space<vmem>> -> memref<100xi32, #tpu.memory_space<vmem>>
    %dma_start3A_215 = arith.constant 0 : i32
    %dma_start3A_216 = arith.constant 0 : i32
    %dma_start3A_217 = tpu.memref_slice %arg3[%dma_start3A_215, %dma_start3A_216] : memref<100000x32xf32, #tpu.memory_space<hbm>> -> memref<100000x32xf32, #tpu.memory_space<hbm>>
    tpu.enqueue_indirect_dma source(%dma_start3A_217 : memref<100000x32xf32, #tpu.memory_space<hbm>>) target(%dma_start3A_211 : memref<100x32xf32, #tpu.memory_space<vmem>>) offsets(%dma_start3A_214 : memref<100xi32, #tpu.memory_space<vmem>>) semaphore(%arg11 : memref<!tpu.dma_semaphore, #tpu.memory_space<semaphore_mem>>)
    %scan3A = arith.constant 0 : i32
    %scan3A_218 = arith.constant 128 : i32
    %scan3A_219 = arith.addi %scan3A, %scan3A_218 : i32
    %scan3A_220 = arith.constant 1 : i32
    scf.for %scan3A_222 = %scan3A to %scan3A_219 step %scan3A_220  : i32 {
      %mul3A_223 = arith.constant 4 : i32
      %mul3A_224 = arith.muli %scan3A_222, %mul3A_223 : i32
      %add3A_225 = arith.constant 0 : i32
      %add3A_226 = arith.addi %add3A_225, %mul3A_224 : i32
      %add3A_227 = arith.constant 0 : i32
      %add3A_228 = arith.addi %add3A_226, %add3A_227 : i32
      %add3A_229 = arith.constant 4 : i32
      %add3A_230 = arith.addi %add3A_228, %add3A_229 : i32
      %sub3A = arith.constant 1 : i32
      %sub3A_231 = arith.subi %add3A_230, %sub3A : i32
      %lt3A = arith.constant 512 : i32
      %lt3A_232 = arith.cmpi slt, %sub3A_231, %lt3A : i32
      %convert_element_type3A = arith.extui %lt3A_232 : i1 to i32
      %cond3A = arith.constant 0 : i32
      %cond3A_233 = arith.cmpi ne, %convert_element_type3A, %cond3A : i32
      scf.if %cond3A_233 {
        %add3A_485 = arith.constant 4 : i32
        %add3A_486 = arith.addi %add3A_228, %add3A_485 : i32
        %sub3A_487 = arith.constant 1 : i32
        %sub3A_488 = arith.subi %add3A_486, %sub3A_487 : i32
        %add3A_489 = arith.addi %mul3A_2, %sub3A_488 : i32
        %dma_wait3A_490 = arith.constant 3 : i32
        %dma_wait3A_491 = arith.constant 0 : i32
        %dma_wait3A_492 = arith.constant 0 : i32
        %dma_wait3A_493 = tpu.memref_slice %arg5[%dma_wait3A_490, %dma_wait3A_491, %dma_wait3A_492] : memref<4x2x100xi32, #tpu.memory_space<vmem>> -> memref<1x2x100xi32, #tpu.memory_space<vmem>>
        %dma_wait3A_494 = tpu.memref_squeeze %dma_wait3A_493 : memref<1x2x100xi32, #tpu.memory_space<vmem>> -> memref<2x100xi32, #tpu.memory_space<vmem>>
        %dma_wait3A_495 = arith.constant 0 : i32
        %dma_wait3A_496 = arith.constant 0 : i32
        %dma_wait3A_497 = tpu.memref_slice %arg2[%add3A_489, %dma_wait3A_495, %dma_wait3A_496] : memref<16384x2x100xi32, #tpu.memory_space<hbm>> -> memref<1x2x100xi32, #tpu.memory_space<hbm>>
        %dma_wait3A_498 = tpu.memref_squeeze %dma_wait3A_497 : memref<1x2x100xi32, #tpu.memory_space<hbm>> -> memref<2x100xi32, #tpu.memory_space<hbm>>
        %dma_wait3A_499 = arith.constant 0 : i32
        %dma_wait3A_500 = arith.constant 0 : i32
        %dma_wait3A_501 = tpu.memref_slice %arg5[%dma_wait3A_490, %dma_wait3A_499, %dma_wait3A_500] : memref<4x2x100xi32, #tpu.memory_space<vmem>> -> memref<1x2x100xi32, #tpu.memory_space<vmem>>
        %dma_wait3A_502 = tpu.memref_squeeze %dma_wait3A_501 : memref<1x2x100xi32, #tpu.memory_space<vmem>> -> memref<2x100xi32, #tpu.memory_space<vmem>>
        %dma_wait3A_503 = arith.constant 0 : i32
        %dma_wait3A_504 = arith.constant 0 : i32
        %dma_wait3A_505 = tpu.memref_slice %arg2[%add3A_489, %dma_wait3A_503, %dma_wait3A_504] : memref<16384x2x100xi32, #tpu.memory_space<hbm>> -> memref<1x2x100xi32, #tpu.memory_space<hbm>>
        %dma_wait3A_506 = tpu.memref_squeeze %dma_wait3A_505 : memref<1x2x100xi32, #tpu.memory_space<hbm>> -> memref<2x100xi32, #tpu.memory_space<hbm>>
        tpu.wait_dma2 semaphore(%arg8 : memref<!tpu.dma_semaphore, #tpu.memory_space<semaphore_mem>>) src(%dma_wait3A_506 : memref<2x100xi32, #tpu.memory_space<hbm>>) dst(%dma_wait3A_502 : memref<2x100xi32, #tpu.memory_space<vmem>>)
        %dma_start3A_507 = arith.constant 3 : i32
        %dma_start3A_508 = arith.constant 0 : i32
        %dma_start3A_509 = arith.constant 3 : i32
        %dma_start3A_510 = arith.constant 0 : i32
        %dma_start3A_511 = arith.constant 0 : i32
        %dma_start3A_512 = arith.constant 0 : i32
        %dma_start3A_513 = tpu.memref_slice %arg6[%dma_start3A_509, %dma_start3A_510, %dma_start3A_511, %dma_start3A_512] : memref<4x2x100x32xf32, #tpu.memory_space<vmem>> -> memref<1x1x100x32xf32, #tpu.memory_space<vmem>>
        %dma_start3A_514 = tpu.memref_squeeze %dma_start3A_513 : memref<1x1x100x32xf32, #tpu.memory_space<vmem>> -> memref<100x32xf32, #tpu.memory_space<vmem>>
        %dma_start3A_515 = arith.constant 0 : i32
        %dma_start3A_516 = tpu.memref_slice %arg5[%dma_start3A_507, %dma_start3A_508, %dma_start3A_515] : memref<4x2x100xi32, #tpu.memory_space<vmem>> -> memref<1x1x100xi32, #tpu.memory_space<vmem>>
        %dma_start3A_517 = tpu.memref_squeeze %dma_start3A_516 : memref<1x1x100xi32, #tpu.memory_space<vmem>> -> memref<100xi32, #tpu.memory_space<vmem>>
        %dma_start3A_518 = arith.constant 0 : i32
        %dma_start3A_519 = arith.constant 0 : i32
        %dma_start3A_520 = tpu.memref_slice %arg3[%dma_start3A_518, %dma_start3A_519] : memref<100000x32xf32, #tpu.memory_space<hbm>> -> memref<100000x32xf32, #tpu.memory_space<hbm>>
        tpu.enqueue_indirect_dma source(%dma_start3A_520 : memref<100000x32xf32, #tpu.memory_space<hbm>>) target(%dma_start3A_514 : memref<100x32xf32, #tpu.memory_space<vmem>>) offsets(%dma_start3A_517 : memref<100xi32, #tpu.memory_space<vmem>>) semaphore(%arg12 : memref<!tpu.dma_semaphore, #tpu.memory_space<semaphore_mem>>)
        %dma_start3A_521 = arith.constant 3 : i32
        %dma_start3A_522 = arith.constant 1 : i32
        %dma_start3A_523 = arith.constant 3 : i32
        %dma_start3A_524 = arith.constant 1 : i32
        %dma_start3A_525 = arith.constant 0 : i32
        %dma_start3A_526 = arith.constant 0 : i32
        %dma_start3A_527 = tpu.memref_slice %arg6[%dma_start3A_523, %dma_start3A_524, %dma_start3A_525, %dma_start3A_526] : memref<4x2x100x32xf32, #tpu.memory_space<vmem>> -> memref<1x1x100x32xf32, #tpu.memory_space<vmem>>
        %dma_start3A_528 = tpu.memref_squeeze %dma_start3A_527 : memref<1x1x100x32xf32, #tpu.memory_space<vmem>> -> memref<100x32xf32, #tpu.memory_space<vmem>>
        %dma_start3A_529 = arith.constant 0 : i32
        %dma_start3A_530 = tpu.memref_slice %arg5[%dma_start3A_521, %dma_start3A_522, %dma_start3A_529] : memref<4x2x100xi32, #tpu.memory_space<vmem>> -> memref<1x1x100xi32, #tpu.memory_space<vmem>>
        %dma_start3A_531 = tpu.memref_squeeze %dma_start3A_530 : memref<1x1x100xi32, #tpu.memory_space<vmem>> -> memref<100xi32, #tpu.memory_space<vmem>>
        %dma_start3A_532 = arith.constant 0 : i32
        %dma_start3A_533 = arith.constant 0 : i32
        %dma_start3A_534 = tpu.memref_slice %arg3[%dma_start3A_532, %dma_start3A_533] : memref<100000x32xf32, #tpu.memory_space<hbm>> -> memref<100000x32xf32, #tpu.memory_space<hbm>>
        tpu.enqueue_indirect_dma source(%dma_start3A_534 : memref<100000x32xf32, #tpu.memory_space<hbm>>) target(%dma_start3A_528 : memref<100x32xf32, #tpu.memory_space<vmem>>) offsets(%dma_start3A_531 : memref<100xi32, #tpu.memory_space<vmem>>) semaphore(%arg12 : memref<!tpu.dma_semaphore, #tpu.memory_space<semaphore_mem>>)
      } else {
      }
      %dma_wait3A_234 = arith.constant 0 : i32
      %dma_wait3A_235 = arith.constant 0 : i32
      %dma_wait3A_236 = arith.constant 0 : i32
      %dma_wait3A_237 = arith.constant 0 : i32
      %dma_wait3A_238 = arith.constant 0 : i32
      %dma_wait3A_239 = arith.constant 0 : i32
      %dma_wait3A_240 = tpu.memref_slice %arg6[%dma_wait3A_236, %dma_wait3A_237, %dma_wait3A_238, %dma_wait3A_239] : memref<4x2x100x32xf32, #tpu.memory_space<vmem>> -> memref<1x1x100x32xf32, #tpu.memory_space<vmem>>
      %dma_wait3A_241 = tpu.memref_squeeze %dma_wait3A_240 : memref<1x1x100x32xf32, #tpu.memory_space<vmem>> -> memref<100x32xf32, #tpu.memory_space<vmem>>
      %dma_wait3A_242 = arith.constant 0 : i32
      %dma_wait3A_243 = tpu.memref_slice %arg5[%dma_wait3A_234, %dma_wait3A_235, %dma_wait3A_242] : memref<4x2x100xi32, #tpu.memory_space<vmem>> -> memref<1x1x100xi32, #tpu.memory_space<vmem>>
      %dma_wait3A_244 = tpu.memref_squeeze %dma_wait3A_243 : memref<1x1x100xi32, #tpu.memory_space<vmem>> -> memref<100xi32, #tpu.memory_space<vmem>>
      %dma_wait3A_245 = arith.constant 0 : i32
      %dma_wait3A_246 = arith.constant 0 : i32
      %dma_wait3A_247 = tpu.memref_slice %arg3[%dma_wait3A_245, %dma_wait3A_246] : memref<100000x32xf32, #tpu.memory_space<hbm>> -> memref<100000x32xf32, #tpu.memory_space<hbm>>
      tpu.wait_indirect_dma semaphore(%arg9 : memref<!tpu.dma_semaphore, #tpu.memory_space<semaphore_mem>>) src(%dma_wait3A_247 : memref<100000x32xf32, #tpu.memory_space<hbm>>) dst(%dma_wait3A_241 : memref<100x32xf32, #tpu.memory_space<vmem>>)
      %dma_wait3A_248 = arith.constant 0 : i32
      %dma_wait3A_249 = arith.constant 1 : i32
      %dma_wait3A_250 = arith.constant 0 : i32
      %dma_wait3A_251 = arith.constant 1 : i32
      %dma_wait3A_252 = arith.constant 0 : i32
      %dma_wait3A_253 = arith.constant 0 : i32
      %dma_wait3A_254 = tpu.memref_slice %arg6[%dma_wait3A_250, %dma_wait3A_251, %dma_wait3A_252, %dma_wait3A_253] : memref<4x2x100x32xf32, #tpu.memory_space<vmem>> -> memref<1x1x100x32xf32, #tpu.memory_space<vmem>>
      %dma_wait3A_255 = tpu.memref_squeeze %dma_wait3A_254 : memref<1x1x100x32xf32, #tpu.memory_space<vmem>> -> memref<100x32xf32, #tpu.memory_space<vmem>>
      %dma_wait3A_256 = arith.constant 0 : i32
      %dma_wait3A_257 = tpu.memref_slice %arg5[%dma_wait3A_248, %dma_wait3A_249, %dma_wait3A_256] : memref<4x2x100xi32, #tpu.memory_space<vmem>> -> memref<1x1x100xi32, #tpu.memory_space<vmem>>
      %dma_wait3A_258 = tpu.memref_squeeze %dma_wait3A_257 : memref<1x1x100xi32, #tpu.memory_space<vmem>> -> memref<100xi32, #tpu.memory_space<vmem>>
      %dma_wait3A_259 = arith.constant 0 : i32
      %dma_wait3A_260 = arith.constant 0 : i32
      %dma_wait3A_261 = tpu.memref_slice %arg3[%dma_wait3A_259, %dma_wait3A_260] : memref<100000x32xf32, #tpu.memory_space<hbm>> -> memref<100000x32xf32, #tpu.memory_space<hbm>>
      tpu.wait_indirect_dma semaphore(%arg9 : memref<!tpu.dma_semaphore, #tpu.memory_space<semaphore_mem>>) src(%dma_wait3A_261 : memref<100000x32xf32, #tpu.memory_space<hbm>>) dst(%dma_wait3A_255 : memref<100x32xf32, #tpu.memory_space<vmem>>)
      %add3A_262 = arith.constant 4 : i32
      %add3A_263 = arith.addi %add3A_228, %add3A_262 : i32
      %lt3A_264 = arith.constant 512 : i32
      %lt3A_265 = arith.cmpi slt, %add3A_263, %lt3A_264 : i32
      %convert_element_type3A_266 = arith.extui %lt3A_265 : i1 to i32
      %cond3A_267 = arith.constant 0 : i32
      %cond3A_268 = arith.cmpi ne, %convert_element_type3A_266, %cond3A_267 : i32
      scf.if %cond3A_268 {
        %add3A_485 = arith.constant 4 : i32
        %add3A_486 = arith.addi %add3A_228, %add3A_485 : i32
        %add3A_487 = arith.addi %mul3A_2, %add3A_486 : i32
        %dma_start3A_488 = arith.constant 0 : i32
        %dma_start3A_489 = arith.constant 0 : i32
        %dma_start3A_490 = arith.constant 0 : i32
        %dma_start3A_491 = tpu.memref_slice %arg5[%dma_start3A_488, %dma_start3A_489, %dma_start3A_490] : memref<4x2x100xi32, #tpu.memory_space<vmem>> -> memref<1x2x100xi32, #tpu.memory_space<vmem>>
        %dma_start3A_492 = tpu.memref_squeeze %dma_start3A_491 : memref<1x2x100xi32, #tpu.memory_space<vmem>> -> memref<2x100xi32, #tpu.memory_space<vmem>>
        %dma_start3A_493 = arith.constant 0 : i32
        %dma_start3A_494 = arith.constant 0 : i32
        %dma_start3A_495 = tpu.memref_slice %arg2[%add3A_487, %dma_start3A_493, %dma_start3A_494] : memref<16384x2x100xi32, #tpu.memory_space<hbm>> -> memref<1x2x100xi32, #tpu.memory_space<hbm>>
        %dma_start3A_496 = tpu.memref_squeeze %dma_start3A_495 : memref<1x2x100xi32, #tpu.memory_space<hbm>> -> memref<2x100xi32, #tpu.memory_space<hbm>>
        %dma_start3A_497 = arith.constant 0 : i32
        %dma_start3A_498 = arith.constant 0 : i32
        %dma_start3A_499 = tpu.memref_slice %arg5[%dma_start3A_488, %dma_start3A_497, %dma_start3A_498] : memref<4x2x100xi32, #tpu.memory_space<vmem>> -> memref<1x2x100xi32, #tpu.memory_space<vmem>>
        %dma_start3A_500 = tpu.memref_squeeze %dma_start3A_499 : memref<1x2x100xi32, #tpu.memory_space<vmem>> -> memref<2x100xi32, #tpu.memory_space<vmem>>
        %dma_start3A_501 = arith.constant 0 : i32
        %dma_start3A_502 = arith.constant 0 : i32
        %dma_start3A_503 = tpu.memref_slice %arg2[%add3A_487, %dma_start3A_501, %dma_start3A_502] : memref<16384x2x100xi32, #tpu.memory_space<hbm>> -> memref<1x2x100xi32, #tpu.memory_space<hbm>>
        %dma_start3A_504 = tpu.memref_squeeze %dma_start3A_503 : memref<1x2x100xi32, #tpu.memory_space<hbm>> -> memref<2x100xi32, #tpu.memory_space<hbm>>
        tpu.enqueue_dma source(%dma_start3A_504 : memref<2x100xi32, #tpu.memory_space<hbm>>) target(%dma_start3A_500 : memref<2x100xi32, #tpu.memory_space<vmem>>) target_semaphore(%arg8 : memref<!tpu.dma_semaphore, #tpu.memory_space<semaphore_mem>>)
      } else {
      }
      %broadcast_in_dim3A = arith.constant 0.000000e+00 : f32
      %broadcast_in_dim3A_269 = vector.broadcast %broadcast_in_dim3A : f32 to vector<16xf32>
      %scan3A_270 = arith.constant 0 : i32
      %scan3A_271 = arith.constant 100 : i32
      %scan3A_272 = arith.addi %scan3A_270, %scan3A_271 : i32
      %scan3A_273 = arith.constant 10 : i32
      %scan3A_274:4 = scf.for %scan3A_485 = %scan3A_270 to %scan3A_272 step %scan3A_273 iter_args(%scan3A_486 = %broadcast_in_dim3A_269, %scan3A_487 = %broadcast_in_dim3A_269, %scan3A_488 = %broadcast_in_dim3A_269, %scan3A_489 = %broadcast_in_dim3A_269) -> (vector<16xf32>, vector<16xf32>, vector<16xf32>, vector<16xf32>)  : i32 {
        %get3A = arith.constant 0 : i32
        %get3A_490 = arith.constant 0 : i32
        %get3A_491 = arith.index_cast %get3A : i32 to index
        %get3A_492 = arith.index_cast %get3A_490 : i32 to index
        %get3A_493 = arith.index_cast %scan3A_485 : i32 to index
        %get3A_494 = arith.constant 0 : index
        %get3A_495 = tpu.vector_load %arg6[%get3A_491, %get3A_492, %get3A_493, %get3A_494] {strides = array<i32>} : memref<4x2x100x32xf32, #tpu.memory_space<vmem>>, vector<1x1x1x16xf32>,
        %get3A_496 = vector.shape_cast %get3A_495 : vector<1x1x1x16xf32> to vector<16xf32>
        %add3A_497 = arith.addf %scan3A_486, %get3A_496 : vector<16xf32>
        %get3A_498 = arith.constant 0 : i32
        %get3A_499 = arith.constant 0 : i32
        %get3A_500 = arith.index_cast %get3A_498 : i32 to index
        %get3A_501 = arith.index_cast %get3A_499 : i32 to index
        %get3A_502 = arith.index_cast %scan3A_485 : i32 to index
        %get3A_503 = arith.constant 16 : index
        %get3A_504 = tpu.vector_load %arg6[%get3A_500, %get3A_501, %get3A_502, %get3A_503] {strides = array<i32>} : memref<4x2x100x32xf32, #tpu.memory_space<vmem>>, vector<1x1x1x16xf32>,
        %get3A_505 = vector.shape_cast %get3A_504 : vector<1x1x1x16xf32> to vector<16xf32>
        %add3A_506 = arith.addf %scan3A_488, %get3A_505 : vector<16xf32>
        %get3A_507 = arith.constant 0 : i32
        %get3A_508 = arith.constant 1 : i32
        %get3A_509 = arith.index_cast %get3A_507 : i32 to index
        %get3A_510 = arith.index_cast %get3A_508 : i32 to index
        %get3A_511 = arith.index_cast %scan3A_485 : i32 to index
        %get3A_512 = arith.constant 0 : index
        %get3A_513 = tpu.vector_load %arg6[%get3A_509, %get3A_510, %get3A_511, %get3A_512] {strides = array<i32>} : memref<4x2x100x32xf32, #tpu.memory_space<vmem>>, vector<1x1x1x16xf32>,
        %get3A_514 = vector.shape_cast %get3A_513 : vector<1x1x1x16xf32> to vector<16xf32>
        %add3A_515 = arith.addf %scan3A_487, %get3A_514 : vector<16xf32>
        %get3A_516 = arith.constant 0 : i32
        %get3A_517 = arith.constant 1 : i32
        %get3A_518 = arith.index_cast %get3A_516 : i32 to index
        %get3A_519 = arith.index_cast %get3A_517 : i32 to index
        %get3A_520 = arith.index_cast %scan3A_485 : i32 to index
        %get3A_521 = arith.constant 16 : index
        %get3A_522 = tpu.vector_load %arg6[%get3A_518, %get3A_519, %get3A_520, %get3A_521] {strides = array<i32>} : memref<4x2x100x32xf32, #tpu.memory_space<vmem>>, vector<1x1x1x16xf32>,
        %get3A_523 = vector.shape_cast %get3A_522 : vector<1x1x1x16xf32> to vector<16xf32>
        %add3A_524 = arith.addf %scan3A_489, %get3A_523 : vector<16xf32>
        %scan3A_525 = arith.constant 1 : i32
        %scan3A_526 = arith.addi %scan3A_485, %scan3A_525 : i32
        %get3A_527 = arith.constant 0 : i32
        %get3A_528 = arith.constant 0 : i32
        %get3A_529 = arith.index_cast %get3A_527 : i32 to index
        %get3A_530 = arith.index_cast %get3A_528 : i32 to index
        %get3A_531 = arith.index_cast %scan3A_526 : i32 to index
        %get3A_532 = arith.constant 0 : index
        %get3A_533 = tpu.vector_load %arg6[%get3A_529, %get3A_530, %get3A_531, %get3A_532] {strides = array<i32>} : memref<4x2x100x32xf32, #tpu.memory_space<vmem>>, vector<1x1x1x16xf32>,
        %get3A_534 = vector.shape_cast %get3A_533 : vector<1x1x1x16xf32> to vector<16xf32>
        %add3A_535 = arith.addf %add3A_497, %get3A_534 : vector<16xf32>
        %get3A_536 = arith.constant 0 : i32
        %get3A_537 = arith.constant 0 : i32
        %get3A_538 = arith.index_cast %get3A_536 : i32 to index
        %get3A_539 = arith.index_cast %get3A_537 : i32 to index
        %get3A_540 = arith.index_cast %scan3A_526 : i32 to index
        %get3A_541 = arith.constant 16 : index
        %get3A_542 = tpu.vector_load %arg6[%get3A_538, %get3A_539, %get3A_540, %get3A_541] {strides = array<i32>} : memref<4x2x100x32xf32, #tpu.memory_space<vmem>>, vector<1x1x1x16xf32>,
        %get3A_543 = vector.shape_cast %get3A_542 : vector<1x1x1x16xf32> to vector<16xf32>
        %add3A_544 = arith.addf %add3A_506, %get3A_543 : vector<16xf32>
        %get3A_545 = arith.constant 0 : i32
        %get3A_546 = arith.constant 1 : i32
        %get3A_547 = arith.index_cast %get3A_545 : i32 to index
        %get3A_548 = arith.index_cast %get3A_546 : i32 to index
        %get3A_549 = arith.index_cast %scan3A_526 : i32 to index
        %get3A_550 = arith.constant 0 : index
        %get3A_551 = tpu.vector_load %arg6[%get3A_547, %get3A_548, %get3A_549, %get3A_550] {strides = array<i32>} : memref<4x2x100x32xf32, #tpu.memory_space<vmem>>, vector<1x1x1x16xf32>,
        %get3A_552 = vector.shape_cast %get3A_551 : vector<1x1x1x16xf32> to vector<16xf32>
        %add3A_553 = arith.addf %add3A_515, %get3A_552 : vector<16xf32>
        %get3A_554 = arith.constant 0 : i32
        %get3A_555 = arith.constant 1 : i32
        %get3A_556 = arith.index_cast %get3A_554 : i32 to index
        %get3A_557 = arith.index_cast %get3A_555 : i32 to index
        %get3A_558 = arith.index_cast %scan3A_526 : i32 to index
        %get3A_559 = arith.constant 16 : index
        %get3A_560 = tpu.vector_load %arg6[%get3A_556, %get3A_557, %get3A_558, %get3A_559] {strides = array<i32>} : memref<4x2x100x32xf32, #tpu.memory_space<vmem>>, vector<1x1x1x16xf32>,
        %get3A_561 = vector.shape_cast %get3A_560 : vector<1x1x1x16xf32> to vector<16xf32>
        %add3A_562 = arith.addf %add3A_524, %get3A_561 : vector<16xf32>
        %scan3A_563 = arith.constant 2 : i32
        %scan3A_564 = arith.addi %scan3A_485, %scan3A_563 : i32
        %get3A_565 = arith.constant 0 : i32
        %get3A_566 = arith.constant 0 : i32
        %get3A_567 = arith.index_cast %get3A_565 : i32 to index
        %get3A_568 = arith.index_cast %get3A_566 : i32 to index
        %get3A_569 = arith.index_cast %scan3A_564 : i32 to index
        %get3A_570 = arith.constant 0 : index
        %get3A_571 = tpu.vector_load %arg6[%get3A_567, %get3A_568, %get3A_569, %get3A_570] {strides = array<i32>} : memref<4x2x100x32xf32, #tpu.memory_space<vmem>>, vector<1x1x1x16xf32>,
        %get3A_572 = vector.shape_cast %get3A_571 : vector<1x1x1x16xf32> to vector<16xf32>
        %add3A_573 = arith.addf %add3A_535, %get3A_572 : vector<16xf32>
        %get3A_574 = arith.constant 0 : i32
        %get3A_575 = arith.constant 0 : i32
        %get3A_576 = arith.index_cast %get3A_574 : i32 to index
        %get3A_577 = arith.index_cast %get3A_575 : i32 to index
        %get3A_578 = arith.index_cast %scan3A_564 : i32 to index
        %get3A_579 = arith.constant 16 : index
        %get3A_580 = tpu.vector_load %arg6[%get3A_576, %get3A_577, %get3A_578, %get3A_579] {strides = array<i32>} : memref<4x2x100x32xf32, #tpu.memory_space<vmem>>, vector<1x1x1x16xf32>,
        %get3A_581 = vector.shape_cast %get3A_580 : vector<1x1x1x16xf32> to vector<16xf32>
        %add3A_582 = arith.addf %add3A_544, %get3A_581 : vector<16xf32>
        %get3A_583 = arith.constant 0 : i32
        %get3A_584 = arith.constant 1 : i32
        %get3A_585 = arith.index_cast %get3A_583 : i32 to index
        %get3A_586 = arith.index_cast %get3A_584 : i32 to index
        %get3A_587 = arith.index_cast %scan3A_564 : i32 to index
        %get3A_588 = arith.constant 0 : index
        %get3A_589 = tpu.vector_load %arg6[%get3A_585, %get3A_586, %get3A_587, %get3A_588] {strides = array<i32>} : memref<4x2x100x32xf32, #tpu.memory_space<vmem>>, vector<1x1x1x16xf32>,
        %get3A_590 = vector.shape_cast %get3A_589 : vector<1x1x1x16xf32> to vector<16xf32>
        %add3A_591 = arith.addf %add3A_553, %get3A_590 : vector<16xf32>
        %get3A_592 = arith.constant 0 : i32
        %get3A_593 = arith.constant 1 : i32
        %get3A_594 = arith.index_cast %get3A_592 : i32 to index
        %get3A_595 = arith.index_cast %get3A_593 : i32 to index
        %get3A_596 = arith.index_cast %scan3A_564 : i32 to index
        %get3A_597 = arith.constant 16 : index
        %get3A_598 = tpu.vector_load %arg6[%get3A_594, %get3A_595, %get3A_596, %get3A_597] {strides = array<i32>} : memref<4x2x100x32xf32, #tpu.memory_space<vmem>>, vector<1x1x1x16xf32>,
        %get3A_599 = vector.shape_cast %get3A_598 : vector<1x1x1x16xf32> to vector<16xf32>
        %add3A_600 = arith.addf %add3A_562, %get3A_599 : vector<16xf32>
        %scan3A_601 = arith.constant 3 : i32
        %scan3A_602 = arith.addi %scan3A_485, %scan3A_601 : i32
        %get3A_603 = arith.constant 0 : i32
        %get3A_604 = arith.constant 0 : i32
        %get3A_605 = arith.index_cast %get3A_603 : i32 to index
        %get3A_606 = arith.index_cast %get3A_604 : i32 to index
        %get3A_607 = arith.index_cast %scan3A_602 : i32 to index
        %get3A_608 = arith.constant 0 : index
        %get3A_609 = tpu.vector_load %arg6[%get3A_605, %get3A_606, %get3A_607, %get3A_608] {strides = array<i32>} : memref<4x2x100x32xf32, #tpu.memory_space<vmem>>, vector<1x1x1x16xf32>,
        %get3A_610 = vector.shape_cast %get3A_609 : vector<1x1x1x16xf32> to vector<16xf32>
        %add3A_611 = arith.addf %add3A_573, %get3A_610 : vector<16xf32>
        %get3A_612 = arith.constant 0 : i32
        %get3A_613 = arith.constant 0 : i32
        %get3A_614 = arith.index_cast %get3A_612 : i32 to index
        %get3A_615 = arith.index_cast %get3A_613 : i32 to index
        %get3A_616 = arith.index_cast %scan3A_602 : i32 to index
        %get3A_617 = arith.constant 16 : index
        %get3A_618 = tpu.vector_load %arg6[%get3A_614, %get3A_615, %get3A_616, %get3A_617] {strides = array<i32>} : memref<4x2x100x32xf32, #tpu.memory_space<vmem>>, vector<1x1x1x16xf32>,
        %get3A_619 = vector.shape_cast %get3A_618 : vector<1x1x1x16xf32> to vector<16xf32>
        %add3A_620 = arith.addf %add3A_582, %get3A_619 : vector<16xf32>
        %get3A_621 = arith.constant 0 : i32
        %get3A_622 = arith.constant 1 : i32
        %get3A_623 = arith.index_cast %get3A_621 : i32 to index
        %get3A_624 = arith.index_cast %get3A_622 : i32 to index
        %get3A_625 = arith.index_cast %scan3A_602 : i32 to index
        %get3A_626 = arith.constant 0 : index
        %get3A_627 = tpu.vector_load %arg6[%get3A_623, %get3A_624, %get3A_625, %get3A_626] {strides = array<i32>} : memref<4x2x100x32xf32, #tpu.memory_space<vmem>>, vector<1x1x1x16xf32>,
        %get3A_628 = vector.shape_cast %get3A_627 : vector<1x1x1x16xf32> to vector<16xf32>
        %add3A_629 = arith.addf %add3A_591, %get3A_628 : vector<16xf32>
        %get3A_630 = arith.constant 0 : i32
        %get3A_631 = arith.constant 1 : i32
        %get3A_632 = arith.index_cast %get3A_630 : i32 to index
        %get3A_633 = arith.index_cast %get3A_631 : i32 to index
        %get3A_634 = arith.index_cast %scan3A_602 : i32 to index
        %get3A_635 = arith.constant 16 : index
        %get3A_636 = tpu.vector_load %arg6[%get3A_632, %get3A_633, %get3A_634, %get3A_635] {strides = array<i32>} : memref<4x2x100x32xf32, #tpu.memory_space<vmem>>, vector<1x1x1x16xf32>,
        %get3A_637 = vector.shape_cast %get3A_636 : vector<1x1x1x16xf32> to vector<16xf32>
        %add3A_638 = arith.addf %add3A_600, %get3A_637 : vector<16xf32>
        %scan3A_639 = arith.constant 4 : i32
        %scan3A_640 = arith.addi %scan3A_485, %scan3A_639 : i32
        %get3A_641 = arith.constant 0 : i32
        %get3A_642 = arith.constant 0 : i32
        %get3A_643 = arith.index_cast %get3A_641 : i32 to index
        %get3A_644 = arith.index_cast %get3A_642 : i32 to index
        %get3A_645 = arith.index_cast %scan3A_640 : i32 to index
        %get3A_646 = arith.constant 0 : index
        %get3A_647 = tpu.vector_load %arg6[%get3A_643, %get3A_644, %get3A_645, %get3A_646] {strides = array<i32>} : memref<4x2x100x32xf32, #tpu.memory_space<vmem>>, vector<1x1x1x16xf32>,
        %get3A_648 = vector.shape_cast %get3A_647 : vector<1x1x1x16xf32> to vector<16xf32>
        %add3A_649 = arith.addf %add3A_611, %get3A_648 : vector<16xf32>
        %get3A_650 = arith.constant 0 : i32
        %get3A_651 = arith.constant 0 : i32
        %get3A_652 = arith.index_cast %get3A_650 : i32 to index
        %get3A_653 = arith.index_cast %get3A_651 : i32 to index
        %get3A_654 = arith.index_cast %scan3A_640 : i32 to index
        %get3A_655 = arith.constant 16 : index
        %get3A_656 = tpu.vector_load %arg6[%get3A_652, %get3A_653, %get3A_654, %get3A_655] {strides = array<i32>} : memref<4x2x100x32xf32, #tpu.memory_space<vmem>>, vector<1x1x1x16xf32>,
        %get3A_657 = vector.shape_cast %get3A_656 : vector<1x1x1x16xf32> to vector<16xf32>
        %add3A_658 = arith.addf %add3A_620, %get3A_657 : vector<16xf32>
        %get3A_659 = arith.constant 0 : i32
        %get3A_660 = arith.constant 1 : i32
        %get3A_661 = arith.index_cast %get3A_659 : i32 to index
        %get3A_662 = arith.index_cast %get3A_660 : i32 to index
        %get3A_663 = arith.index_cast %scan3A_640 : i32 to index
        %get3A_664 = arith.constant 0 : index
        %get3A_665 = tpu.vector_load %arg6[%get3A_661, %get3A_662, %get3A_663, %get3A_664] {strides = array<i32>} : memref<4x2x100x32xf32, #tpu.memory_space<vmem>>, vector<1x1x1x16xf32>,
        %get3A_666 = vector.shape_cast %get3A_665 : vector<1x1x1x16xf32> to vector<16xf32>
        %add3A_667 = arith.addf %add3A_629, %get3A_666 : vector<16xf32>
        %get3A_668 = arith.constant 0 : i32
        %get3A_669 = arith.constant 1 : i32
        %get3A_670 = arith.index_cast %get3A_668 : i32 to index
        %get3A_671 = arith.index_cast %get3A_669 : i32 to index
        %get3A_672 = arith.index_cast %scan3A_640 : i32 to index
        %get3A_673 = arith.constant 16 : index
        %get3A_674 = tpu.vector_load %arg6[%get3A_670, %get3A_671, %get3A_672, %get3A_673] {strides = array<i32>} : memref<4x2x100x32xf32, #tpu.memory_space<vmem>>, vector<1x1x1x16xf32>,
        %get3A_675 = vector.shape_cast %get3A_674 : vector<1x1x1x16xf32> to vector<16xf32>
        %add3A_676 = arith.addf %add3A_638, %get3A_675 : vector<16xf32>
        %scan3A_677 = arith.constant 5 : i32
        %scan3A_678 = arith.addi %scan3A_485, %scan3A_677 : i32
        %get3A_679 = arith.constant 0 : i32
        %get3A_680 = arith.constant 0 : i32
        %get3A_681 = arith.index_cast %get3A_679 : i32 to index
        %get3A_682 = arith.index_cast %get3A_680 : i32 to index
        %get3A_683 = arith.index_cast %scan3A_678 : i32 to index
        %get3A_684 = arith.constant 0 : index
        %get3A_685 = tpu.vector_load %arg6[%get3A_681, %get3A_682, %get3A_683, %get3A_684] {strides = array<i32>} : memref<4x2x100x32xf32, #tpu.memory_space<vmem>>, vector<1x1x1x16xf32>,
        %get3A_686 = vector.shape_cast %get3A_685 : vector<1x1x1x16xf32> to vector<16xf32>
        %add3A_687 = arith.addf %add3A_649, %get3A_686 : vector<16xf32>
        %get3A_688 = arith.constant 0 : i32
        %get3A_689 = arith.constant 0 : i32
        %get3A_690 = arith.index_cast %get3A_688 : i32 to index
        %get3A_691 = arith.index_cast %get3A_689 : i32 to index
        %get3A_692 = arith.index_cast %scan3A_678 : i32 to index
        %get3A_693 = arith.constant 16 : index
        %get3A_694 = tpu.vector_load %arg6[%get3A_690, %get3A_691, %get3A_692, %get3A_693] {strides = array<i32>} : memref<4x2x100x32xf32, #tpu.memory_space<vmem>>, vector<1x1x1x16xf32>,
        %get3A_695 = vector.shape_cast %get3A_694 : vector<1x1x1x16xf32> to vector<16xf32>
        %add3A_696 = arith.addf %add3A_658, %get3A_695 : vector<16xf32>
        %get3A_697 = arith.constant 0 : i32
        %get3A_698 = arith.constant 1 : i32
        %get3A_699 = arith.index_cast %get3A_697 : i32 to index
        %get3A_700 = arith.index_cast %get3A_698 : i32 to index
        %get3A_701 = arith.index_cast %scan3A_678 : i32 to index
        %get3A_702 = arith.constant 0 : index
        %get3A_703 = tpu.vector_load %arg6[%get3A_699, %get3A_700, %get3A_701, %get3A_702] {strides = array<i32>} : memref<4x2x100x32xf32, #tpu.memory_space<vmem>>, vector<1x1x1x16xf32>,
        %get3A_704 = vector.shape_cast %get3A_703 : vector<1x1x1x16xf32> to vector<16xf32>
        %add3A_705 = arith.addf %add3A_667, %get3A_704 : vector<16xf32>
        %get3A_706 = arith.constant 0 : i32
        %get3A_707 = arith.constant 1 : i32
        %get3A_708 = arith.index_cast %get3A_706 : i32 to index
        %get3A_709 = arith.index_cast %get3A_707 : i32 to index
        %get3A_710 = arith.index_cast %scan3A_678 : i32 to index
        %get3A_711 = arith.constant 16 : index
        %get3A_712 = tpu.vector_load %arg6[%get3A_708, %get3A_709, %get3A_710, %get3A_711] {strides = array<i32>} : memref<4x2x100x32xf32, #tpu.memory_space<vmem>>, vector<1x1x1x16xf32>,
        %get3A_713 = vector.shape_cast %get3A_712 : vector<1x1x1x16xf32> to vector<16xf32>
        %add3A_714 = arith.addf %add3A_676, %get3A_713 : vector<16xf32>
        %scan3A_715 = arith.constant 6 : i32
        %scan3A_716 = arith.addi %scan3A_485, %scan3A_715 : i32
        %get3A_717 = arith.constant 0 : i32
        %get3A_718 = arith.constant 0 : i32
        %get3A_719 = arith.index_cast %get3A_717 : i32 to index
        %get3A_720 = arith.index_cast %get3A_718 : i32 to index
        %get3A_721 = arith.index_cast %scan3A_716 : i32 to index
        %get3A_722 = arith.constant 0 : index
        %get3A_723 = tpu.vector_load %arg6[%get3A_719, %get3A_720, %get3A_721, %get3A_722] {strides = array<i32>} : memref<4x2x100x32xf32, #tpu.memory_space<vmem>>, vector<1x1x1x16xf32>,
        %get3A_724 = vector.shape_cast %get3A_723 : vector<1x1x1x16xf32> to vector<16xf32>
        %add3A_725 = arith.addf %add3A_687, %get3A_724 : vector<16xf32>
        %get3A_726 = arith.constant 0 : i32
        %get3A_727 = arith.constant 0 : i32
        %get3A_728 = arith.index_cast %get3A_726 : i32 to index
        %get3A_729 = arith.index_cast %get3A_727 : i32 to index
        %get3A_730 = arith.index_cast %scan3A_716 : i32 to index
        %get3A_731 = arith.constant 16 : index
        %get3A_732 = tpu.vector_load %arg6[%get3A_728, %get3A_729, %get3A_730, %get3A_731] {strides = array<i32>} : memref<4x2x100x32xf32, #tpu.memory_space<vmem>>, vector<1x1x1x16xf32>,
        %get3A_733 = vector.shape_cast %get3A_732 : vector<1x1x1x16xf32> to vector<16xf32>
        %add3A_734 = arith.addf %add3A_696, %get3A_733 : vector<16xf32>
        %get3A_735 = arith.constant 0 : i32
        %get3A_736 = arith.constant 1 : i32
        %get3A_737 = arith.index_cast %get3A_735 : i32 to index
        %get3A_738 = arith.index_cast %get3A_736 : i32 to index
        %get3A_739 = arith.index_cast %scan3A_716 : i32 to index
        %get3A_740 = arith.constant 0 : index
        %get3A_741 = tpu.vector_load %arg6[%get3A_737, %get3A_738, %get3A_739, %get3A_740] {strides = array<i32>} : memref<4x2x100x32xf32, #tpu.memory_space<vmem>>, vector<1x1x1x16xf32>,
        %get3A_742 = vector.shape_cast %get3A_741 : vector<1x1x1x16xf32> to vector<16xf32>
        %add3A_743 = arith.addf %add3A_705, %get3A_742 : vector<16xf32>
        %get3A_744 = arith.constant 0 : i32
        %get3A_745 = arith.constant 1 : i32
        %get3A_746 = arith.index_cast %get3A_744 : i32 to index
        %get3A_747 = arith.index_cast %get3A_745 : i32 to index
        %get3A_748 = arith.index_cast %scan3A_716 : i32 to index
        %get3A_749 = arith.constant 16 : index
        %get3A_750 = tpu.vector_load %arg6[%get3A_746, %get3A_747, %get3A_748, %get3A_749] {strides = array<i32>} : memref<4x2x100x32xf32, #tpu.memory_space<vmem>>, vector<1x1x1x16xf32>,
        %get3A_751 = vector.shape_cast %get3A_750 : vector<1x1x1x16xf32> to vector<16xf32>
        %add3A_752 = arith.addf %add3A_714, %get3A_751 : vector<16xf32>
        %scan3A_753 = arith.constant 7 : i32
        %scan3A_754 = arith.addi %scan3A_485, %scan3A_753 : i32
        %get3A_755 = arith.constant 0 : i32
        %get3A_756 = arith.constant 0 : i32
        %get3A_757 = arith.index_cast %get3A_755 : i32 to index
        %get3A_758 = arith.index_cast %get3A_756 : i32 to index
        %get3A_759 = arith.index_cast %scan3A_754 : i32 to index
        %get3A_760 = arith.constant 0 : index
        %get3A_761 = tpu.vector_load %arg6[%get3A_757, %get3A_758, %get3A_759, %get3A_760] {strides = array<i32>} : memref<4x2x100x32xf32, #tpu.memory_space<vmem>>, vector<1x1x1x16xf32>,
        %get3A_762 = vector.shape_cast %get3A_761 : vector<1x1x1x16xf32> to vector<16xf32>
        %add3A_763 = arith.addf %add3A_725, %get3A_762 : vector<16xf32>
        %get3A_764 = arith.constant 0 : i32
        %get3A_765 = arith.constant 0 : i32
        %get3A_766 = arith.index_cast %get3A_764 : i32 to index
        %get3A_767 = arith.index_cast %get3A_765 : i32 to index
        %get3A_768 = arith.index_cast %scan3A_754 : i32 to index
        %get3A_769 = arith.constant 16 : index
        %get3A_770 = tpu.vector_load %arg6[%get3A_766, %get3A_767, %get3A_768, %get3A_769] {strides = array<i32>} : memref<4x2x100x32xf32, #tpu.memory_space<vmem>>, vector<1x1x1x16xf32>,
        %get3A_771 = vector.shape_cast %get3A_770 : vector<1x1x1x16xf32> to vector<16xf32>
        %add3A_772 = arith.addf %add3A_734, %get3A_771 : vector<16xf32>
        %get3A_773 = arith.constant 0 : i32
        %get3A_774 = arith.constant 1 : i32
        %get3A_775 = arith.index_cast %get3A_773 : i32 to index
        %get3A_776 = arith.index_cast %get3A_774 : i32 to index
        %get3A_777 = arith.index_cast %scan3A_754 : i32 to index
        %get3A_778 = arith.constant 0 : index
        %get3A_779 = tpu.vector_load %arg6[%get3A_775, %get3A_776, %get3A_777, %get3A_778] {strides = array<i32>} : memref<4x2x100x32xf32, #tpu.memory_space<vmem>>, vector<1x1x1x16xf32>,
        %get3A_780 = vector.shape_cast %get3A_779 : vector<1x1x1x16xf32> to vector<16xf32>
        %add3A_781 = arith.addf %add3A_743, %get3A_780 : vector<16xf32>
        %get3A_782 = arith.constant 0 : i32
        %get3A_783 = arith.constant 1 : i32
        %get3A_784 = arith.index_cast %get3A_782 : i32 to index
        %get3A_785 = arith.index_cast %get3A_783 : i32 to index
        %get3A_786 = arith.index_cast %scan3A_754 : i32 to index
        %get3A_787 = arith.constant 16 : index
        %get3A_788 = tpu.vector_load %arg6[%get3A_784, %get3A_785, %get3A_786, %get3A_787] {strides = array<i32>} : memref<4x2x100x32xf32, #tpu.memory_space<vmem>>, vector<1x1x1x16xf32>,
        %get3A_789 = vector.shape_cast %get3A_788 : vector<1x1x1x16xf32> to vector<16xf32>
        %add3A_790 = arith.addf %add3A_752, %get3A_789 : vector<16xf32>
        %scan3A_791 = arith.constant 8 : i32
        %scan3A_792 = arith.addi %scan3A_485, %scan3A_791 : i32
        %get3A_793 = arith.constant 0 : i32
        %get3A_794 = arith.constant 0 : i32
        %get3A_795 = arith.index_cast %get3A_793 : i32 to index
        %get3A_796 = arith.index_cast %get3A_794 : i32 to index
        %get3A_797 = arith.index_cast %scan3A_792 : i32 to index
        %get3A_798 = arith.constant 0 : index
        %get3A_799 = tpu.vector_load %arg6[%get3A_795, %get3A_796, %get3A_797, %get3A_798] {strides = array<i32>} : memref<4x2x100x32xf32, #tpu.memory_space<vmem>>, vector<1x1x1x16xf32>,
        %get3A_800 = vector.shape_cast %get3A_799 : vector<1x1x1x16xf32> to vector<16xf32>
        %add3A_801 = arith.addf %add3A_763, %get3A_800 : vector<16xf32>
        %get3A_802 = arith.constant 0 : i32
        %get3A_803 = arith.constant 0 : i32
        %get3A_804 = arith.index_cast %get3A_802 : i32 to index
        %get3A_805 = arith.index_cast %get3A_803 : i32 to index
        %get3A_806 = arith.index_cast %scan3A_792 : i32 to index
        %get3A_807 = arith.constant 16 : index
        %get3A_808 = tpu.vector_load %arg6[%get3A_804, %get3A_805, %get3A_806, %get3A_807] {strides = array<i32>} : memref<4x2x100x32xf32, #tpu.memory_space<vmem>>, vector<1x1x1x16xf32>,
        %get3A_809 = vector.shape_cast %get3A_808 : vector<1x1x1x16xf32> to vector<16xf32>
        %add3A_810 = arith.addf %add3A_772, %get3A_809 : vector<16xf32>
        %get3A_811 = arith.constant 0 : i32
        %get3A_812 = arith.constant 1 : i32
        %get3A_813 = arith.index_cast %get3A_811 : i32 to index
        %get3A_814 = arith.index_cast %get3A_812 : i32 to index
        %get3A_815 = arith.index_cast %scan3A_792 : i32 to index
        %get3A_816 = arith.constant 0 : index
        %get3A_817 = tpu.vector_load %arg6[%get3A_813, %get3A_814, %get3A_815, %get3A_816] {strides = array<i32>} : memref<4x2x100x32xf32, #tpu.memory_space<vmem>>, vector<1x1x1x16xf32>,
        %get3A_818 = vector.shape_cast %get3A_817 : vector<1x1x1x16xf32> to vector<16xf32>
        %add3A_819 = arith.addf %add3A_781, %get3A_818 : vector<16xf32>
        %get3A_820 = arith.constant 0 : i32
        %get3A_821 = arith.constant 1 : i32
        %get3A_822 = arith.index_cast %get3A_820 : i32 to index
        %get3A_823 = arith.index_cast %get3A_821 : i32 to index
        %get3A_824 = arith.index_cast %scan3A_792 : i32 to index
        %get3A_825 = arith.constant 16 : index
        %get3A_826 = tpu.vector_load %arg6[%get3A_822, %get3A_823, %get3A_824, %get3A_825] {strides = array<i32>} : memref<4x2x100x32xf32, #tpu.memory_space<vmem>>, vector<1x1x1x16xf32>,
        %get3A_827 = vector.shape_cast %get3A_826 : vector<1x1x1x16xf32> to vector<16xf32>
        %add3A_828 = arith.addf %add3A_790, %get3A_827 : vector<16xf32>
        %scan3A_829 = arith.constant 9 : i32
        %scan3A_830 = arith.addi %scan3A_485, %scan3A_829 : i32
        %get3A_831 = arith.constant 0 : i32
        %get3A_832 = arith.constant 0 : i32
        %get3A_833 = arith.index_cast %get3A_831 : i32 to index
        %get3A_834 = arith.index_cast %get3A_832 : i32 to index
        %get3A_835 = arith.index_cast %scan3A_830 : i32 to index
        %get3A_836 = arith.constant 0 : index
        %get3A_837 = tpu.vector_load %arg6[%get3A_833, %get3A_834, %get3A_835, %get3A_836] {strides = array<i32>} : memref<4x2x100x32xf32, #tpu.memory_space<vmem>>, vector<1x1x1x16xf32>,
        %get3A_838 = vector.shape_cast %get3A_837 : vector<1x1x1x16xf32> to vector<16xf32>
        %add3A_839 = arith.addf %add3A_801, %get3A_838 : vector<16xf32>
        %get3A_840 = arith.constant 0 : i32
        %get3A_841 = arith.constant 0 : i32
        %get3A_842 = arith.index_cast %get3A_840 : i32 to index
        %get3A_843 = arith.index_cast %get3A_841 : i32 to index
        %get3A_844 = arith.index_cast %scan3A_830 : i32 to index
        %get3A_845 = arith.constant 16 : index
        %get3A_846 = tpu.vector_load %arg6[%get3A_842, %get3A_843, %get3A_844, %get3A_845] {strides = array<i32>} : memref<4x2x100x32xf32, #tpu.memory_space<vmem>>, vector<1x1x1x16xf32>,
        %get3A_847 = vector.shape_cast %get3A_846 : vector<1x1x1x16xf32> to vector<16xf32>
        %add3A_848 = arith.addf %add3A_810, %get3A_847 : vector<16xf32>
        %get3A_849 = arith.constant 0 : i32
        %get3A_850 = arith.constant 1 : i32
        %get3A_851 = arith.index_cast %get3A_849 : i32 to index
        %get3A_852 = arith.index_cast %get3A_850 : i32 to index
        %get3A_853 = arith.index_cast %scan3A_830 : i32 to index
        %get3A_854 = arith.constant 0 : index
        %get3A_855 = tpu.vector_load %arg6[%get3A_851, %get3A_852, %get3A_853, %get3A_854] {strides = array<i32>} : memref<4x2x100x32xf32, #tpu.memory_space<vmem>>, vector<1x1x1x16xf32>,
        %get3A_856 = vector.shape_cast %get3A_855 : vector<1x1x1x16xf32> to vector<16xf32>
        %add3A_857 = arith.addf %add3A_819, %get3A_856 : vector<16xf32>
        %get3A_858 = arith.constant 0 : i32
        %get3A_859 = arith.constant 1 : i32
        %get3A_860 = arith.index_cast %get3A_858 : i32 to index
        %get3A_861 = arith.index_cast %get3A_859 : i32 to index
        %get3A_862 = arith.index_cast %scan3A_830 : i32 to index
        %get3A_863 = arith.constant 16 : index
        %get3A_864 = tpu.vector_load %arg6[%get3A_860, %get3A_861, %get3A_862, %get3A_863] {strides = array<i32>} : memref<4x2x100x32xf32, #tpu.memory_space<vmem>>, vector<1x1x1x16xf32>,
        %get3A_865 = vector.shape_cast %get3A_864 : vector<1x1x1x16xf32> to vector<16xf32>
        %add3A_866 = arith.addf %add3A_828, %get3A_865 : vector<16xf32>
        scf.yield %add3A_839, %add3A_857, %add3A_848, %add3A_866 : vector<16xf32>, vector<16xf32>, vector<16xf32>, vector<16xf32>
      }
      %scan3A_275 = arith.constant 100 : i32
      %add3A_276 = arith.addf %scan3A_274#0, %scan3A_274#1 : vector<16xf32>
      %swap3A = arith.index_cast %add3A_228 : i32 to index
      %swap3A_277 = arith.constant 0 : index
      %swap3A_278 = tpu.vector_load %arg7[%swap3A, %swap3A_277] {strides = array<i32>} : memref<512x32xf32, #tpu.memory_space<vmem>>, vector<1x16xf32>,
      %swap3A_279 = vector.shape_cast %swap3A_278 : vector<1x16xf32> to vector<16xf32>
      %swap3A_280 = vector.shape_cast %add3A_276 : vector<16xf32> to vector<1x16xf32>
      tpu.vector_store %arg7[%swap3A, %swap3A_277], %swap3A_280 {strides = array<i32>} : memref<512x32xf32, #tpu.memory_space<vmem>>, vector<1x16xf32>,
      %add3A_281 = arith.addf %scan3A_274#2, %scan3A_274#3 : vector<16xf32>
      %swap3A_282 = arith.index_cast %add3A_228 : i32 to index
      %swap3A_283 = arith.constant 16 : index
      %swap3A_284 = tpu.vector_load %arg7[%swap3A_282, %swap3A_283] {strides = array<i32>} : memref<512x32xf32, #tpu.memory_space<vmem>>, vector<1x16xf32>,
      %swap3A_285 = vector.shape_cast %swap3A_284 : vector<1x16xf32> to vector<16xf32>
      %swap3A_286 = vector.shape_cast %add3A_281 : vector<16xf32> to vector<1x16xf32>
      tpu.vector_store %arg7[%swap3A_282, %swap3A_283], %swap3A_286 {strides = array<i32>} : memref<512x32xf32, #tpu.memory_space<vmem>>, vector<1x16xf32>,
      %add3A_287 = arith.constant 1 : i32
      %add3A_288 = arith.addi %add3A_226, %add3A_287 : i32
      %add3A_289 = arith.constant 4 : i32
      %add3A_290 = arith.addi %add3A_288, %add3A_289 : i32
      %sub3A_291 = arith.constant 1 : i32
      %sub3A_292 = arith.subi %add3A_290, %sub3A_291 : i32
      %lt3A_293 = arith.constant 512 : i32
      %lt3A_294 = arith.cmpi slt, %sub3A_292, %lt3A_293 : i32
      %convert_element_type3A_295 = arith.extui %lt3A_294 : i1 to i32
      %cond3A_296 = arith.constant 0 : i32
      %cond3A_297 = arith.cmpi ne, %convert_element_type3A_295, %cond3A_296 : i32
      scf.if %cond3A_297 {
        %add3A_485 = arith.constant 4 : i32
        %add3A_486 = arith.addi %add3A_288, %add3A_485 : i32
        %sub3A_487 = arith.constant 1 : i32
        %sub3A_488 = arith.subi %add3A_486, %sub3A_487 : i32
        %add3A_489 = arith.addi %mul3A_2, %sub3A_488 : i32
        %dma_wait3A_490 = arith.constant 0 : i32
        %dma_wait3A_491 = arith.constant 0 : i32
        %dma_wait3A_492 = arith.constant 0 : i32
        %dma_wait3A_493 = tpu.memref_slice %arg5[%dma_wait3A_490, %dma_wait3A_491, %dma_wait3A_492] : memref<4x2x100xi32, #tpu.memory_space<vmem>> -> memref<1x2x100xi32, #tpu.memory_space<vmem>>
        %dma_wait3A_494 = tpu.memref_squeeze %dma_wait3A_493 : memref<1x2x100xi32, #tpu.memory_space<vmem>> -> memref<2x100xi32, #tpu.memory_space<vmem>>
        %dma_wait3A_495 = arith.constant 0 : i32
        %dma_wait3A_496 = arith.constant 0 : i32
        %dma_wait3A_497 = tpu.memref_slice %arg2[%add3A_489, %dma_wait3A_495, %dma_wait3A_496] : memref<16384x2x100xi32, #tpu.memory_space<hbm>> -> memref<1x2x100xi32, #tpu.memory_space<hbm>>
        %dma_wait3A_498 = tpu.memref_squeeze %dma_wait3A_497 : memref<1x2x100xi32, #tpu.memory_space<hbm>> -> memref<2x100xi32, #tpu.memory_space<hbm>>
        %dma_wait3A_499 = arith.constant 0 : i32
        %dma_wait3A_500 = arith.constant 0 : i32
        %dma_wait3A_501 = tpu.memref_slice %arg5[%dma_wait3A_490, %dma_wait3A_499, %dma_wait3A_500] : memref<4x2x100xi32, #tpu.memory_space<vmem>> -> memref<1x2x100xi32, #tpu.memory_space<vmem>>
        %dma_wait3A_502 = tpu.memref_squeeze %dma_wait3A_501 : memref<1x2x100xi32, #tpu.memory_space<vmem>> -> memref<2x100xi32, #tpu.memory_space<vmem>>
        %dma_wait3A_503 = arith.constant 0 : i32
        %dma_wait3A_504 = arith.constant 0 : i32
        %dma_wait3A_505 = tpu.memref_slice %arg2[%add3A_489, %dma_wait3A_503, %dma_wait3A_504] : memref<16384x2x100xi32, #tpu.memory_space<hbm>> -> memref<1x2x100xi32, #tpu.memory_space<hbm>>
        %dma_wait3A_506 = tpu.memref_squeeze %dma_wait3A_505 : memref<1x2x100xi32, #tpu.memory_space<hbm>> -> memref<2x100xi32, #tpu.memory_space<hbm>>
        tpu.wait_dma2 semaphore(%arg8 : memref<!tpu.dma_semaphore, #tpu.memory_space<semaphore_mem>>) src(%dma_wait3A_506 : memref<2x100xi32, #tpu.memory_space<hbm>>) dst(%dma_wait3A_502 : memref<2x100xi32, #tpu.memory_space<vmem>>)
        %dma_start3A_507 = arith.constant 0 : i32
        %dma_start3A_508 = arith.constant 0 : i32
        %dma_start3A_509 = arith.constant 0 : i32
        %dma_start3A_510 = arith.constant 0 : i32
        %dma_start3A_511 = arith.constant 0 : i32
        %dma_start3A_512 = arith.constant 0 : i32
        %dma_start3A_513 = tpu.memref_slice %arg6[%dma_start3A_509, %dma_start3A_510, %dma_start3A_511, %dma_start3A_512] : memref<4x2x100x32xf32, #tpu.memory_space<vmem>> -> memref<1x1x100x32xf32, #tpu.memory_space<vmem>>
        %dma_start3A_514 = tpu.memref_squeeze %dma_start3A_513 : memref<1x1x100x32xf32, #tpu.memory_space<vmem>> -> memref<100x32xf32, #tpu.memory_space<vmem>>
        %dma_start3A_515 = arith.constant 0 : i32
        %dma_start3A_516 = tpu.memref_slice %arg5[%dma_start3A_507, %dma_start3A_508, %dma_start3A_515] : memref<4x2x100xi32, #tpu.memory_space<vmem>> -> memref<1x1x100xi32, #tpu.memory_space<vmem>>
        %dma_start3A_517 = tpu.memref_squeeze %dma_start3A_516 : memref<1x1x100xi32, #tpu.memory_space<vmem>> -> memref<100xi32, #tpu.memory_space<vmem>>
        %dma_start3A_518 = arith.constant 0 : i32
        %dma_start3A_519 = arith.constant 0 : i32
        %dma_start3A_520 = tpu.memref_slice %arg3[%dma_start3A_518, %dma_start3A_519] : memref<100000x32xf32, #tpu.memory_space<hbm>> -> memref<100000x32xf32, #tpu.memory_space<hbm>>
        tpu.enqueue_indirect_dma source(%dma_start3A_520 : memref<100000x32xf32, #tpu.memory_space<hbm>>) target(%dma_start3A_514 : memref<100x32xf32, #tpu.memory_space<vmem>>) offsets(%dma_start3A_517 : memref<100xi32, #tpu.memory_space<vmem>>) semaphore(%arg9 : memref<!tpu.dma_semaphore, #tpu.memory_space<semaphore_mem>>)
        %dma_start3A_521 = arith.constant 0 : i32
        %dma_start3A_522 = arith.constant 1 : i32
        %dma_start3A_523 = arith.constant 0 : i32
        %dma_start3A_524 = arith.constant 1 : i32
        %dma_start3A_525 = arith.constant 0 : i32
        %dma_start3A_526 = arith.constant 0 : i32
        %dma_start3A_527 = tpu.memref_slice %arg6[%dma_start3A_523, %dma_start3A_524, %dma_start3A_525, %dma_start3A_526] : memref<4x2x100x32xf32, #tpu.memory_space<vmem>> -> memref<1x1x100x32xf32, #tpu.memory_space<vmem>>
        %dma_start3A_528 = tpu.memref_squeeze %dma_start3A_527 : memref<1x1x100x32xf32, #tpu.memory_space<vmem>> -> memref<100x32xf32, #tpu.memory_space<vmem>>
        %dma_start3A_529 = arith.constant 0 : i32
        %dma_start3A_530 = tpu.memref_slice %arg5[%dma_start3A_521, %dma_start3A_522, %dma_start3A_529] : memref<4x2x100xi32, #tpu.memory_space<vmem>> -> memref<1x1x100xi32, #tpu.memory_space<vmem>>
        %dma_start3A_531 = tpu.memref_squeeze %dma_start3A_530 : memref<1x1x100xi32, #tpu.memory_space<vmem>> -> memref<100xi32, #tpu.memory_space<vmem>>
        %dma_start3A_532 = arith.constant 0 : i32
        %dma_start3A_533 = arith.constant 0 : i32
        %dma_start3A_534 = tpu.memref_slice %arg3[%dma_start3A_532, %dma_start3A_533] : memref<100000x32xf32, #tpu.memory_space<hbm>> -> memref<100000x32xf32, #tpu.memory_space<hbm>>
        tpu.enqueue_indirect_dma source(%dma_start3A_534 : memref<100000x32xf32, #tpu.memory_space<hbm>>) target(%dma_start3A_528 : memref<100x32xf32, #tpu.memory_space<vmem>>) offsets(%dma_start3A_531 : memref<100xi32, #tpu.memory_space<vmem>>) semaphore(%arg9 : memref<!tpu.dma_semaphore, #tpu.memory_space<semaphore_mem>>)
      } else {
      }
      %dma_wait3A_298 = arith.constant 1 : i32
      %dma_wait3A_299 = arith.constant 0 : i32
      %dma_wait3A_300 = arith.constant 1 : i32
      %dma_wait3A_301 = arith.constant 0 : i32
      %dma_wait3A_302 = arith.constant 0 : i32
      %dma_wait3A_303 = arith.constant 0 : i32
      %dma_wait3A_304 = tpu.memref_slice %arg6[%dma_wait3A_300, %dma_wait3A_301, %dma_wait3A_302, %dma_wait3A_303] : memref<4x2x100x32xf32, #tpu.memory_space<vmem>> -> memref<1x1x100x32xf32, #tpu.memory_space<vmem>>
      %dma_wait3A_305 = tpu.memref_squeeze %dma_wait3A_304 : memref<1x1x100x32xf32, #tpu.memory_space<vmem>> -> memref<100x32xf32, #tpu.memory_space<vmem>>
      %dma_wait3A_306 = arith.constant 0 : i32
      %dma_wait3A_307 = tpu.memref_slice %arg5[%dma_wait3A_298, %dma_wait3A_299, %dma_wait3A_306] : memref<4x2x100xi32, #tpu.memory_space<vmem>> -> memref<1x1x100xi32, #tpu.memory_space<vmem>>
      %dma_wait3A_308 = tpu.memref_squeeze %dma_wait3A_307 : memref<1x1x100xi32, #tpu.memory_space<vmem>> -> memref<100xi32, #tpu.memory_space<vmem>>
      %dma_wait3A_309 = arith.constant 0 : i32
      %dma_wait3A_310 = arith.constant 0 : i32
      %dma_wait3A_311 = tpu.memref_slice %arg3[%dma_wait3A_309, %dma_wait3A_310] : memref<100000x32xf32, #tpu.memory_space<hbm>> -> memref<100000x32xf32, #tpu.memory_space<hbm>>
      tpu.wait_indirect_dma semaphore(%arg10 : memref<!tpu.dma_semaphore, #tpu.memory_space<semaphore_mem>>) src(%dma_wait3A_311 : memref<100000x32xf32, #tpu.memory_space<hbm>>) dst(%dma_wait3A_305 : memref<100x32xf32, #tpu.memory_space<vmem>>)
      %dma_wait3A_312 = arith.constant 1 : i32
      %dma_wait3A_313 = arith.constant 1 : i32
      %dma_wait3A_314 = arith.constant 1 : i32
      %dma_wait3A_315 = arith.constant 1 : i32
      %dma_wait3A_316 = arith.constant 0 : i32
      %dma_wait3A_317 = arith.constant 0 : i32
      %dma_wait3A_318 = tpu.memref_slice %arg6[%dma_wait3A_314, %dma_wait3A_315, %dma_wait3A_316, %dma_wait3A_317] : memref<4x2x100x32xf32, #tpu.memory_space<vmem>> -> memref<1x1x100x32xf32, #tpu.memory_space<vmem>>
      %dma_wait3A_319 = tpu.memref_squeeze %dma_wait3A_318 : memref<1x1x100x32xf32, #tpu.memory_space<vmem>> -> memref<100x32xf32, #tpu.memory_space<vmem>>
      %dma_wait3A_320 = arith.constant 0 : i32
      %dma_wait3A_321 = tpu.memref_slice %arg5[%dma_wait3A_312, %dma_wait3A_313, %dma_wait3A_320] : memref<4x2x100xi32, #tpu.memory_space<vmem>> -> memref<1x1x100xi32, #tpu.memory_space<vmem>>
      %dma_wait3A_322 = tpu.memref_squeeze %dma_wait3A_321 : memref<1x1x100xi32, #tpu.memory_space<vmem>> -> memref<100xi32, #tpu.memory_space<vmem>>
      %dma_wait3A_323 = arith.constant 0 : i32
      %dma_wait3A_324 = arith.constant 0 : i32
      %dma_wait3A_325 = tpu.memref_slice %arg3[%dma_wait3A_323, %dma_wait3A_324] : memref<100000x32xf32, #tpu.memory_space<hbm>> -> memref<100000x32xf32, #tpu.memory_space<hbm>>
      tpu.wait_indirect_dma semaphore(%arg10 : memref<!tpu.dma_semaphore, #tpu.memory_space<semaphore_mem>>) src(%dma_wait3A_325 : memref<100000x32xf32, #tpu.memory_space<hbm>>) dst(%dma_wait3A_319 : memref<100x32xf32, #tpu.memory_space<vmem>>)
      %add3A_326 = arith.constant 4 : i32
      %add3A_327 = arith.addi %add3A_288, %add3A_326 : i32
      %lt3A_328 = arith.constant 512 : i32
      %lt3A_329 = arith.cmpi slt, %add3A_327, %lt3A_328 : i32
      %convert_element_type3A_330 = arith.extui %lt3A_329 : i1 to i32
      %cond3A_331 = arith.constant 0 : i32
      %cond3A_332 = arith.cmpi ne, %convert_element_type3A_330, %cond3A_331 : i32
      scf.if %cond3A_332 {
        %add3A_485 = arith.constant 4 : i32
        %add3A_486 = arith.addi %add3A_288, %add3A_485 : i32
        %add3A_487 = arith.addi %mul3A_2, %add3A_486 : i32
        %dma_start3A_488 = arith.constant 1 : i32
        %dma_start3A_489 = arith.constant 0 : i32
        %dma_start3A_490 = arith.constant 0 : i32
        %dma_start3A_491 = tpu.memref_slice %arg5[%dma_start3A_488, %dma_start3A_489, %dma_start3A_490] : memref<4x2x100xi32, #tpu.memory_space<vmem>> -> memref<1x2x100xi32, #tpu.memory_space<vmem>>
        %dma_start3A_492 = tpu.memref_squeeze %dma_start3A_491 : memref<1x2x100xi32, #tpu.memory_space<vmem>> -> memref<2x100xi32, #tpu.memory_space<vmem>>
        %dma_start3A_493 = arith.constant 0 : i32
        %dma_start3A_494 = arith.constant 0 : i32
        %dma_start3A_495 = tpu.memref_slice %arg2[%add3A_487, %dma_start3A_493, %dma_start3A_494] : memref<16384x2x100xi32, #tpu.memory_space<hbm>> -> memref<1x2x100xi32, #tpu.memory_space<hbm>>
        %dma_start3A_496 = tpu.memref_squeeze %dma_start3A_495 : memref<1x2x100xi32, #tpu.memory_space<hbm>> -> memref<2x100xi32, #tpu.memory_space<hbm>>
        %dma_start3A_497 = arith.constant 0 : i32
        %dma_start3A_498 = arith.constant 0 : i32
        %dma_start3A_499 = tpu.memref_slice %arg5[%dma_start3A_488, %dma_start3A_497, %dma_start3A_498] : memref<4x2x100xi32, #tpu.memory_space<vmem>> -> memref<1x2x100xi32, #tpu.memory_space<vmem>>
        %dma_start3A_500 = tpu.memref_squeeze %dma_start3A_499 : memref<1x2x100xi32, #tpu.memory_space<vmem>> -> memref<2x100xi32, #tpu.memory_space<vmem>>
        %dma_start3A_501 = arith.constant 0 : i32
        %dma_start3A_502 = arith.constant 0 : i32
        %dma_start3A_503 = tpu.memref_slice %arg2[%add3A_487, %dma_start3A_501, %dma_start3A_502] : memref<16384x2x100xi32, #tpu.memory_space<hbm>> -> memref<1x2x100xi32, #tpu.memory_space<hbm>>
        %dma_start3A_504 = tpu.memref_squeeze %dma_start3A_503 : memref<1x2x100xi32, #tpu.memory_space<hbm>> -> memref<2x100xi32, #tpu.memory_space<hbm>>
        tpu.enqueue_dma source(%dma_start3A_504 : memref<2x100xi32, #tpu.memory_space<hbm>>) target(%dma_start3A_500 : memref<2x100xi32, #tpu.memory_space<vmem>>) target_semaphore(%arg8 : memref<!tpu.dma_semaphore, #tpu.memory_space<semaphore_mem>>)
      } else {
      }
      %broadcast_in_dim3A_333 = arith.constant 0.000000e+00 : f32
      %broadcast_in_dim3A_334 = vector.broadcast %broadcast_in_dim3A_333 : f32 to vector<16xf32>
      %scan3A_335 = arith.constant 0 : i32
      %scan3A_336 = arith.constant 100 : i32
      %scan3A_337 = arith.addi %scan3A_335, %scan3A_336 : i32
      %scan3A_338 = arith.constant 10 : i32
      %scan3A_339:4 = scf.for %scan3A_485 = %scan3A_335 to %scan3A_337 step %scan3A_338 iter_args(%scan3A_486 = %broadcast_in_dim3A_334, %scan3A_487 = %broadcast_in_dim3A_334, %scan3A_488 = %broadcast_in_dim3A_334, %scan3A_489 = %broadcast_in_dim3A_334) -> (vector<16xf32>, vector<16xf32>, vector<16xf32>, vector<16xf32>)  : i32 {
        %get3A = arith.constant 1 : i32
        %get3A_490 = arith.constant 0 : i32
        %get3A_491 = arith.index_cast %get3A : i32 to index
        %get3A_492 = arith.index_cast %get3A_490 : i32 to index
        %get3A_493 = arith.index_cast %scan3A_485 : i32 to index
        %get3A_494 = arith.constant 0 : index
        %get3A_495 = tpu.vector_load %arg6[%get3A_491, %get3A_492, %get3A_493, %get3A_494] {strides = array<i32>} : memref<4x2x100x32xf32, #tpu.memory_space<vmem>>, vector<1x1x1x16xf32>,
        %get3A_496 = vector.shape_cast %get3A_495 : vector<1x1x1x16xf32> to vector<16xf32>
        %add3A_497 = arith.addf %scan3A_486, %get3A_496 : vector<16xf32>
        %get3A_498 = arith.constant 1 : i32
        %get3A_499 = arith.constant 0 : i32
        %get3A_500 = arith.index_cast %get3A_498 : i32 to index
        %get3A_501 = arith.index_cast %get3A_499 : i32 to index
        %get3A_502 = arith.index_cast %scan3A_485 : i32 to index
        %get3A_503 = arith.constant 16 : index
        %get3A_504 = tpu.vector_load %arg6[%get3A_500, %get3A_501, %get3A_502, %get3A_503] {strides = array<i32>} : memref<4x2x100x32xf32, #tpu.memory_space<vmem>>, vector<1x1x1x16xf32>,
        %get3A_505 = vector.shape_cast %get3A_504 : vector<1x1x1x16xf32> to vector<16xf32>
        %add3A_506 = arith.addf %scan3A_488, %get3A_505 : vector<16xf32>
        %get3A_507 = arith.constant 1 : i32
        %get3A_508 = arith.constant 1 : i32
        %get3A_509 = arith.index_cast %get3A_507 : i32 to index
        %get3A_510 = arith.index_cast %get3A_508 : i32 to index
        %get3A_511 = arith.index_cast %scan3A_485 : i32 to index
        %get3A_512 = arith.constant 0 : index
        %get3A_513 = tpu.vector_load %arg6[%get3A_509, %get3A_510, %get3A_511, %get3A_512] {strides = array<i32>} : memref<4x2x100x32xf32, #tpu.memory_space<vmem>>, vector<1x1x1x16xf32>,
        %get3A_514 = vector.shape_cast %get3A_513 : vector<1x1x1x16xf32> to vector<16xf32>
        %add3A_515 = arith.addf %scan3A_487, %get3A_514 : vector<16xf32>
        %get3A_516 = arith.constant 1 : i32
        %get3A_517 = arith.constant 1 : i32
        %get3A_518 = arith.index_cast %get3A_516 : i32 to index
        %get3A_519 = arith.index_cast %get3A_517 : i32 to index
        %get3A_520 = arith.index_cast %scan3A_485 : i32 to index
        %get3A_521 = arith.constant 16 : index
        %get3A_522 = tpu.vector_load %arg6[%get3A_518, %get3A_519, %get3A_520, %get3A_521] {strides = array<i32>} : memref<4x2x100x32xf32, #tpu.memory_space<vmem>>, vector<1x1x1x16xf32>,
        %get3A_523 = vector.shape_cast %get3A_522 : vector<1x1x1x16xf32> to vector<16xf32>
        %add3A_524 = arith.addf %scan3A_489, %get3A_523 : vector<16xf32>
        %scan3A_525 = arith.constant 1 : i32
        %scan3A_526 = arith.addi %scan3A_485, %scan3A_525 : i32
        %get3A_527 = arith.constant 1 : i32
        %get3A_528 = arith.constant 0 : i32
        %get3A_529 = arith.index_cast %get3A_527 : i32 to index
        %get3A_530 = arith.index_cast %get3A_528 : i32 to index
        %get3A_531 = arith.index_cast %scan3A_526 : i32 to index
        %get3A_532 = arith.constant 0 : index
        %get3A_533 = tpu.vector_load %arg6[%get3A_529, %get3A_530, %get3A_531, %get3A_532] {strides = array<i32>} : memref<4x2x100x32xf32, #tpu.memory_space<vmem>>, vector<1x1x1x16xf32>,
        %get3A_534 = vector.shape_cast %get3A_533 : vector<1x1x1x16xf32> to vector<16xf32>
        %add3A_535 = arith.addf %add3A_497, %get3A_534 : vector<16xf32>
        %get3A_536 = arith.constant 1 : i32
        %get3A_537 = arith.constant 0 : i32
        %get3A_538 = arith.index_cast %get3A_536 : i32 to index
        %get3A_539 = arith.index_cast %get3A_537 : i32 to index
        %get3A_540 = arith.index_cast %scan3A_526 : i32 to index
        %get3A_541 = arith.constant 16 : index
        %get3A_542 = tpu.vector_load %arg6[%get3A_538, %get3A_539, %get3A_540, %get3A_541] {strides = array<i32>} : memref<4x2x100x32xf32, #tpu.memory_space<vmem>>, vector<1x1x1x16xf32>,
        %get3A_543 = vector.shape_cast %get3A_542 : vector<1x1x1x16xf32> to vector<16xf32>
        %add3A_544 = arith.addf %add3A_506, %get3A_543 : vector<16xf32>
        %get3A_545 = arith.constant 1 : i32
        %get3A_546 = arith.constant 1 : i32
        %get3A_547 = arith.index_cast %get3A_545 : i32 to index
        %get3A_548 = arith.index_cast %get3A_546 : i32 to index
        %get3A_549 = arith.index_cast %scan3A_526 : i32 to index
        %get3A_550 = arith.constant 0 : index
        %get3A_551 = tpu.vector_load %arg6[%get3A_547, %get3A_548, %get3A_549, %get3A_550] {strides = array<i32>} : memref<4x2x100x32xf32, #tpu.memory_space<vmem>>, vector<1x1x1x16xf32>,
        %get3A_552 = vector.shape_cast %get3A_551 : vector<1x1x1x16xf32> to vector<16xf32>
        %add3A_553 = arith.addf %add3A_515, %get3A_552 : vector<16xf32>
        %get3A_554 = arith.constant 1 : i32
        %get3A_555 = arith.constant 1 : i32
        %get3A_556 = arith.index_cast %get3A_554 : i32 to index
        %get3A_557 = arith.index_cast %get3A_555 : i32 to index
        %get3A_558 = arith.index_cast %scan3A_526 : i32 to index
        %get3A_559 = arith.constant 16 : index
        %get3A_560 = tpu.vector_load %arg6[%get3A_556, %get3A_557, %get3A_558, %get3A_559] {strides = array<i32>} : memref<4x2x100x32xf32, #tpu.memory_space<vmem>>, vector<1x1x1x16xf32>,
        %get3A_561 = vector.shape_cast %get3A_560 : vector<1x1x1x16xf32> to vector<16xf32>
        %add3A_562 = arith.addf %add3A_524, %get3A_561 : vector<16xf32>
        %scan3A_563 = arith.constant 2 : i32
        %scan3A_564 = arith.addi %scan3A_485, %scan3A_563 : i32
        %get3A_565 = arith.constant 1 : i32
        %get3A_566 = arith.constant 0 : i32
        %get3A_567 = arith.index_cast %get3A_565 : i32 to index
        %get3A_568 = arith.index_cast %get3A_566 : i32 to index
        %get3A_569 = arith.index_cast %scan3A_564 : i32 to index
        %get3A_570 = arith.constant 0 : index
        %get3A_571 = tpu.vector_load %arg6[%get3A_567, %get3A_568, %get3A_569, %get3A_570] {strides = array<i32>} : memref<4x2x100x32xf32, #tpu.memory_space<vmem>>, vector<1x1x1x16xf32>,
        %get3A_572 = vector.shape_cast %get3A_571 : vector<1x1x1x16xf32> to vector<16xf32>
        %add3A_573 = arith.addf %add3A_535, %get3A_572 : vector<16xf32>
        %get3A_574 = arith.constant 1 : i32
        %get3A_575 = arith.constant 0 : i32
        %get3A_576 = arith.index_cast %get3A_574 : i32 to index
        %get3A_577 = arith.index_cast %get3A_575 : i32 to index
        %get3A_578 = arith.index_cast %scan3A_564 : i32 to index
        %get3A_579 = arith.constant 16 : index
        %get3A_580 = tpu.vector_load %arg6[%get3A_576, %get3A_577, %get3A_578, %get3A_579] {strides = array<i32>} : memref<4x2x100x32xf32, #tpu.memory_space<vmem>>, vector<1x1x1x16xf32>,
        %get3A_581 = vector.shape_cast %get3A_580 : vector<1x1x1x16xf32> to vector<16xf32>
        %add3A_582 = arith.addf %add3A_544, %get3A_581 : vector<16xf32>
        %get3A_583 = arith.constant 1 : i32
        %get3A_584 = arith.constant 1 : i32
        %get3A_585 = arith.index_cast %get3A_583 : i32 to index
        %get3A_586 = arith.index_cast %get3A_584 : i32 to index
        %get3A_587 = arith.index_cast %scan3A_564 : i32 to index
        %get3A_588 = arith.constant 0 : index
        %get3A_589 = tpu.vector_load %arg6[%get3A_585, %get3A_586, %get3A_587, %get3A_588] {strides = array<i32>} : memref<4x2x100x32xf32, #tpu.memory_space<vmem>>, vector<1x1x1x16xf32>,
        %get3A_590 = vector.shape_cast %get3A_589 : vector<1x1x1x16xf32> to vector<16xf32>
        %add3A_591 = arith.addf %add3A_553, %get3A_590 : vector<16xf32>
        %get3A_592 = arith.constant 1 : i32
        %get3A_593 = arith.constant 1 : i32
        %get3A_594 = arith.index_cast %get3A_592 : i32 to index
        %get3A_595 = arith.index_cast %get3A_593 : i32 to index
        %get3A_596 = arith.index_cast %scan3A_564 : i32 to index
        %get3A_597 = arith.constant 16 : index
        %get3A_598 = tpu.vector_load %arg6[%get3A_594, %get3A_595, %get3A_596, %get3A_597] {strides = array<i32>} : memref<4x2x100x32xf32, #tpu.memory_space<vmem>>, vector<1x1x1x16xf32>,
        %get3A_599 = vector.shape_cast %get3A_598 : vector<1x1x1x16xf32> to vector<16xf32>
        %add3A_600 = arith.addf %add3A_562, %get3A_599 : vector<16xf32>
        %scan3A_601 = arith.constant 3 : i32
        %scan3A_602 = arith.addi %scan3A_485, %scan3A_601 : i32
        %get3A_603 = arith.constant 1 : i32
        %get3A_604 = arith.constant 0 : i32
        %get3A_605 = arith.index_cast %get3A_603 : i32 to index
        %get3A_606 = arith.index_cast %get3A_604 : i32 to index
        %get3A_607 = arith.index_cast %scan3A_602 : i32 to index
        %get3A_608 = arith.constant 0 : index
        %get3A_609 = tpu.vector_load %arg6[%get3A_605, %get3A_606, %get3A_607, %get3A_608] {strides = array<i32>} : memref<4x2x100x32xf32, #tpu.memory_space<vmem>>, vector<1x1x1x16xf32>,
        %get3A_610 = vector.shape_cast %get3A_609 : vector<1x1x1x16xf32> to vector<16xf32>
        %add3A_611 = arith.addf %add3A_573, %get3A_610 : vector<16xf32>
        %get3A_612 = arith.constant 1 : i32
        %get3A_613 = arith.constant 0 : i32
        %get3A_614 = arith.index_cast %get3A_612 : i32 to index
        %get3A_615 = arith.index_cast %get3A_613 : i32 to index
        %get3A_616 = arith.index_cast %scan3A_602 : i32 to index
        %get3A_617 = arith.constant 16 : index
        %get3A_618 = tpu.vector_load %arg6[%get3A_614, %get3A_615, %get3A_616, %get3A_617] {strides = array<i32>} : memref<4x2x100x32xf32, #tpu.memory_space<vmem>>, vector<1x1x1x16xf32>,
        %get3A_619 = vector.shape_cast %get3A_618 : vector<1x1x1x16xf32> to vector<16xf32>
        %add3A_620 = arith.addf %add3A_582, %get3A_619 : vector<16xf32>
        %get3A_621 = arith.constant 1 : i32
        %get3A_622 = arith.constant 1 : i32
        %get3A_623 = arith.index_cast %get3A_621 : i32 to index
        %get3A_624 = arith.index_cast %get3A_622 : i32 to index
        %get3A_625 = arith.index_cast %scan3A_602 : i32 to index
        %get3A_626 = arith.constant 0 : index
        %get3A_627 = tpu.vector_load %arg6[%get3A_623, %get3A_624, %get3A_625, %get3A_626] {strides = array<i32>} : memref<4x2x100x32xf32, #tpu.memory_space<vmem>>, vector<1x1x1x16xf32>,
        %get3A_628 = vector.shape_cast %get3A_627 : vector<1x1x1x16xf32> to vector<16xf32>
        %add3A_629 = arith.addf %add3A_591, %get3A_628 : vector<16xf32>
        %get3A_630 = arith.constant 1 : i32
        %get3A_631 = arith.constant 1 : i32
        %get3A_632 = arith.index_cast %get3A_630 : i32 to index
        %get3A_633 = arith.index_cast %get3A_631 : i32 to index
        %get3A_634 = arith.index_cast %scan3A_602 : i32 to index
        %get3A_635 = arith.constant 16 : index
        %get3A_636 = tpu.vector_load %arg6[%get3A_632, %get3A_633, %get3A_634, %get3A_635] {strides = array<i32>} : memref<4x2x100x32xf32, #tpu.memory_space<vmem>>, vector<1x1x1x16xf32>,
        %get3A_637 = vector.shape_cast %get3A_636 : vector<1x1x1x16xf32> to vector<16xf32>
        %add3A_638 = arith.addf %add3A_600, %get3A_637 : vector<16xf32>
        %scan3A_639 = arith.constant 4 : i32
        %scan3A_640 = arith.addi %scan3A_485, %scan3A_639 : i32
        %get3A_641 = arith.constant 1 : i32
        %get3A_642 = arith.constant 0 : i32
        %get3A_643 = arith.index_cast %get3A_641 : i32 to index
        %get3A_644 = arith.index_cast %get3A_642 : i32 to index
        %get3A_645 = arith.index_cast %scan3A_640 : i32 to index
        %get3A_646 = arith.constant 0 : index
        %get3A_647 = tpu.vector_load %arg6[%get3A_643, %get3A_644, %get3A_645, %get3A_646] {strides = array<i32>} : memref<4x2x100x32xf32, #tpu.memory_space<vmem>>, vector<1x1x1x16xf32>,
        %get3A_648 = vector.shape_cast %get3A_647 : vector<1x1x1x16xf32> to vector<16xf32>
        %add3A_649 = arith.addf %add3A_611, %get3A_648 : vector<16xf32>
        %get3A_650 = arith.constant 1 : i32
        %get3A_651 = arith.constant 0 : i32
        %get3A_652 = arith.index_cast %get3A_650 : i32 to index
        %get3A_653 = arith.index_cast %get3A_651 : i32 to index
        %get3A_654 = arith.index_cast %scan3A_640 : i32 to index
        %get3A_655 = arith.constant 16 : index
        %get3A_656 = tpu.vector_load %arg6[%get3A_652, %get3A_653, %get3A_654, %get3A_655] {strides = array<i32>} : memref<4x2x100x32xf32, #tpu.memory_space<vmem>>, vector<1x1x1x16xf32>,
        %get3A_657 = vector.shape_cast %get3A_656 : vector<1x1x1x16xf32> to vector<16xf32>
        %add3A_658 = arith.addf %add3A_620, %get3A_657 : vector<16xf32>
        %get3A_659 = arith.constant 1 : i32
        %get3A_660 = arith.constant 1 : i32
        %get3A_661 = arith.index_cast %get3A_659 : i32 to index
        %get3A_662 = arith.index_cast %get3A_660 : i32 to index
        %get3A_663 = arith.index_cast %scan3A_640 : i32 to index
        %get3A_664 = arith.constant 0 : index
        %get3A_665 = tpu.vector_load %arg6[%get3A_661, %get3A_662, %get3A_663, %get3A_664] {strides = array<i32>} : memref<4x2x100x32xf32, #tpu.memory_space<vmem>>, vector<1x1x1x16xf32>,
        %get3A_666 = vector.shape_cast %get3A_665 : vector<1x1x1x16xf32> to vector<16xf32>
        %add3A_667 = arith.addf %add3A_629, %get3A_666 : vector<16xf32>
        %get3A_668 = arith.constant 1 : i32
        %get3A_669 = arith.constant 1 : i32
        %get3A_670 = arith.index_cast %get3A_668 : i32 to index
        %get3A_671 = arith.index_cast %get3A_669 : i32 to index
        %get3A_672 = arith.index_cast %scan3A_640 : i32 to index
        %get3A_673 = arith.constant 16 : index
        %get3A_674 = tpu.vector_load %arg6[%get3A_670, %get3A_671, %get3A_672, %get3A_673] {strides = array<i32>} : memref<4x2x100x32xf32, #tpu.memory_space<vmem>>, vector<1x1x1x16xf32>,
        %get3A_675 = vector.shape_cast %get3A_674 : vector<1x1x1x16xf32> to vector<16xf32>
        %add3A_676 = arith.addf %add3A_638, %get3A_675 : vector<16xf32>
        %scan3A_677 = arith.constant 5 : i32
        %scan3A_678 = arith.addi %scan3A_485, %scan3A_677 : i32
        %get3A_679 = arith.constant 1 : i32
        %get3A_680 = arith.constant 0 : i32
        %get3A_681 = arith.index_cast %get3A_679 : i32 to index
        %get3A_682 = arith.index_cast %get3A_680 : i32 to index
        %get3A_683 = arith.index_cast %scan3A_678 : i32 to index
        %get3A_684 = arith.constant 0 : index
        %get3A_685 = tpu.vector_load %arg6[%get3A_681, %get3A_682, %get3A_683, %get3A_684] {strides = array<i32>} : memref<4x2x100x32xf32, #tpu.memory_space<vmem>>, vector<1x1x1x16xf32>,
        %get3A_686 = vector.shape_cast %get3A_685 : vector<1x1x1x16xf32> to vector<16xf32>
        %add3A_687 = arith.addf %add3A_649, %get3A_686 : vector<16xf32>
        %get3A_688 = arith.constant 1 : i32
        %get3A_689 = arith.constant 0 : i32
        %get3A_690 = arith.index_cast %get3A_688 : i32 to index
        %get3A_691 = arith.index_cast %get3A_689 : i32 to index
        %get3A_692 = arith.index_cast %scan3A_678 : i32 to index
        %get3A_693 = arith.constant 16 : index
        %get3A_694 = tpu.vector_load %arg6[%get3A_690, %get3A_691, %get3A_692, %get3A_693] {strides = array<i32>} : memref<4x2x100x32xf32, #tpu.memory_space<vmem>>, vector<1x1x1x16xf32>,
        %get3A_695 = vector.shape_cast %get3A_694 : vector<1x1x1x16xf32> to vector<16xf32>
        %add3A_696 = arith.addf %add3A_658, %get3A_695 : vector<16xf32>
        %get3A_697 = arith.constant 1 : i32
        %get3A_698 = arith.constant 1 : i32
        %get3A_699 = arith.index_cast %get3A_697 : i32 to index
        %get3A_700 = arith.index_cast %get3A_698 : i32 to index
        %get3A_701 = arith.index_cast %scan3A_678 : i32 to index
        %get3A_702 = arith.constant 0 : index
        %get3A_703 = tpu.vector_load %arg6[%get3A_699, %get3A_700, %get3A_701, %get3A_702] {strides = array<i32>} : memref<4x2x100x32xf32, #tpu.memory_space<vmem>>, vector<1x1x1x16xf32>,
        %get3A_704 = vector.shape_cast %get3A_703 : vector<1x1x1x16xf32> to vector<16xf32>
        %add3A_705 = arith.addf %add3A_667, %get3A_704 : vector<16xf32>
        %get3A_706 = arith.constant 1 : i32
        %get3A_707 = arith.constant 1 : i32
        %get3A_708 = arith.index_cast %get3A_706 : i32 to index
        %get3A_709 = arith.index_cast %get3A_707 : i32 to index
        %get3A_710 = arith.index_cast %scan3A_678 : i32 to index
        %get3A_711 = arith.constant 16 : index
        %get3A_712 = tpu.vector_load %arg6[%get3A_708, %get3A_709, %get3A_710, %get3A_711] {strides = array<i32>} : memref<4x2x100x32xf32, #tpu.memory_space<vmem>>, vector<1x1x1x16xf32>,
        %get3A_713 = vector.shape_cast %get3A_712 : vector<1x1x1x16xf32> to vector<16xf32>
        %add3A_714 = arith.addf %add3A_676, %get3A_713 : vector<16xf32>
        %scan3A_715 = arith.constant 6 : i32
        %scan3A_716 = arith.addi %scan3A_485, %scan3A_715 : i32
        %get3A_717 = arith.constant 1 : i32
        %get3A_718 = arith.constant 0 : i32
        %get3A_719 = arith.index_cast %get3A_717 : i32 to index
        %get3A_720 = arith.index_cast %get3A_718 : i32 to index
        %get3A_721 = arith.index_cast %scan3A_716 : i32 to index
        %get3A_722 = arith.constant 0 : index
        %get3A_723 = tpu.vector_load %arg6[%get3A_719, %get3A_720, %get3A_721, %get3A_722] {strides = array<i32>} : memref<4x2x100x32xf32, #tpu.memory_space<vmem>>, vector<1x1x1x16xf32>,
        %get3A_724 = vector.shape_cast %get3A_723 : vector<1x1x1x16xf32> to vector<16xf32>
        %add3A_725 = arith.addf %add3A_687, %get3A_724 : vector<16xf32>
        %get3A_726 = arith.constant 1 : i32
        %get3A_727 = arith.constant 0 : i32
        %get3A_728 = arith.index_cast %get3A_726 : i32 to index
        %get3A_729 = arith.index_cast %get3A_727 : i32 to index
        %get3A_730 = arith.index_cast %scan3A_716 : i32 to index
        %get3A_731 = arith.constant 16 : index
        %get3A_732 = tpu.vector_load %arg6[%get3A_728, %get3A_729, %get3A_730, %get3A_731] {strides = array<i32>} : memref<4x2x100x32xf32, #tpu.memory_space<vmem>>, vector<1x1x1x16xf32>,
        %get3A_733 = vector.shape_cast %get3A_732 : vector<1x1x1x16xf32> to vector<16xf32>
        %add3A_734 = arith.addf %add3A_696, %get3A_733 : vector<16xf32>
        %get3A_735 = arith.constant 1 : i32
        %get3A_736 = arith.constant 1 : i32
        %get3A_737 = arith.index_cast %get3A_735 : i32 to index
        %get3A_738 = arith.index_cast %get3A_736 : i32 to index
        %get3A_739 = arith.index_cast %scan3A_716 : i32 to index
        %get3A_740 = arith.constant 0 : index
        %get3A_741 = tpu.vector_load %arg6[%get3A_737, %get3A_738, %get3A_739, %get3A_740] {strides = array<i32>} : memref<4x2x100x32xf32, #tpu.memory_space<vmem>>, vector<1x1x1x16xf32>,
        %get3A_742 = vector.shape_cast %get3A_741 : vector<1x1x1x16xf32> to vector<16xf32>
        %add3A_743 = arith.addf %add3A_705, %get3A_742 : vector<16xf32>
        %get3A_744 = arith.constant 1 : i32
        %get3A_745 = arith.constant 1 : i32
        %get3A_746 = arith.index_cast %get3A_744 : i32 to index
        %get3A_747 = arith.index_cast %get3A_745 : i32 to index
        %get3A_748 = arith.index_cast %scan3A_716 : i32 to index
        %get3A_749 = arith.constant 16 : index
        %get3A_750 = tpu.vector_load %arg6[%get3A_746, %get3A_747, %get3A_748, %get3A_749] {strides = array<i32>} : memref<4x2x100x32xf32, #tpu.memory_space<vmem>>, vector<1x1x1x16xf32>,
        %get3A_751 = vector.shape_cast %get3A_750 : vector<1x1x1x16xf32> to vector<16xf32>
        %add3A_752 = arith.addf %add3A_714, %get3A_751 : vector<16xf32>
        %scan3A_753 = arith.constant 7 : i32
        %scan3A_754 = arith.addi %scan3A_485, %scan3A_753 : i32
        %get3A_755 = arith.constant 1 : i32
        %get3A_756 = arith.constant 0 : i32
        %get3A_757 = arith.index_cast %get3A_755 : i32 to index
        %get3A_758 = arith.index_cast %get3A_756 : i32 to index
        %get3A_759 = arith.index_cast %scan3A_754 : i32 to index
        %get3A_760 = arith.constant 0 : index
        %get3A_761 = tpu.vector_load %arg6[%get3A_757, %get3A_758, %get3A_759, %get3A_760] {strides = array<i32>} : memref<4x2x100x32xf32, #tpu.memory_space<vmem>>, vector<1x1x1x16xf32>,
        %get3A_762 = vector.shape_cast %get3A_761 : vector<1x1x1x16xf32> to vector<16xf32>
        %add3A_763 = arith.addf %add3A_725, %get3A_762 : vector<16xf32>
        %get3A_764 = arith.constant 1 : i32
        %get3A_765 = arith.constant 0 : i32
        %get3A_766 = arith.index_cast %get3A_764 : i32 to index
        %get3A_767 = arith.index_cast %get3A_765 : i32 to index
        %get3A_768 = arith.index_cast %scan3A_754 : i32 to index
        %get3A_769 = arith.constant 16 : index
        %get3A_770 = tpu.vector_load %arg6[%get3A_766, %get3A_767, %get3A_768, %get3A_769] {strides = array<i32>} : memref<4x2x100x32xf32, #tpu.memory_space<vmem>>, vector<1x1x1x16xf32>,
        %get3A_771 = vector.shape_cast %get3A_770 : vector<1x1x1x16xf32> to vector<16xf32>
        %add3A_772 = arith.addf %add3A_734, %get3A_771 : vector<16xf32>
        %get3A_773 = arith.constant 1 : i32
        %get3A_774 = arith.constant 1 : i32
        %get3A_775 = arith.index_cast %get3A_773 : i32 to index
        %get3A_776 = arith.index_cast %get3A_774 : i32 to index
        %get3A_777 = arith.index_cast %scan3A_754 : i32 to index
        %get3A_778 = arith.constant 0 : index
        %get3A_779 = tpu.vector_load %arg6[%get3A_775, %get3A_776, %get3A_777, %get3A_778] {strides = array<i32>} : memref<4x2x100x32xf32, #tpu.memory_space<vmem>>, vector<1x1x1x16xf32>,
        %get3A_780 = vector.shape_cast %get3A_779 : vector<1x1x1x16xf32> to vector<16xf32>
        %add3A_781 = arith.addf %add3A_743, %get3A_780 : vector<16xf32>
        %get3A_782 = arith.constant 1 : i32
        %get3A_783 = arith.constant 1 : i32
        %get3A_784 = arith.index_cast %get3A_782 : i32 to index
        %get3A_785 = arith.index_cast %get3A_783 : i32 to index
        %get3A_786 = arith.index_cast %scan3A_754 : i32 to index
        %get3A_787 = arith.constant 16 : index
        %get3A_788 = tpu.vector_load %arg6[%get3A_784, %get3A_785, %get3A_786, %get3A_787] {strides = array<i32>} : memref<4x2x100x32xf32, #tpu.memory_space<vmem>>, vector<1x1x1x16xf32>,
        %get3A_789 = vector.shape_cast %get3A_788 : vector<1x1x1x16xf32> to vector<16xf32>
        %add3A_790 = arith.addf %add3A_752, %get3A_789 : vector<16xf32>
        %scan3A_791 = arith.constant 8 : i32
        %scan3A_792 = arith.addi %scan3A_485, %scan3A_791 : i32
        %get3A_793 = arith.constant 1 : i32
        %get3A_794 = arith.constant 0 : i32
        %get3A_795 = arith.index_cast %get3A_793 : i32 to index
        %get3A_796 = arith.index_cast %get3A_794 : i32 to index
        %get3A_797 = arith.index_cast %scan3A_792 : i32 to index
        %get3A_798 = arith.constant 0 : index
        %get3A_799 = tpu.vector_load %arg6[%get3A_795, %get3A_796, %get3A_797, %get3A_798] {strides = array<i32>} : memref<4x2x100x32xf32, #tpu.memory_space<vmem>>, vector<1x1x1x16xf32>,
        %get3A_800 = vector.shape_cast %get3A_799 : vector<1x1x1x16xf32> to vector<16xf32>
        %add3A_801 = arith.addf %add3A_763, %get3A_800 : vector<16xf32>
        %get3A_802 = arith.constant 1 : i32
        %get3A_803 = arith.constant 0 : i32
        %get3A_804 = arith.index_cast %get3A_802 : i32 to index
        %get3A_805 = arith.index_cast %get3A_803 : i32 to index
        %get3A_806 = arith.index_cast %scan3A_792 : i32 to index
        %get3A_807 = arith.constant 16 : index
        %get3A_808 = tpu.vector_load %arg6[%get3A_804, %get3A_805, %get3A_806, %get3A_807] {strides = array<i32>} : memref<4x2x100x32xf32, #tpu.memory_space<vmem>>, vector<1x1x1x16xf32>,
        %get3A_809 = vector.shape_cast %get3A_808 : vector<1x1x1x16xf32> to vector<16xf32>
        %add3A_810 = arith.addf %add3A_772, %get3A_809 : vector<16xf32>
        %get3A_811 = arith.constant 1 : i32
        %get3A_812 = arith.constant 1 : i32
        %get3A_813 = arith.index_cast %get3A_811 : i32 to index
        %get3A_814 = arith.index_cast %get3A_812 : i32 to index
        %get3A_815 = arith.index_cast %scan3A_792 : i32 to index
        %get3A_816 = arith.constant 0 : index
        %get3A_817 = tpu.vector_load %arg6[%get3A_813, %get3A_814, %get3A_815, %get3A_816] {strides = array<i32>} : memref<4x2x100x32xf32, #tpu.memory_space<vmem>>, vector<1x1x1x16xf32>,
        %get3A_818 = vector.shape_cast %get3A_817 : vector<1x1x1x16xf32> to vector<16xf32>
        %add3A_819 = arith.addf %add3A_781, %get3A_818 : vector<16xf32>
        %get3A_820 = arith.constant 1 : i32
        %get3A_821 = arith.constant 1 : i32
        %get3A_822 = arith.index_cast %get3A_820 : i32 to index
        %get3A_823 = arith.index_cast %get3A_821 : i32 to index
        %get3A_824 = arith.index_cast %scan3A_792 : i32 to index
        %get3A_825 = arith.constant 16 : index
        %get3A_826 = tpu.vector_load %arg6[%get3A_822, %get3A_823, %get3A_824, %get3A_825] {strides = array<i32>} : memref<4x2x100x32xf32, #tpu.memory_space<vmem>>, vector<1x1x1x16xf32>,
        %get3A_827 = vector.shape_cast %get3A_826 : vector<1x1x1x16xf32> to vector<16xf32>
        %add3A_828 = arith.addf %add3A_790, %get3A_827 : vector<16xf32>
        %scan3A_829 = arith.constant 9 : i32
        %scan3A_830 = arith.addi %scan3A_485, %scan3A_829 : i32
        %get3A_831 = arith.constant 1 : i32
        %get3A_832 = arith.constant 0 : i32
        %get3A_833 = arith.index_cast %get3A_831 : i32 to index
        %get3A_834 = arith.index_cast %get3A_832 : i32 to index
        %get3A_835 = arith.index_cast %scan3A_830 : i32 to index
        %get3A_836 = arith.constant 0 : index
        %get3A_837 = tpu.vector_load %arg6[%get3A_833, %get3A_834, %get3A_835, %get3A_836] {strides = array<i32>} : memref<4x2x100x32xf32, #tpu.memory_space<vmem>>, vector<1x1x1x16xf32>,
        %get3A_838 = vector.shape_cast %get3A_837 : vector<1x1x1x16xf32> to vector<16xf32>
        %add3A_839 = arith.addf %add3A_801, %get3A_838 : vector<16xf32>
        %get3A_840 = arith.constant 1 : i32
        %get3A_841 = arith.constant 0 : i32
        %get3A_842 = arith.index_cast %get3A_840 : i32 to index
        %get3A_843 = arith.index_cast %get3A_841 : i32 to index
        %get3A_844 = arith.index_cast %scan3A_830 : i32 to index
        %get3A_845 = arith.constant 16 : index
        %get3A_846 = tpu.vector_load %arg6[%get3A_842, %get3A_843, %get3A_844, %get3A_845] {strides = array<i32>} : memref<4x2x100x32xf32, #tpu.memory_space<vmem>>, vector<1x1x1x16xf32>,
        %get3A_847 = vector.shape_cast %get3A_846 : vector<1x1x1x16xf32> to vector<16xf32>
        %add3A_848 = arith.addf %add3A_810, %get3A_847 : vector<16xf32>
        %get3A_849 = arith.constant 1 : i32
        %get3A_850 = arith.constant 1 : i32
        %get3A_851 = arith.index_cast %get3A_849 : i32 to index
        %get3A_852 = arith.index_cast %get3A_850 : i32 to index
        %get3A_853 = arith.index_cast %scan3A_830 : i32 to index
        %get3A_854 = arith.constant 0 : index
        %get3A_855 = tpu.vector_load %arg6[%get3A_851, %get3A_852, %get3A_853, %get3A_854] {strides = array<i32>} : memref<4x2x100x32xf32, #tpu.memory_space<vmem>>, vector<1x1x1x16xf32>,
        %get3A_856 = vector.shape_cast %get3A_855 : vector<1x1x1x16xf32> to vector<16xf32>
        %add3A_857 = arith.addf %add3A_819, %get3A_856 : vector<16xf32>
        %get3A_858 = arith.constant 1 : i32
        %get3A_859 = arith.constant 1 : i32
        %get3A_860 = arith.index_cast %get3A_858 : i32 to index
        %get3A_861 = arith.index_cast %get3A_859 : i32 to index
        %get3A_862 = arith.index_cast %scan3A_830 : i32 to index
        %get3A_863 = arith.constant 16 : index
        %get3A_864 = tpu.vector_load %arg6[%get3A_860, %get3A_861, %get3A_862, %get3A_863] {strides = array<i32>} : memref<4x2x100x32xf32, #tpu.memory_space<vmem>>, vector<1x1x1x16xf32>,
        %get3A_865 = vector.shape_cast %get3A_864 : vector<1x1x1x16xf32> to vector<16xf32>
        %add3A_866 = arith.addf %add3A_828, %get3A_865 : vector<16xf32>
        scf.yield %add3A_839, %add3A_857, %add3A_848, %add3A_866 : vector<16xf32>, vector<16xf32>, vector<16xf32>, vector<16xf32>
      }
      %scan3A_340 = arith.constant 100 : i32
      %add3A_341 = arith.addf %scan3A_339#0, %scan3A_339#1 : vector<16xf32>
      %swap3A_342 = arith.index_cast %add3A_288 : i32 to index
      %swap3A_343 = arith.constant 0 : index
      %swap3A_344 = tpu.vector_load %arg7[%swap3A_342, %swap3A_343] {strides = array<i32>} : memref<512x32xf32, #tpu.memory_space<vmem>>, vector<1x16xf32>,
      %swap3A_345 = vector.shape_cast %swap3A_344 : vector<1x16xf32> to vector<16xf32>
      %swap3A_346 = vector.shape_cast %add3A_341 : vector<16xf32> to vector<1x16xf32>
      tpu.vector_store %arg7[%swap3A_342, %swap3A_343], %swap3A_346 {strides = array<i32>} : memref<512x32xf32, #tpu.memory_space<vmem>>, vector<1x16xf32>,
      %add3A_347 = arith.addf %scan3A_339#2, %scan3A_339#3 : vector<16xf32>
      %swap3A_348 = arith.index_cast %add3A_288 : i32 to index
      %swap3A_349 = arith.constant 16 : index
      %swap3A_350 = tpu.vector_load %arg7[%swap3A_348, %swap3A_349] {strides = array<i32>} : memref<512x32xf32, #tpu.memory_space<vmem>>, vector<1x16xf32>,
      %swap3A_351 = vector.shape_cast %swap3A_350 : vector<1x16xf32> to vector<16xf32>
      %swap3A_352 = vector.shape_cast %add3A_347 : vector<16xf32> to vector<1x16xf32>
      tpu.vector_store %arg7[%swap3A_348, %swap3A_349], %swap3A_352 {strides = array<i32>} : memref<512x32xf32, #tpu.memory_space<vmem>>, vector<1x16xf32>,
      %add3A_353 = arith.constant 2 : i32
      %add3A_354 = arith.addi %add3A_226, %add3A_353 : i32
      %add3A_355 = arith.constant 4 : i32
      %add3A_356 = arith.addi %add3A_354, %add3A_355 : i32
      %sub3A_357 = arith.constant 1 : i32
      %sub3A_358 = arith.subi %add3A_356, %sub3A_357 : i32
      %lt3A_359 = arith.constant 512 : i32
      %lt3A_360 = arith.cmpi slt, %sub3A_358, %lt3A_359 : i32
      %convert_element_type3A_361 = arith.extui %lt3A_360 : i1 to i32
      %cond3A_362 = arith.constant 0 : i32
      %cond3A_363 = arith.cmpi ne, %convert_element_type3A_361, %cond3A_362 : i32
      scf.if %cond3A_363 {
        %add3A_485 = arith.constant 4 : i32
        %add3A_486 = arith.addi %add3A_354, %add3A_485 : i32
        %sub3A_487 = arith.constant 1 : i32
        %sub3A_488 = arith.subi %add3A_486, %sub3A_487 : i32
        %add3A_489 = arith.addi %mul3A_2, %sub3A_488 : i32
        %dma_wait3A_490 = arith.constant 1 : i32
        %dma_wait3A_491 = arith.constant 0 : i32
        %dma_wait3A_492 = arith.constant 0 : i32
        %dma_wait3A_493 = tpu.memref_slice %arg5[%dma_wait3A_490, %dma_wait3A_491, %dma_wait3A_492] : memref<4x2x100xi32, #tpu.memory_space<vmem>> -> memref<1x2x100xi32, #tpu.memory_space<vmem>>
        %dma_wait3A_494 = tpu.memref_squeeze %dma_wait3A_493 : memref<1x2x100xi32, #tpu.memory_space<vmem>> -> memref<2x100xi32, #tpu.memory_space<vmem>>
        %dma_wait3A_495 = arith.constant 0 : i32
        %dma_wait3A_496 = arith.constant 0 : i32
        %dma_wait3A_497 = tpu.memref_slice %arg2[%add3A_489, %dma_wait3A_495, %dma_wait3A_496] : memref<16384x2x100xi32, #tpu.memory_space<hbm>> -> memref<1x2x100xi32, #tpu.memory_space<hbm>>
        %dma_wait3A_498 = tpu.memref_squeeze %dma_wait3A_497 : memref<1x2x100xi32, #tpu.memory_space<hbm>> -> memref<2x100xi32, #tpu.memory_space<hbm>>
        %dma_wait3A_499 = arith.constant 0 : i32
        %dma_wait3A_500 = arith.constant 0 : i32
        %dma_wait3A_501 = tpu.memref_slice %arg5[%dma_wait3A_490, %dma_wait3A_499, %dma_wait3A_500] : memref<4x2x100xi32, #tpu.memory_space<vmem>> -> memref<1x2x100xi32, #tpu.memory_space<vmem>>
        %dma_wait3A_502 = tpu.memref_squeeze %dma_wait3A_501 : memref<1x2x100xi32, #tpu.memory_space<vmem>> -> memref<2x100xi32, #tpu.memory_space<vmem>>
        %dma_wait3A_503 = arith.constant 0 : i32
        %dma_wait3A_504 = arith.constant 0 : i32
        %dma_wait3A_505 = tpu.memref_slice %arg2[%add3A_489, %dma_wait3A_503, %dma_wait3A_504] : memref<16384x2x100xi32, #tpu.memory_space<hbm>> -> memref<1x2x100xi32, #tpu.memory_space<hbm>>
        %dma_wait3A_506 = tpu.memref_squeeze %dma_wait3A_505 : memref<1x2x100xi32, #tpu.memory_space<hbm>> -> memref<2x100xi32, #tpu.memory_space<hbm>>
        tpu.wait_dma2 semaphore(%arg8 : memref<!tpu.dma_semaphore, #tpu.memory_space<semaphore_mem>>) src(%dma_wait3A_506 : memref<2x100xi32, #tpu.memory_space<hbm>>) dst(%dma_wait3A_502 : memref<2x100xi32, #tpu.memory_space<vmem>>)
        %dma_start3A_507 = arith.constant 1 : i32
        %dma_start3A_508 = arith.constant 0 : i32
        %dma_start3A_509 = arith.constant 1 : i32
        %dma_start3A_510 = arith.constant 0 : i32
        %dma_start3A_511 = arith.constant 0 : i32
        %dma_start3A_512 = arith.constant 0 : i32
        %dma_start3A_513 = tpu.memref_slice %arg6[%dma_start3A_509, %dma_start3A_510, %dma_start3A_511, %dma_start3A_512] : memref<4x2x100x32xf32, #tpu.memory_space<vmem>> -> memref<1x1x100x32xf32, #tpu.memory_space<vmem>>
        %dma_start3A_514 = tpu.memref_squeeze %dma_start3A_513 : memref<1x1x100x32xf32, #tpu.memory_space<vmem>> -> memref<100x32xf32, #tpu.memory_space<vmem>>
        %dma_start3A_515 = arith.constant 0 : i32
        %dma_start3A_516 = tpu.memref_slice %arg5[%dma_start3A_507, %dma_start3A_508, %dma_start3A_515] : memref<4x2x100xi32, #tpu.memory_space<vmem>> -> memref<1x1x100xi32, #tpu.memory_space<vmem>>
        %dma_start3A_517 = tpu.memref_squeeze %dma_start3A_516 : memref<1x1x100xi32, #tpu.memory_space<vmem>> -> memref<100xi32, #tpu.memory_space<vmem>>
        %dma_start3A_518 = arith.constant 0 : i32
        %dma_start3A_519 = arith.constant 0 : i32
        %dma_start3A_520 = tpu.memref_slice %arg3[%dma_start3A_518, %dma_start3A_519] : memref<100000x32xf32, #tpu.memory_space<hbm>> -> memref<100000x32xf32, #tpu.memory_space<hbm>>
        tpu.enqueue_indirect_dma source(%dma_start3A_520 : memref<100000x32xf32, #tpu.memory_space<hbm>>) target(%dma_start3A_514 : memref<100x32xf32, #tpu.memory_space<vmem>>) offsets(%dma_start3A_517 : memref<100xi32, #tpu.memory_space<vmem>>) semaphore(%arg10 : memref<!tpu.dma_semaphore, #tpu.memory_space<semaphore_mem>>)
        %dma_start3A_521 = arith.constant 1 : i32
        %dma_start3A_522 = arith.constant 1 : i32
        %dma_start3A_523 = arith.constant 1 : i32
        %dma_start3A_524 = arith.constant 1 : i32
        %dma_start3A_525 = arith.constant 0 : i32
        %dma_start3A_526 = arith.constant 0 : i32
        %dma_start3A_527 = tpu.memref_slice %arg6[%dma_start3A_523, %dma_start3A_524, %dma_start3A_525, %dma_start3A_526] : memref<4x2x100x32xf32, #tpu.memory_space<vmem>> -> memref<1x1x100x32xf32, #tpu.memory_space<vmem>>
        %dma_start3A_528 = tpu.memref_squeeze %dma_start3A_527 : memref<1x1x100x32xf32, #tpu.memory_space<vmem>> -> memref<100x32xf32, #tpu.memory_space<vmem>>
        %dma_start3A_529 = arith.constant 0 : i32
        %dma_start3A_530 = tpu.memref_slice %arg5[%dma_start3A_521, %dma_start3A_522, %dma_start3A_529] : memref<4x2x100xi32, #tpu.memory_space<vmem>> -> memref<1x1x100xi32, #tpu.memory_space<vmem>>
        %dma_start3A_531 = tpu.memref_squeeze %dma_start3A_530 : memref<1x1x100xi32, #tpu.memory_space<vmem>> -> memref<100xi32, #tpu.memory_space<vmem>>
        %dma_start3A_532 = arith.constant 0 : i32
        %dma_start3A_533 = arith.constant 0 : i32
        %dma_start3A_534 = tpu.memref_slice %arg3[%dma_start3A_532, %dma_start3A_533] : memref<100000x32xf32, #tpu.memory_space<hbm>> -> memref<100000x32xf32, #tpu.memory_space<hbm>>
        tpu.enqueue_indirect_dma source(%dma_start3A_534 : memref<100000x32xf32, #tpu.memory_space<hbm>>) target(%dma_start3A_528 : memref<100x32xf32, #tpu.memory_space<vmem>>) offsets(%dma_start3A_531 : memref<100xi32, #tpu.memory_space<vmem>>) semaphore(%arg10 : memref<!tpu.dma_semaphore, #tpu.memory_space<semaphore_mem>>)
      } else {
      }
      %dma_wait3A_364 = arith.constant 2 : i32
      %dma_wait3A_365 = arith.constant 0 : i32
      %dma_wait3A_366 = arith.constant 2 : i32
      %dma_wait3A_367 = arith.constant 0 : i32
      %dma_wait3A_368 = arith.constant 0 : i32
      %dma_wait3A_369 = arith.constant 0 : i32
      %dma_wait3A_370 = tpu.memref_slice %arg6[%dma_wait3A_366, %dma_wait3A_367, %dma_wait3A_368, %dma_wait3A_369] : memref<4x2x100x32xf32, #tpu.memory_space<vmem>> -> memref<1x1x100x32xf32, #tpu.memory_space<vmem>>
      %dma_wait3A_371 = tpu.memref_squeeze %dma_wait3A_370 : memref<1x1x100x32xf32, #tpu.memory_space<vmem>> -> memref<100x32xf32, #tpu.memory_space<vmem>>
      %dma_wait3A_372 = arith.constant 0 : i32
      %dma_wait3A_373 = tpu.memref_slice %arg5[%dma_wait3A_364, %dma_wait3A_365, %dma_wait3A_372] : memref<4x2x100xi32, #tpu.memory_space<vmem>> -> memref<1x1x100xi32, #tpu.memory_space<vmem>>
      %dma_wait3A_374 = tpu.memref_squeeze %dma_wait3A_373 : memref<1x1x100xi32, #tpu.memory_space<vmem>> -> memref<100xi32, #tpu.memory_space<vmem>>
      %dma_wait3A_375 = arith.constant 0 : i32
      %dma_wait3A_376 = arith.constant 0 : i32
      %dma_wait3A_377 = tpu.memref_slice %arg3[%dma_wait3A_375, %dma_wait3A_376] : memref<100000x32xf32, #tpu.memory_space<hbm>> -> memref<100000x32xf32, #tpu.memory_space<hbm>>
      tpu.wait_indirect_dma semaphore(%arg11 : memref<!tpu.dma_semaphore, #tpu.memory_space<semaphore_mem>>) src(%dma_wait3A_377 : memref<100000x32xf32, #tpu.memory_space<hbm>>) dst(%dma_wait3A_371 : memref<100x32xf32, #tpu.memory_space<vmem>>)
      %dma_wait3A_378 = arith.constant 2 : i32
      %dma_wait3A_379 = arith.constant 1 : i32
      %dma_wait3A_380 = arith.constant 2 : i32
      %dma_wait3A_381 = arith.constant 1 : i32
      %dma_wait3A_382 = arith.constant 0 : i32
      %dma_wait3A_383 = arith.constant 0 : i32
      %dma_wait3A_384 = tpu.memref_slice %arg6[%dma_wait3A_380, %dma_wait3A_381, %dma_wait3A_382, %dma_wait3A_383] : memref<4x2x100x32xf32, #tpu.memory_space<vmem>> -> memref<1x1x100x32xf32, #tpu.memory_space<vmem>>
      %dma_wait3A_385 = tpu.memref_squeeze %dma_wait3A_384 : memref<1x1x100x32xf32, #tpu.memory_space<vmem>> -> memref<100x32xf32, #tpu.memory_space<vmem>>
      %dma_wait3A_386 = arith.constant 0 : i32
      %dma_wait3A_387 = tpu.memref_slice %arg5[%dma_wait3A_378, %dma_wait3A_379, %dma_wait3A_386] : memref<4x2x100xi32, #tpu.memory_space<vmem>> -> memref<1x1x100xi32, #tpu.memory_space<vmem>>
      %dma_wait3A_388 = tpu.memref_squeeze %dma_wait3A_387 : memref<1x1x100xi32, #tpu.memory_space<vmem>> -> memref<100xi32, #tpu.memory_space<vmem>>
      %dma_wait3A_389 = arith.constant 0 : i32
      %dma_wait3A_390 = arith.constant 0 : i32
      %dma_wait3A_391 = tpu.memref_slice %arg3[%dma_wait3A_389, %dma_wait3A_390] : memref<100000x32xf32, #tpu.memory_space<hbm>> -> memref<100000x32xf32, #tpu.memory_space<hbm>>
      tpu.wait_indirect_dma semaphore(%arg11 : memref<!tpu.dma_semaphore, #tpu.memory_space<semaphore_mem>>) src(%dma_wait3A_391 : memref<100000x32xf32, #tpu.memory_space<hbm>>) dst(%dma_wait3A_385 : memref<100x32xf32, #tpu.memory_space<vmem>>)
      %add3A_392 = arith.constant 4 : i32
      %add3A_393 = arith.addi %add3A_354, %add3A_392 : i32
      %lt3A_394 = arith.constant 512 : i32
      %lt3A_395 = arith.cmpi slt, %add3A_393, %lt3A_394 : i32
      %convert_element_type3A_396 = arith.extui %lt3A_395 : i1 to i32
      %cond3A_397 = arith.constant 0 : i32
      %cond3A_398 = arith.cmpi ne, %convert_element_type3A_396, %cond3A_397 : i32
      scf.if %cond3A_398 {
        %add3A_485 = arith.constant 4 : i32
        %add3A_486 = arith.addi %add3A_354, %add3A_485 : i32
        %add3A_487 = arith.addi %mul3A_2, %add3A_486 : i32
        %dma_start3A_488 = arith.constant 2 : i32
        %dma_start3A_489 = arith.constant 0 : i32
        %dma_start3A_490 = arith.constant 0 : i32
        %dma_start3A_491 = tpu.memref_slice %arg5[%dma_start3A_488, %dma_start3A_489, %dma_start3A_490] : memref<4x2x100xi32, #tpu.memory_space<vmem>> -> memref<1x2x100xi32, #tpu.memory_space<vmem>>
        %dma_start3A_492 = tpu.memref_squeeze %dma_start3A_491 : memref<1x2x100xi32, #tpu.memory_space<vmem>> -> memref<2x100xi32, #tpu.memory_space<vmem>>
        %dma_start3A_493 = arith.constant 0 : i32
        %dma_start3A_494 = arith.constant 0 : i32
        %dma_start3A_495 = tpu.memref_slice %arg2[%add3A_487, %dma_start3A_493, %dma_start3A_494] : memref<16384x2x100xi32, #tpu.memory_space<hbm>> -> memref<1x2x100xi32, #tpu.memory_space<hbm>>
        %dma_start3A_496 = tpu.memref_squeeze %dma_start3A_495 : memref<1x2x100xi32, #tpu.memory_space<hbm>> -> memref<2x100xi32, #tpu.memory_space<hbm>>
        %dma_start3A_497 = arith.constant 0 : i32
        %dma_start3A_498 = arith.constant 0 : i32
        %dma_start3A_499 = tpu.memref_slice %arg5[%dma_start3A_488, %dma_start3A_497, %dma_start3A_498] : memref<4x2x100xi32, #tpu.memory_space<vmem>> -> memref<1x2x100xi32, #tpu.memory_space<vmem>>
        %dma_start3A_500 = tpu.memref_squeeze %dma_start3A_499 : memref<1x2x100xi32, #tpu.memory_space<vmem>> -> memref<2x100xi32, #tpu.memory_space<vmem>>
        %dma_start3A_501 = arith.constant 0 : i32
        %dma_start3A_502 = arith.constant 0 : i32
        %dma_start3A_503 = tpu.memref_slice %arg2[%add3A_487, %dma_start3A_501, %dma_start3A_502] : memref<16384x2x100xi32, #tpu.memory_space<hbm>> -> memref<1x2x100xi32, #tpu.memory_space<hbm>>
        %dma_start3A_504 = tpu.memref_squeeze %dma_start3A_503 : memref<1x2x100xi32, #tpu.memory_space<hbm>> -> memref<2x100xi32, #tpu.memory_space<hbm>>
        tpu.enqueue_dma source(%dma_start3A_504 : memref<2x100xi32, #tpu.memory_space<hbm>>) target(%dma_start3A_500 : memref<2x100xi32, #tpu.memory_space<vmem>>) target_semaphore(%arg8 : memref<!tpu.dma_semaphore, #tpu.memory_space<semaphore_mem>>)
      } else {
      }
      %broadcast_in_dim3A_399 = arith.constant 0.000000e+00 : f32
      %broadcast_in_dim3A_400 = vector.broadcast %broadcast_in_dim3A_399 : f32 to vector<16xf32>
      %scan3A_401 = arith.constant 0 : i32
      %scan3A_402 = arith.constant 100 : i32
      %scan3A_403 = arith.addi %scan3A_401, %scan3A_402 : i32
      %scan3A_404 = arith.constant 10 : i32
      %scan3A_405:4 = scf.for %scan3A_485 = %scan3A_401 to %scan3A_403 step %scan3A_404 iter_args(%scan3A_486 = %broadcast_in_dim3A_400, %scan3A_487 = %broadcast_in_dim3A_400, %scan3A_488 = %broadcast_in_dim3A_400, %scan3A_489 = %broadcast_in_dim3A_400) -> (vector<16xf32>, vector<16xf32>, vector<16xf32>, vector<16xf32>)  : i32 {
        %get3A = arith.constant 2 : i32
        %get3A_490 = arith.constant 0 : i32
        %get3A_491 = arith.index_cast %get3A : i32 to index
        %get3A_492 = arith.index_cast %get3A_490 : i32 to index
        %get3A_493 = arith.index_cast %scan3A_485 : i32 to index
        %get3A_494 = arith.constant 0 : index
        %get3A_495 = tpu.vector_load %arg6[%get3A_491, %get3A_492, %get3A_493, %get3A_494] {strides = array<i32>} : memref<4x2x100x32xf32, #tpu.memory_space<vmem>>, vector<1x1x1x16xf32>,
        %get3A_496 = vector.shape_cast %get3A_495 : vector<1x1x1x16xf32> to vector<16xf32>
        %add3A_497 = arith.addf %scan3A_486, %get3A_496 : vector<16xf32>
        %get3A_498 = arith.constant 2 : i32
        %get3A_499 = arith.constant 0 : i32
        %get3A_500 = arith.index_cast %get3A_498 : i32 to index
        %get3A_501 = arith.index_cast %get3A_499 : i32 to index
        %get3A_502 = arith.index_cast %scan3A_485 : i32 to index
        %get3A_503 = arith.constant 16 : index
        %get3A_504 = tpu.vector_load %arg6[%get3A_500, %get3A_501, %get3A_502, %get3A_503] {strides = array<i32>} : memref<4x2x100x32xf32, #tpu.memory_space<vmem>>, vector<1x1x1x16xf32>,
        %get3A_505 = vector.shape_cast %get3A_504 : vector<1x1x1x16xf32> to vector<16xf32>
        %add3A_506 = arith.addf %scan3A_488, %get3A_505 : vector<16xf32>
        %get3A_507 = arith.constant 2 : i32
        %get3A_508 = arith.constant 1 : i32
        %get3A_509 = arith.index_cast %get3A_507 : i32 to index
        %get3A_510 = arith.index_cast %get3A_508 : i32 to index
        %get3A_511 = arith.index_cast %scan3A_485 : i32 to index
        %get3A_512 = arith.constant 0 : index
        %get3A_513 = tpu.vector_load %arg6[%get3A_509, %get3A_510, %get3A_511, %get3A_512] {strides = array<i32>} : memref<4x2x100x32xf32, #tpu.memory_space<vmem>>, vector<1x1x1x16xf32>,
        %get3A_514 = vector.shape_cast %get3A_513 : vector<1x1x1x16xf32> to vector<16xf32>
        %add3A_515 = arith.addf %scan3A_487, %get3A_514 : vector<16xf32>
        %get3A_516 = arith.constant 2 : i32
        %get3A_517 = arith.constant 1 : i32
        %get3A_518 = arith.index_cast %get3A_516 : i32 to index
        %get3A_519 = arith.index_cast %get3A_517 : i32 to index
        %get3A_520 = arith.index_cast %scan3A_485 : i32 to index
        %get3A_521 = arith.constant 16 : index
        %get3A_522 = tpu.vector_load %arg6[%get3A_518, %get3A_519, %get3A_520, %get3A_521] {strides = array<i32>} : memref<4x2x100x32xf32, #tpu.memory_space<vmem>>, vector<1x1x1x16xf32>,
        %get3A_523 = vector.shape_cast %get3A_522 : vector<1x1x1x16xf32> to vector<16xf32>
        %add3A_524 = arith.addf %scan3A_489, %get3A_523 : vector<16xf32>
        %scan3A_525 = arith.constant 1 : i32
        %scan3A_526 = arith.addi %scan3A_485, %scan3A_525 : i32
        %get3A_527 = arith.constant 2 : i32
        %get3A_528 = arith.constant 0 : i32
        %get3A_529 = arith.index_cast %get3A_527 : i32 to index
        %get3A_530 = arith.index_cast %get3A_528 : i32 to index
        %get3A_531 = arith.index_cast %scan3A_526 : i32 to index
        %get3A_532 = arith.constant 0 : index
        %get3A_533 = tpu.vector_load %arg6[%get3A_529, %get3A_530, %get3A_531, %get3A_532] {strides = array<i32>} : memref<4x2x100x32xf32, #tpu.memory_space<vmem>>, vector<1x1x1x16xf32>,
        %get3A_534 = vector.shape_cast %get3A_533 : vector<1x1x1x16xf32> to vector<16xf32>
        %add3A_535 = arith.addf %add3A_497, %get3A_534 : vector<16xf32>
        %get3A_536 = arith.constant 2 : i32
        %get3A_537 = arith.constant 0 : i32
        %get3A_538 = arith.index_cast %get3A_536 : i32 to index
        %get3A_539 = arith.index_cast %get3A_537 : i32 to index
        %get3A_540 = arith.index_cast %scan3A_526 : i32 to index
        %get3A_541 = arith.constant 16 : index
        %get3A_542 = tpu.vector_load %arg6[%get3A_538, %get3A_539, %get3A_540, %get3A_541] {strides = array<i32>} : memref<4x2x100x32xf32, #tpu.memory_space<vmem>>, vector<1x1x1x16xf32>,
        %get3A_543 = vector.shape_cast %get3A_542 : vector<1x1x1x16xf32> to vector<16xf32>
        %add3A_544 = arith.addf %add3A_506, %get3A_543 : vector<16xf32>
        %get3A_545 = arith.constant 2 : i32
        %get3A_546 = arith.constant 1 : i32
        %get3A_547 = arith.index_cast %get3A_545 : i32 to index
        %get3A_548 = arith.index_cast %get3A_546 : i32 to index
        %get3A_549 = arith.index_cast %scan3A_526 : i32 to index
        %get3A_550 = arith.constant 0 : index
        %get3A_551 = tpu.vector_load %arg6[%get3A_547, %get3A_548, %get3A_549, %get3A_550] {strides = array<i32>} : memref<4x2x100x32xf32, #tpu.memory_space<vmem>>, vector<1x1x1x16xf32>,
        %get3A_552 = vector.shape_cast %get3A_551 : vector<1x1x1x16xf32> to vector<16xf32>
        %add3A_553 = arith.addf %add3A_515, %get3A_552 : vector<16xf32>
        %get3A_554 = arith.constant 2 : i32
        %get3A_555 = arith.constant 1 : i32
        %get3A_556 = arith.index_cast %get3A_554 : i32 to index
        %get3A_557 = arith.index_cast %get3A_555 : i32 to index
        %get3A_558 = arith.index_cast %scan3A_526 : i32 to index
        %get3A_559 = arith.constant 16 : index
        %get3A_560 = tpu.vector_load %arg6[%get3A_556, %get3A_557, %get3A_558, %get3A_559] {strides = array<i32>} : memref<4x2x100x32xf32, #tpu.memory_space<vmem>>, vector<1x1x1x16xf32>,
        %get3A_561 = vector.shape_cast %get3A_560 : vector<1x1x1x16xf32> to vector<16xf32>
        %add3A_562 = arith.addf %add3A_524, %get3A_561 : vector<16xf32>
        %scan3A_563 = arith.constant 2 : i32
        %scan3A_564 = arith.addi %scan3A_485, %scan3A_563 : i32
        %get3A_565 = arith.constant 2 : i32
        %get3A_566 = arith.constant 0 : i32
        %get3A_567 = arith.index_cast %get3A_565 : i32 to index
        %get3A_568 = arith.index_cast %get3A_566 : i32 to index
        %get3A_569 = arith.index_cast %scan3A_564 : i32 to index
        %get3A_570 = arith.constant 0 : index
        %get3A_571 = tpu.vector_load %arg6[%get3A_567, %get3A_568, %get3A_569, %get3A_570] {strides = array<i32>} : memref<4x2x100x32xf32, #tpu.memory_space<vmem>>, vector<1x1x1x16xf32>,
        %get3A_572 = vector.shape_cast %get3A_571 : vector<1x1x1x16xf32> to vector<16xf32>
        %add3A_573 = arith.addf %add3A_535, %get3A_572 : vector<16xf32>
        %get3A_574 = arith.constant 2 : i32
        %get3A_575 = arith.constant 0 : i32
        %get3A_576 = arith.index_cast %get3A_574 : i32 to index
        %get3A_577 = arith.index_cast %get3A_575 : i32 to index
        %get3A_578 = arith.index_cast %scan3A_564 : i32 to index
        %get3A_579 = arith.constant 16 : index
        %get3A_580 = tpu.vector_load %arg6[%get3A_576, %get3A_577, %get3A_578, %get3A_579] {strides = array<i32>} : memref<4x2x100x32xf32, #tpu.memory_space<vmem>>, vector<1x1x1x16xf32>,
        %get3A_581 = vector.shape_cast %get3A_580 : vector<1x1x1x16xf32> to vector<16xf32>
        %add3A_582 = arith.addf %add3A_544, %get3A_581 : vector<16xf32>
        %get3A_583 = arith.constant 2 : i32
        %get3A_584 = arith.constant 1 : i32
        %get3A_585 = arith.index_cast %get3A_583 : i32 to index
        %get3A_586 = arith.index_cast %get3A_584 : i32 to index
        %get3A_587 = arith.index_cast %scan3A_564 : i32 to index
        %get3A_588 = arith.constant 0 : index
        %get3A_589 = tpu.vector_load %arg6[%get3A_585, %get3A_586, %get3A_587, %get3A_588] {strides = array<i32>} : memref<4x2x100x32xf32, #tpu.memory_space<vmem>>, vector<1x1x1x16xf32>,
        %get3A_590 = vector.shape_cast %get3A_589 : vector<1x1x1x16xf32> to vector<16xf32>
        %add3A_591 = arith.addf %add3A_553, %get3A_590 : vector<16xf32>
        %get3A_592 = arith.constant 2 : i32
        %get3A_593 = arith.constant 1 : i32
        %get3A_594 = arith.index_cast %get3A_592 : i32 to index
        %get3A_595 = arith.index_cast %get3A_593 : i32 to index
        %get3A_596 = arith.index_cast %scan3A_564 : i32 to index
        %get3A_597 = arith.constant 16 : index
        %get3A_598 = tpu.vector_load %arg6[%get3A_594, %get3A_595, %get3A_596, %get3A_597] {strides = array<i32>} : memref<4x2x100x32xf32, #tpu.memory_space<vmem>>, vector<1x1x1x16xf32>,
        %get3A_599 = vector.shape_cast %get3A_598 : vector<1x1x1x16xf32> to vector<16xf32>
        %add3A_600 = arith.addf %add3A_562, %get3A_599 : vector<16xf32>
        %scan3A_601 = arith.constant 3 : i32
        %scan3A_602 = arith.addi %scan3A_485, %scan3A_601 : i32
        %get3A_603 = arith.constant 2 : i32
        %get3A_604 = arith.constant 0 : i32
        %get3A_605 = arith.index_cast %get3A_603 : i32 to index
        %get3A_606 = arith.index_cast %get3A_604 : i32 to index
        %get3A_607 = arith.index_cast %scan3A_602 : i32 to index
        %get3A_608 = arith.constant 0 : index
        %get3A_609 = tpu.vector_load %arg6[%get3A_605, %get3A_606, %get3A_607, %get3A_608] {strides = array<i32>} : memref<4x2x100x32xf32, #tpu.memory_space<vmem>>, vector<1x1x1x16xf32>,
        %get3A_610 = vector.shape_cast %get3A_609 : vector<1x1x1x16xf32> to vector<16xf32>
        %add3A_611 = arith.addf %add3A_573, %get3A_610 : vector<16xf32>
        %get3A_612 = arith.constant 2 : i32
        %get3A_613 = arith.constant 0 : i32
        %get3A_614 = arith.index_cast %get3A_612 : i32 to index
        %get3A_615 = arith.index_cast %get3A_613 : i32 to index
        %get3A_616 = arith.index_cast %scan3A_602 : i32 to index
        %get3A_617 = arith.constant 16 : index
        %get3A_618 = tpu.vector_load %arg6[%get3A_614, %get3A_615, %get3A_616, %get3A_617] {strides = array<i32>} : memref<4x2x100x32xf32, #tpu.memory_space<vmem>>, vector<1x1x1x16xf32>,
        %get3A_619 = vector.shape_cast %get3A_618 : vector<1x1x1x16xf32> to vector<16xf32>
        %add3A_620 = arith.addf %add3A_582, %get3A_619 : vector<16xf32>
        %get3A_621 = arith.constant 2 : i32
        %get3A_622 = arith.constant 1 : i32
        %get3A_623 = arith.index_cast %get3A_621 : i32 to index
        %get3A_624 = arith.index_cast %get3A_622 : i32 to index
        %get3A_625 = arith.index_cast %scan3A_602 : i32 to index
        %get3A_626 = arith.constant 0 : index
        %get3A_627 = tpu.vector_load %arg6[%get3A_623, %get3A_624, %get3A_625, %get3A_626] {strides = array<i32>} : memref<4x2x100x32xf32, #tpu.memory_space<vmem>>, vector<1x1x1x16xf32>,
        %get3A_628 = vector.shape_cast %get3A_627 : vector<1x1x1x16xf32> to vector<16xf32>
        %add3A_629 = arith.addf %add3A_591, %get3A_628 : vector<16xf32>
        %get3A_630 = arith.constant 2 : i32
        %get3A_631 = arith.constant 1 : i32
        %get3A_632 = arith.index_cast %get3A_630 : i32 to index
        %get3A_633 = arith.index_cast %get3A_631 : i32 to index
        %get3A_634 = arith.index_cast %scan3A_602 : i32 to index
        %get3A_635 = arith.constant 16 : index
        %get3A_636 = tpu.vector_load %arg6[%get3A_632, %get3A_633, %get3A_634, %get3A_635] {strides = array<i32>} : memref<4x2x100x32xf32, #tpu.memory_space<vmem>>, vector<1x1x1x16xf32>,
        %get3A_637 = vector.shape_cast %get3A_636 : vector<1x1x1x16xf32> to vector<16xf32>
        %add3A_638 = arith.addf %add3A_600, %get3A_637 : vector<16xf32>
        %scan3A_639 = arith.constant 4 : i32
        %scan3A_640 = arith.addi %scan3A_485, %scan3A_639 : i32
        %get3A_641 = arith.constant 2 : i32
        %get3A_642 = arith.constant 0 : i32
        %get3A_643 = arith.index_cast %get3A_641 : i32 to index
        %get3A_644 = arith.index_cast %get3A_642 : i32 to index
        %get3A_645 = arith.index_cast %scan3A_640 : i32 to index
        %get3A_646 = arith.constant 0 : index
        %get3A_647 = tpu.vector_load %arg6[%get3A_643, %get3A_644, %get3A_645, %get3A_646] {strides = array<i32>} : memref<4x2x100x32xf32, #tpu.memory_space<vmem>>, vector<1x1x1x16xf32>,
        %get3A_648 = vector.shape_cast %get3A_647 : vector<1x1x1x16xf32> to vector<16xf32>
        %add3A_649 = arith.addf %add3A_611, %get3A_648 : vector<16xf32>
        %get3A_650 = arith.constant 2 : i32
        %get3A_651 = arith.constant 0 : i32
        %get3A_652 = arith.index_cast %get3A_650 : i32 to index
        %get3A_653 = arith.index_cast %get3A_651 : i32 to index
        %get3A_654 = arith.index_cast %scan3A_640 : i32 to index
        %get3A_655 = arith.constant 16 : index
        %get3A_656 = tpu.vector_load %arg6[%get3A_652, %get3A_653, %get3A_654, %get3A_655] {strides = array<i32>} : memref<4x2x100x32xf32, #tpu.memory_space<vmem>>, vector<1x1x1x16xf32>,
        %get3A_657 = vector.shape_cast %get3A_656 : vector<1x1x1x16xf32> to vector<16xf32>
        %add3A_658 = arith.addf %add3A_620, %get3A_657 : vector<16xf32>
        %get3A_659 = arith.constant 2 : i32
        %get3A_660 = arith.constant 1 : i32
        %get3A_661 = arith.index_cast %get3A_659 : i32 to index
        %get3A_662 = arith.index_cast %get3A_660 : i32 to index
        %get3A_663 = arith.index_cast %scan3A_640 : i32 to index
        %get3A_664 = arith.constant 0 : index
        %get3A_665 = tpu.vector_load %arg6[%get3A_661, %get3A_662, %get3A_663, %get3A_664] {strides = array<i32>} : memref<4x2x100x32xf32, #tpu.memory_space<vmem>>, vector<1x1x1x16xf32>,
        %get3A_666 = vector.shape_cast %get3A_665 : vector<1x1x1x16xf32> to vector<16xf32>
        %add3A_667 = arith.addf %add3A_629, %get3A_666 : vector<16xf32>
        %get3A_668 = arith.constant 2 : i32
        %get3A_669 = arith.constant 1 : i32
        %get3A_670 = arith.index_cast %get3A_668 : i32 to index
        %get3A_671 = arith.index_cast %get3A_669 : i32 to index
        %get3A_672 = arith.index_cast %scan3A_640 : i32 to index
        %get3A_673 = arith.constant 16 : index
        %get3A_674 = tpu.vector_load %arg6[%get3A_670, %get3A_671, %get3A_672, %get3A_673] {strides = array<i32>} : memref<4x2x100x32xf32, #tpu.memory_space<vmem>>, vector<1x1x1x16xf32>,
        %get3A_675 = vector.shape_cast %get3A_674 : vector<1x1x1x16xf32> to vector<16xf32>
        %add3A_676 = arith.addf %add3A_638, %get3A_675 : vector<16xf32>
        %scan3A_677 = arith.constant 5 : i32
        %scan3A_678 = arith.addi %scan3A_485, %scan3A_677 : i32
        %get3A_679 = arith.constant 2 : i32
        %get3A_680 = arith.constant 0 : i32
        %get3A_681 = arith.index_cast %get3A_679 : i32 to index
        %get3A_682 = arith.index_cast %get3A_680 : i32 to index
        %get3A_683 = arith.index_cast %scan3A_678 : i32 to index
        %get3A_684 = arith.constant 0 : index
        %get3A_685 = tpu.vector_load %arg6[%get3A_681, %get3A_682, %get3A_683, %get3A_684] {strides = array<i32>} : memref<4x2x100x32xf32, #tpu.memory_space<vmem>>, vector<1x1x1x16xf32>,
        %get3A_686 = vector.shape_cast %get3A_685 : vector<1x1x1x16xf32> to vector<16xf32>
        %add3A_687 = arith.addf %add3A_649, %get3A_686 : vector<16xf32>
        %get3A_688 = arith.constant 2 : i32
        %get3A_689 = arith.constant 0 : i32
        %get3A_690 = arith.index_cast %get3A_688 : i32 to index
        %get3A_691 = arith.index_cast %get3A_689 : i32 to index
        %get3A_692 = arith.index_cast %scan3A_678 : i32 to index
        %get3A_693 = arith.constant 16 : index
        %get3A_694 = tpu.vector_load %arg6[%get3A_690, %get3A_691, %get3A_692, %get3A_693] {strides = array<i32>} : memref<4x2x100x32xf32, #tpu.memory_space<vmem>>, vector<1x1x1x16xf32>,
        %get3A_695 = vector.shape_cast %get3A_694 : vector<1x1x1x16xf32> to vector<16xf32>
        %add3A_696 = arith.addf %add3A_658, %get3A_695 : vector<16xf32>
        %get3A_697 = arith.constant 2 : i32
        %get3A_698 = arith.constant 1 : i32
        %get3A_699 = arith.index_cast %get3A_697 : i32 to index
        %get3A_700 = arith.index_cast %get3A_698 : i32 to index
        %get3A_701 = arith.index_cast %scan3A_678 : i32 to index
        %get3A_702 = arith.constant 0 : index
        %get3A_703 = tpu.vector_load %arg6[%get3A_699, %get3A_700, %get3A_701, %get3A_702] {strides = array<i32>} : memref<4x2x100x32xf32, #tpu.memory_space<vmem>>, vector<1x1x1x16xf32>,
        %get3A_704 = vector.shape_cast %get3A_703 : vector<1x1x1x16xf32> to vector<16xf32>
        %add3A_705 = arith.addf %add3A_667, %get3A_704 : vector<16xf32>
        %get3A_706 = arith.constant 2 : i32
        %get3A_707 = arith.constant 1 : i32
        %get3A_708 = arith.index_cast %get3A_706 : i32 to index
        %get3A_709 = arith.index_cast %get3A_707 : i32 to index
        %get3A_710 = arith.index_cast %scan3A_678 : i32 to index
        %get3A_711 = arith.constant 16 : index
        %get3A_712 = tpu.vector_load %arg6[%get3A_708, %get3A_709, %get3A_710, %get3A_711] {strides = array<i32>} : memref<4x2x100x32xf32, #tpu.memory_space<vmem>>, vector<1x1x1x16xf32>,
        %get3A_713 = vector.shape_cast %get3A_712 : vector<1x1x1x16xf32> to vector<16xf32>
        %add3A_714 = arith.addf %add3A_676, %get3A_713 : vector<16xf32>
        %scan3A_715 = arith.constant 6 : i32
        %scan3A_716 = arith.addi %scan3A_485, %scan3A_715 : i32
        %get3A_717 = arith.constant 2 : i32
        %get3A_718 = arith.constant 0 : i32
        %get3A_719 = arith.index_cast %get3A_717 : i32 to index
        %get3A_720 = arith.index_cast %get3A_718 : i32 to index
        %get3A_721 = arith.index_cast %scan3A_716 : i32 to index
        %get3A_722 = arith.constant 0 : index
        %get3A_723 = tpu.vector_load %arg6[%get3A_719, %get3A_720, %get3A_721, %get3A_722] {strides = array<i32>} : memref<4x2x100x32xf32, #tpu.memory_space<vmem>>, vector<1x1x1x16xf32>,
        %get3A_724 = vector.shape_cast %get3A_723 : vector<1x1x1x16xf32> to vector<16xf32>
        %add3A_725 = arith.addf %add3A_687, %get3A_724 : vector<16xf32>
        %get3A_726 = arith.constant 2 : i32
        %get3A_727 = arith.constant 0 : i32
        %get3A_728 = arith.index_cast %get3A_726 : i32 to index
        %get3A_729 = arith.index_cast %get3A_727 : i32 to index
        %get3A_730 = arith.index_cast %scan3A_716 : i32 to index
        %get3A_731 = arith.constant 16 : index
        %get3A_732 = tpu.vector_load %arg6[%get3A_728, %get3A_729, %get3A_730, %get3A_731] {strides = array<i32>} : memref<4x2x100x32xf32, #tpu.memory_space<vmem>>, vector<1x1x1x16xf32>,
        %get3A_733 = vector.shape_cast %get3A_732 : vector<1x1x1x16xf32> to vector<16xf32>
        %add3A_734 = arith.addf %add3A_696, %get3A_733 : vector<16xf32>
        %get3A_735 = arith.constant 2 : i32
        %get3A_736 = arith.constant 1 : i32
        %get3A_737 = arith.index_cast %get3A_735 : i32 to index
        %get3A_738 = arith.index_cast %get3A_736 : i32 to index
        %get3A_739 = arith.index_cast %scan3A_716 : i32 to index
        %get3A_740 = arith.constant 0 : index
        %get3A_741 = tpu.vector_load %arg6[%get3A_737, %get3A_738, %get3A_739, %get3A_740] {strides = array<i32>} : memref<4x2x100x32xf32, #tpu.memory_space<vmem>>, vector<1x1x1x16xf32>,
        %get3A_742 = vector.shape_cast %get3A_741 : vector<1x1x1x16xf32> to vector<16xf32>
        %add3A_743 = arith.addf %add3A_705, %get3A_742 : vector<16xf32>
        %get3A_744 = arith.constant 2 : i32
        %get3A_745 = arith.constant 1 : i32
        %get3A_746 = arith.index_cast %get3A_744 : i32 to index
        %get3A_747 = arith.index_cast %get3A_745 : i32 to index
        %get3A_748 = arith.index_cast %scan3A_716 : i32 to index
        %get3A_749 = arith.constant 16 : index
        %get3A_750 = tpu.vector_load %arg6[%get3A_746, %get3A_747, %get3A_748, %get3A_749] {strides = array<i32>} : memref<4x2x100x32xf32, #tpu.memory_space<vmem>>, vector<1x1x1x16xf32>,
        %get3A_751 = vector.shape_cast %get3A_750 : vector<1x1x1x16xf32> to vector<16xf32>
        %add3A_752 = arith.addf %add3A_714, %get3A_751 : vector<16xf32>
        %scan3A_753 = arith.constant 7 : i32
        %scan3A_754 = arith.addi %scan3A_485, %scan3A_753 : i32
        %get3A_755 = arith.constant 2 : i32
        %get3A_756 = arith.constant 0 : i32
        %get3A_757 = arith.index_cast %get3A_755 : i32 to index
        %get3A_758 = arith.index_cast %get3A_756 : i32 to index
        %get3A_759 = arith.index_cast %scan3A_754 : i32 to index
        %get3A_760 = arith.constant 0 : index
        %get3A_761 = tpu.vector_load %arg6[%get3A_757, %get3A_758, %get3A_759, %get3A_760] {strides = array<i32>} : memref<4x2x100x32xf32, #tpu.memory_space<vmem>>, vector<1x1x1x16xf32>,
        %get3A_762 = vector.shape_cast %get3A_761 : vector<1x1x1x16xf32> to vector<16xf32>
        %add3A_763 = arith.addf %add3A_725, %get3A_762 : vector<16xf32>
        %get3A_764 = arith.constant 2 : i32
        %get3A_765 = arith.constant 0 : i32
        %get3A_766 = arith.index_cast %get3A_764 : i32 to index
        %get3A_767 = arith.index_cast %get3A_765 : i32 to index
        %get3A_768 = arith.index_cast %scan3A_754 : i32 to index
        %get3A_769 = arith.constant 16 : index
        %get3A_770 = tpu.vector_load %arg6[%get3A_766, %get3A_767, %get3A_768, %get3A_769] {strides = array<i32>} : memref<4x2x100x32xf32, #tpu.memory_space<vmem>>, vector<1x1x1x16xf32>,
        %get3A_771 = vector.shape_cast %get3A_770 : vector<1x1x1x16xf32> to vector<16xf32>
        %add3A_772 = arith.addf %add3A_734, %get3A_771 : vector<16xf32>
        %get3A_773 = arith.constant 2 : i32
        %get3A_774 = arith.constant 1 : i32
        %get3A_775 = arith.index_cast %get3A_773 : i32 to index
        %get3A_776 = arith.index_cast %get3A_774 : i32 to index
        %get3A_777 = arith.index_cast %scan3A_754 : i32 to index
        %get3A_778 = arith.constant 0 : index
        %get3A_779 = tpu.vector_load %arg6[%get3A_775, %get3A_776, %get3A_777, %get3A_778] {strides = array<i32>} : memref<4x2x100x32xf32, #tpu.memory_space<vmem>>, vector<1x1x1x16xf32>,
        %get3A_780 = vector.shape_cast %get3A_779 : vector<1x1x1x16xf32> to vector<16xf32>
        %add3A_781 = arith.addf %add3A_743, %get3A_780 : vector<16xf32>
        %get3A_782 = arith.constant 2 : i32
        %get3A_783 = arith.constant 1 : i32
        %get3A_784 = arith.index_cast %get3A_782 : i32 to index
        %get3A_785 = arith.index_cast %get3A_783 : i32 to index
        %get3A_786 = arith.index_cast %scan3A_754 : i32 to index
        %get3A_787 = arith.constant 16 : index
        %get3A_788 = tpu.vector_load %arg6[%get3A_784, %get3A_785, %get3A_786, %get3A_787] {strides = array<i32>} : memref<4x2x100x32xf32, #tpu.memory_space<vmem>>, vector<1x1x1x16xf32>,
        %get3A_789 = vector.shape_cast %get3A_788 : vector<1x1x1x16xf32> to vector<16xf32>
        %add3A_790 = arith.addf %add3A_752, %get3A_789 : vector<16xf32>
        %scan3A_791 = arith.constant 8 : i32
        %scan3A_792 = arith.addi %scan3A_485, %scan3A_791 : i32
        %get3A_793 = arith.constant 2 : i32
        %get3A_794 = arith.constant 0 : i32
        %get3A_795 = arith.index_cast %get3A_793 : i32 to index
        %get3A_796 = arith.index_cast %get3A_794 : i32 to index
        %get3A_797 = arith.index_cast %scan3A_792 : i32 to index
        %get3A_798 = arith.constant 0 : index
        %get3A_799 = tpu.vector_load %arg6[%get3A_795, %get3A_796, %get3A_797, %get3A_798] {strides = array<i32>} : memref<4x2x100x32xf32, #tpu.memory_space<vmem>>, vector<1x1x1x16xf32>,
        %get3A_800 = vector.shape_cast %get3A_799 : vector<1x1x1x16xf32> to vector<16xf32>
        %add3A_801 = arith.addf %add3A_763, %get3A_800 : vector<16xf32>
        %get3A_802 = arith.constant 2 : i32
        %get3A_803 = arith.constant 0 : i32
        %get3A_804 = arith.index_cast %get3A_802 : i32 to index
        %get3A_805 = arith.index_cast %get3A_803 : i32 to index
        %get3A_806 = arith.index_cast %scan3A_792 : i32 to index
        %get3A_807 = arith.constant 16 : index
        %get3A_808 = tpu.vector_load %arg6[%get3A_804, %get3A_805, %get3A_806, %get3A_807] {strides = array<i32>} : memref<4x2x100x32xf32, #tpu.memory_space<vmem>>, vector<1x1x1x16xf32>,
        %get3A_809 = vector.shape_cast %get3A_808 : vector<1x1x1x16xf32> to vector<16xf32>
        %add3A_810 = arith.addf %add3A_772, %get3A_809 : vector<16xf32>
        %get3A_811 = arith.constant 2 : i32
        %get3A_812 = arith.constant 1 : i32
        %get3A_813 = arith.index_cast %get3A_811 : i32 to index
        %get3A_814 = arith.index_cast %get3A_812 : i32 to index
        %get3A_815 = arith.index_cast %scan3A_792 : i32 to index
        %get3A_816 = arith.constant 0 : index
        %get3A_817 = tpu.vector_load %arg6[%get3A_813, %get3A_814, %get3A_815, %get3A_816] {strides = array<i32>} : memref<4x2x100x32xf32, #tpu.memory_space<vmem>>, vector<1x1x1x16xf32>,
        %get3A_818 = vector.shape_cast %get3A_817 : vector<1x1x1x16xf32> to vector<16xf32>
        %add3A_819 = arith.addf %add3A_781, %get3A_818 : vector<16xf32>
        %get3A_820 = arith.constant 2 : i32
        %get3A_821 = arith.constant 1 : i32
        %get3A_822 = arith.index_cast %get3A_820 : i32 to index
        %get3A_823 = arith.index_cast %get3A_821 : i32 to index
        %get3A_824 = arith.index_cast %scan3A_792 : i32 to index
        %get3A_825 = arith.constant 16 : index
        %get3A_826 = tpu.vector_load %arg6[%get3A_822, %get3A_823, %get3A_824, %get3A_825] {strides = array<i32>} : memref<4x2x100x32xf32, #tpu.memory_space<vmem>>, vector<1x1x1x16xf32>,
        %get3A_827 = vector.shape_cast %get3A_826 : vector<1x1x1x16xf32> to vector<16xf32>
        %add3A_828 = arith.addf %add3A_790, %get3A_827 : vector<16xf32>
        %scan3A_829 = arith.constant 9 : i32
        %scan3A_830 = arith.addi %scan3A_485, %scan3A_829 : i32
        %get3A_831 = arith.constant 2 : i32
        %get3A_832 = arith.constant 0 : i32
        %get3A_833 = arith.index_cast %get3A_831 : i32 to index
        %get3A_834 = arith.index_cast %get3A_832 : i32 to index
        %get3A_835 = arith.index_cast %scan3A_830 : i32 to index
        %get3A_836 = arith.constant 0 : index
        %get3A_837 = tpu.vector_load %arg6[%get3A_833, %get3A_834, %get3A_835, %get3A_836] {strides = array<i32>} : memref<4x2x100x32xf32, #tpu.memory_space<vmem>>, vector<1x1x1x16xf32>,
        %get3A_838 = vector.shape_cast %get3A_837 : vector<1x1x1x16xf32> to vector<16xf32>
        %add3A_839 = arith.addf %add3A_801, %get3A_838 : vector<16xf32>
        %get3A_840 = arith.constant 2 : i32
        %get3A_841 = arith.constant 0 : i32
        %get3A_842 = arith.index_cast %get3A_840 : i32 to index
        %get3A_843 = arith.index_cast %get3A_841 : i32 to index
        %get3A_844 = arith.index_cast %scan3A_830 : i32 to index
        %get3A_845 = arith.constant 16 : index
        %get3A_846 = tpu.vector_load %arg6[%get3A_842, %get3A_843, %get3A_844, %get3A_845] {strides = array<i32>} : memref<4x2x100x32xf32, #tpu.memory_space<vmem>>, vector<1x1x1x16xf32>,
        %get3A_847 = vector.shape_cast %get3A_846 : vector<1x1x1x16xf32> to vector<16xf32>
        %add3A_848 = arith.addf %add3A_810, %get3A_847 : vector<16xf32>
        %get3A_849 = arith.constant 2 : i32
        %get3A_850 = arith.constant 1 : i32
        %get3A_851 = arith.index_cast %get3A_849 : i32 to index
        %get3A_852 = arith.index_cast %get3A_850 : i32 to index
        %get3A_853 = arith.index_cast %scan3A_830 : i32 to index
        %get3A_854 = arith.constant 0 : index
        %get3A_855 = tpu.vector_load %arg6[%get3A_851, %get3A_852, %get3A_853, %get3A_854] {strides = array<i32>} : memref<4x2x100x32xf32, #tpu.memory_space<vmem>>, vector<1x1x1x16xf32>,
        %get3A_856 = vector.shape_cast %get3A_855 : vector<1x1x1x16xf32> to vector<16xf32>
        %add3A_857 = arith.addf %add3A_819, %get3A_856 : vector<16xf32>
        %get3A_858 = arith.constant 2 : i32
        %get3A_859 = arith.constant 1 : i32
        %get3A_860 = arith.index_cast %get3A_858 : i32 to index
        %get3A_861 = arith.index_cast %get3A_859 : i32 to index
        %get3A_862 = arith.index_cast %scan3A_830 : i32 to index
        %get3A_863 = arith.constant 16 : index
        %get3A_864 = tpu.vector_load %arg6[%get3A_860, %get3A_861, %get3A_862, %get3A_863] {strides = array<i32>} : memref<4x2x100x32xf32, #tpu.memory_space<vmem>>, vector<1x1x1x16xf32>,
        %get3A_865 = vector.shape_cast %get3A_864 : vector<1x1x1x16xf32> to vector<16xf32>
        %add3A_866 = arith.addf %add3A_828, %get3A_865 : vector<16xf32>
        scf.yield %add3A_839, %add3A_857, %add3A_848, %add3A_866 : vector<16xf32>, vector<16xf32>, vector<16xf32>, vector<16xf32>
      }
      %scan3A_406 = arith.constant 100 : i32
      %add3A_407 = arith.addf %scan3A_405#0, %scan3A_405#1 : vector<16xf32>
      %swap3A_408 = arith.index_cast %add3A_354 : i32 to index
      %swap3A_409 = arith.constant 0 : index
      %swap3A_410 = tpu.vector_load %arg7[%swap3A_408, %swap3A_409] {strides = array<i32>} : memref<512x32xf32, #tpu.memory_space<vmem>>, vector<1x16xf32>,
      %swap3A_411 = vector.shape_cast %swap3A_410 : vector<1x16xf32> to vector<16xf32>
      %swap3A_412 = vector.shape_cast %add3A_407 : vector<16xf32> to vector<1x16xf32>
      tpu.vector_store %arg7[%swap3A_408, %swap3A_409], %swap3A_412 {strides = array<i32>} : memref<512x32xf32, #tpu.memory_space<vmem>>, vector<1x16xf32>,
      %add3A_413 = arith.addf %scan3A_405#2, %scan3A_405#3 : vector<16xf32>
      %swap3A_414 = arith.index_cast %add3A_354 : i32 to index
      %swap3A_415 = arith.constant 16 : index
      %swap3A_416 = tpu.vector_load %arg7[%swap3A_414, %swap3A_415] {strides = array<i32>} : memref<512x32xf32, #tpu.memory_space<vmem>>, vector<1x16xf32>,
      %swap3A_417 = vector.shape_cast %swap3A_416 : vector<1x16xf32> to vector<16xf32>
      %swap3A_418 = vector.shape_cast %add3A_413 : vector<16xf32> to vector<1x16xf32>
      tpu.vector_store %arg7[%swap3A_414, %swap3A_415], %swap3A_418 {strides = array<i32>} : memref<512x32xf32, #tpu.memory_space<vmem>>, vector<1x16xf32>,
      %add3A_419 = arith.constant 3 : i32
      %add3A_420 = arith.addi %add3A_226, %add3A_419 : i32
      %add3A_421 = arith.constant 4 : i32
      %add3A_422 = arith.addi %add3A_420, %add3A_421 : i32
      %sub3A_423 = arith.constant 1 : i32
      %sub3A_424 = arith.subi %add3A_422, %sub3A_423 : i32
      %lt3A_425 = arith.constant 512 : i32
      %lt3A_426 = arith.cmpi slt, %sub3A_424, %lt3A_425 : i32
      %convert_element_type3A_427 = arith.extui %lt3A_426 : i1 to i32
      %cond3A_428 = arith.constant 0 : i32
      %cond3A_429 = arith.cmpi ne, %convert_element_type3A_427, %cond3A_428 : i32
      scf.if %cond3A_429 {
        %add3A_485 = arith.constant 4 : i32
        %add3A_486 = arith.addi %add3A_420, %add3A_485 : i32
        %sub3A_487 = arith.constant 1 : i32
        %sub3A_488 = arith.subi %add3A_486, %sub3A_487 : i32
        %add3A_489 = arith.addi %mul3A_2, %sub3A_488 : i32
        %dma_wait3A_490 = arith.constant 2 : i32
        %dma_wait3A_491 = arith.constant 0 : i32
        %dma_wait3A_492 = arith.constant 0 : i32
        %dma_wait3A_493 = tpu.memref_slice %arg5[%dma_wait3A_490, %dma_wait3A_491, %dma_wait3A_492] : memref<4x2x100xi32, #tpu.memory_space<vmem>> -> memref<1x2x100xi32, #tpu.memory_space<vmem>>
        %dma_wait3A_494 = tpu.memref_squeeze %dma_wait3A_493 : memref<1x2x100xi32, #tpu.memory_space<vmem>> -> memref<2x100xi32, #tpu.memory_space<vmem>>
        %dma_wait3A_495 = arith.constant 0 : i32
        %dma_wait3A_496 = arith.constant 0 : i32
        %dma_wait3A_497 = tpu.memref_slice %arg2[%add3A_489, %dma_wait3A_495, %dma_wait3A_496] : memref<16384x2x100xi32, #tpu.memory_space<hbm>> -> memref<1x2x100xi32, #tpu.memory_space<hbm>>
        %dma_wait3A_498 = tpu.memref_squeeze %dma_wait3A_497 : memref<1x2x100xi32, #tpu.memory_space<hbm>> -> memref<2x100xi32, #tpu.memory_space<hbm>>
        %dma_wait3A_499 = arith.constant 0 : i32
        %dma_wait3A_500 = arith.constant 0 : i32
        %dma_wait3A_501 = tpu.memref_slice %arg5[%dma_wait3A_490, %dma_wait3A_499, %dma_wait3A_500] : memref<4x2x100xi32, #tpu.memory_space<vmem>> -> memref<1x2x100xi32, #tpu.memory_space<vmem>>
        %dma_wait3A_502 = tpu.memref_squeeze %dma_wait3A_501 : memref<1x2x100xi32, #tpu.memory_space<vmem>> -> memref<2x100xi32, #tpu.memory_space<vmem>>
        %dma_wait3A_503 = arith.constant 0 : i32
        %dma_wait3A_504 = arith.constant 0 : i32
        %dma_wait3A_505 = tpu.memref_slice %arg2[%add3A_489, %dma_wait3A_503, %dma_wait3A_504] : memref<16384x2x100xi32, #tpu.memory_space<hbm>> -> memref<1x2x100xi32, #tpu.memory_space<hbm>>
        %dma_wait3A_506 = tpu.memref_squeeze %dma_wait3A_505 : memref<1x2x100xi32, #tpu.memory_space<hbm>> -> memref<2x100xi32, #tpu.memory_space<hbm>>
        tpu.wait_dma2 semaphore(%arg8 : memref<!tpu.dma_semaphore, #tpu.memory_space<semaphore_mem>>) src(%dma_wait3A_506 : memref<2x100xi32, #tpu.memory_space<hbm>>) dst(%dma_wait3A_502 : memref<2x100xi32, #tpu.memory_space<vmem>>)
        %dma_start3A_507 = arith.constant 2 : i32
        %dma_start3A_508 = arith.constant 0 : i32
        %dma_start3A_509 = arith.constant 2 : i32
        %dma_start3A_510 = arith.constant 0 : i32
        %dma_start3A_511 = arith.constant 0 : i32
        %dma_start3A_512 = arith.constant 0 : i32
        %dma_start3A_513 = tpu.memref_slice %arg6[%dma_start3A_509, %dma_start3A_510, %dma_start3A_511, %dma_start3A_512] : memref<4x2x100x32xf32, #tpu.memory_space<vmem>> -> memref<1x1x100x32xf32, #tpu.memory_space<vmem>>
        %dma_start3A_514 = tpu.memref_squeeze %dma_start3A_513 : memref<1x1x100x32xf32, #tpu.memory_space<vmem>> -> memref<100x32xf32, #tpu.memory_space<vmem>>
        %dma_start3A_515 = arith.constant 0 : i32
        %dma_start3A_516 = tpu.memref_slice %arg5[%dma_start3A_507, %dma_start3A_508, %dma_start3A_515] : memref<4x2x100xi32, #tpu.memory_space<vmem>> -> memref<1x1x100xi32, #tpu.memory_space<vmem>>
        %dma_start3A_517 = tpu.memref_squeeze %dma_start3A_516 : memref<1x1x100xi32, #tpu.memory_space<vmem>> -> memref<100xi32, #tpu.memory_space<vmem>>
        %dma_start3A_518 = arith.constant 0 : i32
        %dma_start3A_519 = arith.constant 0 : i32
        %dma_start3A_520 = tpu.memref_slice %arg3[%dma_start3A_518, %dma_start3A_519] : memref<100000x32xf32, #tpu.memory_space<hbm>> -> memref<100000x32xf32, #tpu.memory_space<hbm>>
        tpu.enqueue_indirect_dma source(%dma_start3A_520 : memref<100000x32xf32, #tpu.memory_space<hbm>>) target(%dma_start3A_514 : memref<100x32xf32, #tpu.memory_space<vmem>>) offsets(%dma_start3A_517 : memref<100xi32, #tpu.memory_space<vmem>>) semaphore(%arg11 : memref<!tpu.dma_semaphore, #tpu.memory_space<semaphore_mem>>)
        %dma_start3A_521 = arith.constant 2 : i32
        %dma_start3A_522 = arith.constant 1 : i32
        %dma_start3A_523 = arith.constant 2 : i32
        %dma_start3A_524 = arith.constant 1 : i32
        %dma_start3A_525 = arith.constant 0 : i32
        %dma_start3A_526 = arith.constant 0 : i32
        %dma_start3A_527 = tpu.memref_slice %arg6[%dma_start3A_523, %dma_start3A_524, %dma_start3A_525, %dma_start3A_526] : memref<4x2x100x32xf32, #tpu.memory_space<vmem>> -> memref<1x1x100x32xf32, #tpu.memory_space<vmem>>
        %dma_start3A_528 = tpu.memref_squeeze %dma_start3A_527 : memref<1x1x100x32xf32, #tpu.memory_space<vmem>> -> memref<100x32xf32, #tpu.memory_space<vmem>>
        %dma_start3A_529 = arith.constant 0 : i32
        %dma_start3A_530 = tpu.memref_slice %arg5[%dma_start3A_521, %dma_start3A_522, %dma_start3A_529] : memref<4x2x100xi32, #tpu.memory_space<vmem>> -> memref<1x1x100xi32, #tpu.memory_space<vmem>>
        %dma_start3A_531 = tpu.memref_squeeze %dma_start3A_530 : memref<1x1x100xi32, #tpu.memory_space<vmem>> -> memref<100xi32, #tpu.memory_space<vmem>>
        %dma_start3A_532 = arith.constant 0 : i32
        %dma_start3A_533 = arith.constant 0 : i32
        %dma_start3A_534 = tpu.memref_slice %arg3[%dma_start3A_532, %dma_start3A_533] : memref<100000x32xf32, #tpu.memory_space<hbm>> -> memref<100000x32xf32, #tpu.memory_space<hbm>>
        tpu.enqueue_indirect_dma source(%dma_start3A_534 : memref<100000x32xf32, #tpu.memory_space<hbm>>) target(%dma_start3A_528 : memref<100x32xf32, #tpu.memory_space<vmem>>) offsets(%dma_start3A_531 : memref<100xi32, #tpu.memory_space<vmem>>) semaphore(%arg11 : memref<!tpu.dma_semaphore, #tpu.memory_space<semaphore_mem>>)
      } else {
      }
      %dma_wait3A_430 = arith.constant 3 : i32
      %dma_wait3A_431 = arith.constant 0 : i32
      %dma_wait3A_432 = arith.constant 3 : i32
      %dma_wait3A_433 = arith.constant 0 : i32
      %dma_wait3A_434 = arith.constant 0 : i32
      %dma_wait3A_435 = arith.constant 0 : i32
      %dma_wait3A_436 = tpu.memref_slice %arg6[%dma_wait3A_432, %dma_wait3A_433, %dma_wait3A_434, %dma_wait3A_435] : memref<4x2x100x32xf32, #tpu.memory_space<vmem>> -> memref<1x1x100x32xf32, #tpu.memory_space<vmem>>
      %dma_wait3A_437 = tpu.memref_squeeze %dma_wait3A_436 : memref<1x1x100x32xf32, #tpu.memory_space<vmem>> -> memref<100x32xf32, #tpu.memory_space<vmem>>
      %dma_wait3A_438 = arith.constant 0 : i32
      %dma_wait3A_439 = tpu.memref_slice %arg5[%dma_wait3A_430, %dma_wait3A_431, %dma_wait3A_438] : memref<4x2x100xi32, #tpu.memory_space<vmem>> -> memref<1x1x100xi32, #tpu.memory_space<vmem>>
      %dma_wait3A_440 = tpu.memref_squeeze %dma_wait3A_439 : memref<1x1x100xi32, #tpu.memory_space<vmem>> -> memref<100xi32, #tpu.memory_space<vmem>>
      %dma_wait3A_441 = arith.constant 0 : i32
      %dma_wait3A_442 = arith.constant 0 : i32
      %dma_wait3A_443 = tpu.memref_slice %arg3[%dma_wait3A_441, %dma_wait3A_442] : memref<100000x32xf32, #tpu.memory_space<hbm>> -> memref<100000x32xf32, #tpu.memory_space<hbm>>
      tpu.wait_indirect_dma semaphore(%arg12 : memref<!tpu.dma_semaphore, #tpu.memory_space<semaphore_mem>>) src(%dma_wait3A_443 : memref<100000x32xf32, #tpu.memory_space<hbm>>) dst(%dma_wait3A_437 : memref<100x32xf32, #tpu.memory_space<vmem>>)
      %dma_wait3A_444 = arith.constant 3 : i32
      %dma_wait3A_445 = arith.constant 1 : i32
      %dma_wait3A_446 = arith.constant 3 : i32
      %dma_wait3A_447 = arith.constant 1 : i32
      %dma_wait3A_448 = arith.constant 0 : i32
      %dma_wait3A_449 = arith.constant 0 : i32
      %dma_wait3A_450 = tpu.memref_slice %arg6[%dma_wait3A_446, %dma_wait3A_447, %dma_wait3A_448, %dma_wait3A_449] : memref<4x2x100x32xf32, #tpu.memory_space<vmem>> -> memref<1x1x100x32xf32, #tpu.memory_space<vmem>>
      %dma_wait3A_451 = tpu.memref_squeeze %dma_wait3A_450 : memref<1x1x100x32xf32, #tpu.memory_space<vmem>> -> memref<100x32xf32, #tpu.memory_space<vmem>>
      %dma_wait3A_452 = arith.constant 0 : i32
      %dma_wait3A_453 = tpu.memref_slice %arg5[%dma_wait3A_444, %dma_wait3A_445, %dma_wait3A_452] : memref<4x2x100xi32, #tpu.memory_space<vmem>> -> memref<1x1x100xi32, #tpu.memory_space<vmem>>
      %dma_wait3A_454 = tpu.memref_squeeze %dma_wait3A_453 : memref<1x1x100xi32, #tpu.memory_space<vmem>> -> memref<100xi32, #tpu.memory_space<vmem>>
      %dma_wait3A_455 = arith.constant 0 : i32
      %dma_wait3A_456 = arith.constant 0 : i32
      %dma_wait3A_457 = tpu.memref_slice %arg3[%dma_wait3A_455, %dma_wait3A_456] : memref<100000x32xf32, #tpu.memory_space<hbm>> -> memref<100000x32xf32, #tpu.memory_space<hbm>>
      tpu.wait_indirect_dma semaphore(%arg12 : memref<!tpu.dma_semaphore, #tpu.memory_space<semaphore_mem>>) src(%dma_wait3A_457 : memref<100000x32xf32, #tpu.memory_space<hbm>>) dst(%dma_wait3A_451 : memref<100x32xf32, #tpu.memory_space<vmem>>)
      %add3A_458 = arith.constant 4 : i32
      %add3A_459 = arith.addi %add3A_420, %add3A_458 : i32
      %lt3A_460 = arith.constant 512 : i32
      %lt3A_461 = arith.cmpi slt, %add3A_459, %lt3A_460 : i32
      %convert_element_type3A_462 = arith.extui %lt3A_461 : i1 to i32
      %cond3A_463 = arith.constant 0 : i32
      %cond3A_464 = arith.cmpi ne, %convert_element_type3A_462, %cond3A_463 : i32
      scf.if %cond3A_464 {
        %add3A_485 = arith.constant 4 : i32
        %add3A_486 = arith.addi %add3A_420, %add3A_485 : i32
        %add3A_487 = arith.addi %mul3A_2, %add3A_486 : i32
        %dma_start3A_488 = arith.constant 3 : i32
        %dma_start3A_489 = arith.constant 0 : i32
        %dma_start3A_490 = arith.constant 0 : i32
        %dma_start3A_491 = tpu.memref_slice %arg5[%dma_start3A_488, %dma_start3A_489, %dma_start3A_490] : memref<4x2x100xi32, #tpu.memory_space<vmem>> -> memref<1x2x100xi32, #tpu.memory_space<vmem>>
        %dma_start3A_492 = tpu.memref_squeeze %dma_start3A_491 : memref<1x2x100xi32, #tpu.memory_space<vmem>> -> memref<2x100xi32, #tpu.memory_space<vmem>>
        %dma_start3A_493 = arith.constant 0 : i32
        %dma_start3A_494 = arith.constant 0 : i32
        %dma_start3A_495 = tpu.memref_slice %arg2[%add3A_487, %dma_start3A_493, %dma_start3A_494] : memref<16384x2x100xi32, #tpu.memory_space<hbm>> -> memref<1x2x100xi32, #tpu.memory_space<hbm>>
        %dma_start3A_496 = tpu.memref_squeeze %dma_start3A_495 : memref<1x2x100xi32, #tpu.memory_space<hbm>> -> memref<2x100xi32, #tpu.memory_space<hbm>>
        %dma_start3A_497 = arith.constant 0 : i32
        %dma_start3A_498 = arith.constant 0 : i32
        %dma_start3A_499 = tpu.memref_slice %arg5[%dma_start3A_488, %dma_start3A_497, %dma_start3A_498] : memref<4x2x100xi32, #tpu.memory_space<vmem>> -> memref<1x2x100xi32, #tpu.memory_space<vmem>>
        %dma_start3A_500 = tpu.memref_squeeze %dma_start3A_499 : memref<1x2x100xi32, #tpu.memory_space<vmem>> -> memref<2x100xi32, #tpu.memory_space<vmem>>
        %dma_start3A_501 = arith.constant 0 : i32
        %dma_start3A_502 = arith.constant 0 : i32
        %dma_start3A_503 = tpu.memref_slice %arg2[%add3A_487, %dma_start3A_501, %dma_start3A_502] : memref<16384x2x100xi32, #tpu.memory_space<hbm>> -> memref<1x2x100xi32, #tpu.memory_space<hbm>>
        %dma_start3A_504 = tpu.memref_squeeze %dma_start3A_503 : memref<1x2x100xi32, #tpu.memory_space<hbm>> -> memref<2x100xi32, #tpu.memory_space<hbm>>
        tpu.enqueue_dma source(%dma_start3A_504 : memref<2x100xi32, #tpu.memory_space<hbm>>) target(%dma_start3A_500 : memref<2x100xi32, #tpu.memory_space<vmem>>) target_semaphore(%arg8 : memref<!tpu.dma_semaphore, #tpu.memory_space<semaphore_mem>>)
      } else {
      }
      %broadcast_in_dim3A_465 = arith.constant 0.000000e+00 : f32
      %broadcast_in_dim3A_466 = vector.broadcast %broadcast_in_dim3A_465 : f32 to vector<16xf32>
      %scan3A_467 = arith.constant 0 : i32
      %scan3A_468 = arith.constant 100 : i32
      %scan3A_469 = arith.addi %scan3A_467, %scan3A_468 : i32
      %scan3A_470 = arith.constant 10 : i32
      %scan3A_471:4 = scf.for %scan3A_485 = %scan3A_467 to %scan3A_469 step %scan3A_470 iter_args(%scan3A_486 = %broadcast_in_dim3A_466, %scan3A_487 = %broadcast_in_dim3A_466, %scan3A_488 = %broadcast_in_dim3A_466, %scan3A_489 = %broadcast_in_dim3A_466) -> (vector<16xf32>, vector<16xf32>, vector<16xf32>, vector<16xf32>)  : i32 {
        %get3A = arith.constant 3 : i32
        %get3A_490 = arith.constant 0 : i32
        %get3A_491 = arith.index_cast %get3A : i32 to index
        %get3A_492 = arith.index_cast %get3A_490 : i32 to index
        %get3A_493 = arith.index_cast %scan3A_485 : i32 to index
        %get3A_494 = arith.constant 0 : index
        %get3A_495 = tpu.vector_load %arg6[%get3A_491, %get3A_492, %get3A_493, %get3A_494] {strides = array<i32>} : memref<4x2x100x32xf32, #tpu.memory_space<vmem>>, vector<1x1x1x16xf32>,
        %get3A_496 = vector.shape_cast %get3A_495 : vector<1x1x1x16xf32> to vector<16xf32>
        %add3A_497 = arith.addf %scan3A_486, %get3A_496 : vector<16xf32>
        %get3A_498 = arith.constant 3 : i32
        %get3A_499 = arith.constant 0 : i32
        %get3A_500 = arith.index_cast %get3A_498 : i32 to index
        %get3A_501 = arith.index_cast %get3A_499 : i32 to index
        %get3A_502 = arith.index_cast %scan3A_485 : i32 to index
        %get3A_503 = arith.constant 16 : index
        %get3A_504 = tpu.vector_load %arg6[%get3A_500, %get3A_501, %get3A_502, %get3A_503] {strides = array<i32>} : memref<4x2x100x32xf32, #tpu.memory_space<vmem>>, vector<1x1x1x16xf32>,
        %get3A_505 = vector.shape_cast %get3A_504 : vector<1x1x1x16xf32> to vector<16xf32>
        %add3A_506 = arith.addf %scan3A_488, %get3A_505 : vector<16xf32>
        %get3A_507 = arith.constant 3 : i32
        %get3A_508 = arith.constant 1 : i32
        %get3A_509 = arith.index_cast %get3A_507 : i32 to index
        %get3A_510 = arith.index_cast %get3A_508 : i32 to index
        %get3A_511 = arith.index_cast %scan3A_485 : i32 to index
        %get3A_512 = arith.constant 0 : index
        %get3A_513 = tpu.vector_load %arg6[%get3A_509, %get3A_510, %get3A_511, %get3A_512] {strides = array<i32>} : memref<4x2x100x32xf32, #tpu.memory_space<vmem>>, vector<1x1x1x16xf32>,
        %get3A_514 = vector.shape_cast %get3A_513 : vector<1x1x1x16xf32> to vector<16xf32>
        %add3A_515 = arith.addf %scan3A_487, %get3A_514 : vector<16xf32>
        %get3A_516 = arith.constant 3 : i32
        %get3A_517 = arith.constant 1 : i32
        %get3A_518 = arith.index_cast %get3A_516 : i32 to index
        %get3A_519 = arith.index_cast %get3A_517 : i32 to index
        %get3A_520 = arith.index_cast %scan3A_485 : i32 to index
        %get3A_521 = arith.constant 16 : index
        %get3A_522 = tpu.vector_load %arg6[%get3A_518, %get3A_519, %get3A_520, %get3A_521] {strides = array<i32>} : memref<4x2x100x32xf32, #tpu.memory_space<vmem>>, vector<1x1x1x16xf32>,
        %get3A_523 = vector.shape_cast %get3A_522 : vector<1x1x1x16xf32> to vector<16xf32>
        %add3A_524 = arith.addf %scan3A_489, %get3A_523 : vector<16xf32>
        %scan3A_525 = arith.constant 1 : i32
        %scan3A_526 = arith.addi %scan3A_485, %scan3A_525 : i32
        %get3A_527 = arith.constant 3 : i32
        %get3A_528 = arith.constant 0 : i32
        %get3A_529 = arith.index_cast %get3A_527 : i32 to index
        %get3A_530 = arith.index_cast %get3A_528 : i32 to index
        %get3A_531 = arith.index_cast %scan3A_526 : i32 to index
        %get3A_532 = arith.constant 0 : index
        %get3A_533 = tpu.vector_load %arg6[%get3A_529, %get3A_530, %get3A_531, %get3A_532] {strides = array<i32>} : memref<4x2x100x32xf32, #tpu.memory_space<vmem>>, vector<1x1x1x16xf32>,
        %get3A_534 = vector.shape_cast %get3A_533 : vector<1x1x1x16xf32> to vector<16xf32>
        %add3A_535 = arith.addf %add3A_497, %get3A_534 : vector<16xf32>
        %get3A_536 = arith.constant 3 : i32
        %get3A_537 = arith.constant 0 : i32
        %get3A_538 = arith.index_cast %get3A_536 : i32 to index
        %get3A_539 = arith.index_cast %get3A_537 : i32 to index
        %get3A_540 = arith.index_cast %scan3A_526 : i32 to index
        %get3A_541 = arith.constant 16 : index
        %get3A_542 = tpu.vector_load %arg6[%get3A_538, %get3A_539, %get3A_540, %get3A_541] {strides = array<i32>} : memref<4x2x100x32xf32, #tpu.memory_space<vmem>>, vector<1x1x1x16xf32>,
        %get3A_543 = vector.shape_cast %get3A_542 : vector<1x1x1x16xf32> to vector<16xf32>
        %add3A_544 = arith.addf %add3A_506, %get3A_543 : vector<16xf32>
        %get3A_545 = arith.constant 3 : i32
        %get3A_546 = arith.constant 1 : i32
        %get3A_547 = arith.index_cast %get3A_545 : i32 to index
        %get3A_548 = arith.index_cast %get3A_546 : i32 to index
        %get3A_549 = arith.index_cast %scan3A_526 : i32 to index
        %get3A_550 = arith.constant 0 : index
        %get3A_551 = tpu.vector_load %arg6[%get3A_547, %get3A_548, %get3A_549, %get3A_550] {strides = array<i32>} : memref<4x2x100x32xf32, #tpu.memory_space<vmem>>, vector<1x1x1x16xf32>,
        %get3A_552 = vector.shape_cast %get3A_551 : vector<1x1x1x16xf32> to vector<16xf32>
        %add3A_553 = arith.addf %add3A_515, %get3A_552 : vector<16xf32>
        %get3A_554 = arith.constant 3 : i32
        %get3A_555 = arith.constant 1 : i32
        %get3A_556 = arith.index_cast %get3A_554 : i32 to index
        %get3A_557 = arith.index_cast %get3A_555 : i32 to index
        %get3A_558 = arith.index_cast %scan3A_526 : i32 to index
        %get3A_559 = arith.constant 16 : index
        %get3A_560 = tpu.vector_load %arg6[%get3A_556, %get3A_557, %get3A_558, %get3A_559] {strides = array<i32>} : memref<4x2x100x32xf32, #tpu.memory_space<vmem>>, vector<1x1x1x16xf32>,
        %get3A_561 = vector.shape_cast %get3A_560 : vector<1x1x1x16xf32> to vector<16xf32>
        %add3A_562 = arith.addf %add3A_524, %get3A_561 : vector<16xf32>
        %scan3A_563 = arith.constant 2 : i32
        %scan3A_564 = arith.addi %scan3A_485, %scan3A_563 : i32
        %get3A_565 = arith.constant 3 : i32
        %get3A_566 = arith.constant 0 : i32
        %get3A_567 = arith.index_cast %get3A_565 : i32 to index
        %get3A_568 = arith.index_cast %get3A_566 : i32 to index
        %get3A_569 = arith.index_cast %scan3A_564 : i32 to index
        %get3A_570 = arith.constant 0 : index
        %get3A_571 = tpu.vector_load %arg6[%get3A_567, %get3A_568, %get3A_569, %get3A_570] {strides = array<i32>} : memref<4x2x100x32xf32, #tpu.memory_space<vmem>>, vector<1x1x1x16xf32>,
        %get3A_572 = vector.shape_cast %get3A_571 : vector<1x1x1x16xf32> to vector<16xf32>
        %add3A_573 = arith.addf %add3A_535, %get3A_572 : vector<16xf32>
        %get3A_574 = arith.constant 3 : i32
        %get3A_575 = arith.constant 0 : i32
        %get3A_576 = arith.index_cast %get3A_574 : i32 to index
        %get3A_577 = arith.index_cast %get3A_575 : i32 to index
        %get3A_578 = arith.index_cast %scan3A_564 : i32 to index
        %get3A_579 = arith.constant 16 : index
        %get3A_580 = tpu.vector_load %arg6[%get3A_576, %get3A_577, %get3A_578, %get3A_579] {strides = array<i32>} : memref<4x2x100x32xf32, #tpu.memory_space<vmem>>, vector<1x1x1x16xf32>,
        %get3A_581 = vector.shape_cast %get3A_580 : vector<1x1x1x16xf32> to vector<16xf32>
        %add3A_582 = arith.addf %add3A_544, %get3A_581 : vector<16xf32>
        %get3A_583 = arith.constant 3 : i32
        %get3A_584 = arith.constant 1 : i32
        %get3A_585 = arith.index_cast %get3A_583 : i32 to index
        %get3A_586 = arith.index_cast %get3A_584 : i32 to index
        %get3A_587 = arith.index_cast %scan3A_564 : i32 to index
        %get3A_588 = arith.constant 0 : index
        %get3A_589 = tpu.vector_load %arg6[%get3A_585, %get3A_586, %get3A_587, %get3A_588] {strides = array<i32>} : memref<4x2x100x32xf32, #tpu.memory_space<vmem>>, vector<1x1x1x16xf32>,
        %get3A_590 = vector.shape_cast %get3A_589 : vector<1x1x1x16xf32> to vector<16xf32>
        %add3A_591 = arith.addf %add3A_553, %get3A_590 : vector<16xf32>
        %get3A_592 = arith.constant 3 : i32
        %get3A_593 = arith.constant 1 : i32
        %get3A_594 = arith.index_cast %get3A_592 : i32 to index
        %get3A_595 = arith.index_cast %get3A_593 : i32 to index
        %get3A_596 = arith.index_cast %scan3A_564 : i32 to index
        %get3A_597 = arith.constant 16 : index
        %get3A_598 = tpu.vector_load %arg6[%get3A_594, %get3A_595, %get3A_596, %get3A_597] {strides = array<i32>} : memref<4x2x100x32xf32, #tpu.memory_space<vmem>>, vector<1x1x1x16xf32>,
        %get3A_599 = vector.shape_cast %get3A_598 : vector<1x1x1x16xf32> to vector<16xf32>
        %add3A_600 = arith.addf %add3A_562, %get3A_599 : vector<16xf32>
        %scan3A_601 = arith.constant 3 : i32
        %scan3A_602 = arith.addi %scan3A_485, %scan3A_601 : i32
        %get3A_603 = arith.constant 3 : i32
        %get3A_604 = arith.constant 0 : i32
        %get3A_605 = arith.index_cast %get3A_603 : i32 to index
        %get3A_606 = arith.index_cast %get3A_604 : i32 to index
        %get3A_607 = arith.index_cast %scan3A_602 : i32 to index
        %get3A_608 = arith.constant 0 : index
        %get3A_609 = tpu.vector_load %arg6[%get3A_605, %get3A_606, %get3A_607, %get3A_608] {strides = array<i32>} : memref<4x2x100x32xf32, #tpu.memory_space<vmem>>, vector<1x1x1x16xf32>,
        %get3A_610 = vector.shape_cast %get3A_609 : vector<1x1x1x16xf32> to vector<16xf32>
        %add3A_611 = arith.addf %add3A_573, %get3A_610 : vector<16xf32>
        %get3A_612 = arith.constant 3 : i32
        %get3A_613 = arith.constant 0 : i32
        %get3A_614 = arith.index_cast %get3A_612 : i32 to index
        %get3A_615 = arith.index_cast %get3A_613 : i32 to index
        %get3A_616 = arith.index_cast %scan3A_602 : i32 to index
        %get3A_617 = arith.constant 16 : index
        %get3A_618 = tpu.vector_load %arg6[%get3A_614, %get3A_615, %get3A_616, %get3A_617] {strides = array<i32>} : memref<4x2x100x32xf32, #tpu.memory_space<vmem>>, vector<1x1x1x16xf32>,
        %get3A_619 = vector.shape_cast %get3A_618 : vector<1x1x1x16xf32> to vector<16xf32>
        %add3A_620 = arith.addf %add3A_582, %get3A_619 : vector<16xf32>
        %get3A_621 = arith.constant 3 : i32
        %get3A_622 = arith.constant 1 : i32
        %get3A_623 = arith.index_cast %get3A_621 : i32 to index
        %get3A_624 = arith.index_cast %get3A_622 : i32 to index
        %get3A_625 = arith.index_cast %scan3A_602 : i32 to index
        %get3A_626 = arith.constant 0 : index
        %get3A_627 = tpu.vector_load %arg6[%get3A_623, %get3A_624, %get3A_625, %get3A_626] {strides = array<i32>} : memref<4x2x100x32xf32, #tpu.memory_space<vmem>>, vector<1x1x1x16xf32>,
        %get3A_628 = vector.shape_cast %get3A_627 : vector<1x1x1x16xf32> to vector<16xf32>
        %add3A_629 = arith.addf %add3A_591, %get3A_628 : vector<16xf32>
        %get3A_630 = arith.constant 3 : i32
        %get3A_631 = arith.constant 1 : i32
        %get3A_632 = arith.index_cast %get3A_630 : i32 to index
        %get3A_633 = arith.index_cast %get3A_631 : i32 to index
        %get3A_634 = arith.index_cast %scan3A_602 : i32 to index
        %get3A_635 = arith.constant 16 : index
        %get3A_636 = tpu.vector_load %arg6[%get3A_632, %get3A_633, %get3A_634, %get3A_635] {strides = array<i32>} : memref<4x2x100x32xf32, #tpu.memory_space<vmem>>, vector<1x1x1x16xf32>,
        %get3A_637 = vector.shape_cast %get3A_636 : vector<1x1x1x16xf32> to vector<16xf32>
        %add3A_638 = arith.addf %add3A_600, %get3A_637 : vector<16xf32>
        %scan3A_639 = arith.constant 4 : i32
        %scan3A_640 = arith.addi %scan3A_485, %scan3A_639 : i32
        %get3A_641 = arith.constant 3 : i32
        %get3A_642 = arith.constant 0 : i32
        %get3A_643 = arith.index_cast %get3A_641 : i32 to index
        %get3A_644 = arith.index_cast %get3A_642 : i32 to index
        %get3A_645 = arith.index_cast %scan3A_640 : i32 to index
        %get3A_646 = arith.constant 0 : index
        %get3A_647 = tpu.vector_load %arg6[%get3A_643, %get3A_644, %get3A_645, %get3A_646] {strides = array<i32>} : memref<4x2x100x32xf32, #tpu.memory_space<vmem>>, vector<1x1x1x16xf32>,
        %get3A_648 = vector.shape_cast %get3A_647 : vector<1x1x1x16xf32> to vector<16xf32>
        %add3A_649 = arith.addf %add3A_611, %get3A_648 : vector<16xf32>
        %get3A_650 = arith.constant 3 : i32
        %get3A_651 = arith.constant 0 : i32
        %get3A_652 = arith.index_cast %get3A_650 : i32 to index
        %get3A_653 = arith.index_cast %get3A_651 : i32 to index
        %get3A_654 = arith.index_cast %scan3A_640 : i32 to index
        %get3A_655 = arith.constant 16 : index
        %get3A_656 = tpu.vector_load %arg6[%get3A_652, %get3A_653, %get3A_654, %get3A_655] {strides = array<i32>} : memref<4x2x100x32xf32, #tpu.memory_space<vmem>>, vector<1x1x1x16xf32>,
        %get3A_657 = vector.shape_cast %get3A_656 : vector<1x1x1x16xf32> to vector<16xf32>
        %add3A_658 = arith.addf %add3A_620, %get3A_657 : vector<16xf32>
        %get3A_659 = arith.constant 3 : i32
        %get3A_660 = arith.constant 1 : i32
        %get3A_661 = arith.index_cast %get3A_659 : i32 to index
        %get3A_662 = arith.index_cast %get3A_660 : i32 to index
        %get3A_663 = arith.index_cast %scan3A_640 : i32 to index
        %get3A_664 = arith.constant 0 : index
        %get3A_665 = tpu.vector_load %arg6[%get3A_661, %get3A_662, %get3A_663, %get3A_664] {strides = array<i32>} : memref<4x2x100x32xf32, #tpu.memory_space<vmem>>, vector<1x1x1x16xf32>,
        %get3A_666 = vector.shape_cast %get3A_665 : vector<1x1x1x16xf32> to vector<16xf32>
        %add3A_667 = arith.addf %add3A_629, %get3A_666 : vector<16xf32>
        %get3A_668 = arith.constant 3 : i32
        %get3A_669 = arith.constant 1 : i32
        %get3A_670 = arith.index_cast %get3A_668 : i32 to index
        %get3A_671 = arith.index_cast %get3A_669 : i32 to index
        %get3A_672 = arith.index_cast %scan3A_640 : i32 to index
        %get3A_673 = arith.constant 16 : index
        %get3A_674 = tpu.vector_load %arg6[%get3A_670, %get3A_671, %get3A_672, %get3A_673] {strides = array<i32>} : memref<4x2x100x32xf32, #tpu.memory_space<vmem>>, vector<1x1x1x16xf32>,
        %get3A_675 = vector.shape_cast %get3A_674 : vector<1x1x1x16xf32> to vector<16xf32>
        %add3A_676 = arith.addf %add3A_638, %get3A_675 : vector<16xf32>
        %scan3A_677 = arith.constant 5 : i32
        %scan3A_678 = arith.addi %scan3A_485, %scan3A_677 : i32
        %get3A_679 = arith.constant 3 : i32
        %get3A_680 = arith.constant 0 : i32
        %get3A_681 = arith.index_cast %get3A_679 : i32 to index
        %get3A_682 = arith.index_cast %get3A_680 : i32 to index
        %get3A_683 = arith.index_cast %scan3A_678 : i32 to index
        %get3A_684 = arith.constant 0 : index
        %get3A_685 = tpu.vector_load %arg6[%get3A_681, %get3A_682, %get3A_683, %get3A_684] {strides = array<i32>} : memref<4x2x100x32xf32, #tpu.memory_space<vmem>>, vector<1x1x1x16xf32>,
        %get3A_686 = vector.shape_cast %get3A_685 : vector<1x1x1x16xf32> to vector<16xf32>
        %add3A_687 = arith.addf %add3A_649, %get3A_686 : vector<16xf32>
        %get3A_688 = arith.constant 3 : i32
        %get3A_689 = arith.constant 0 : i32
        %get3A_690 = arith.index_cast %get3A_688 : i32 to index
        %get3A_691 = arith.index_cast %get3A_689 : i32 to index
        %get3A_692 = arith.index_cast %scan3A_678 : i32 to index
        %get3A_693 = arith.constant 16 : index
        %get3A_694 = tpu.vector_load %arg6[%get3A_690, %get3A_691, %get3A_692, %get3A_693] {strides = array<i32>} : memref<4x2x100x32xf32, #tpu.memory_space<vmem>>, vector<1x1x1x16xf32>,
        %get3A_695 = vector.shape_cast %get3A_694 : vector<1x1x1x16xf32> to vector<16xf32>
        %add3A_696 = arith.addf %add3A_658, %get3A_695 : vector<16xf32>
        %get3A_697 = arith.constant 3 : i32
        %get3A_698 = arith.constant 1 : i32
        %get3A_699 = arith.index_cast %get3A_697 : i32 to index
        %get3A_700 = arith.index_cast %get3A_698 : i32 to index
        %get3A_701 = arith.index_cast %scan3A_678 : i32 to index
        %get3A_702 = arith.constant 0 : index
        %get3A_703 = tpu.vector_load %arg6[%get3A_699, %get3A_700, %get3A_701, %get3A_702] {strides = array<i32>} : memref<4x2x100x32xf32, #tpu.memory_space<vmem>>, vector<1x1x1x16xf32>,
        %get3A_704 = vector.shape_cast %get3A_703 : vector<1x1x1x16xf32> to vector<16xf32>
        %add3A_705 = arith.addf %add3A_667, %get3A_704 : vector<16xf32>
        %get3A_706 = arith.constant 3 : i32
        %get3A_707 = arith.constant 1 : i32
        %get3A_708 = arith.index_cast %get3A_706 : i32 to index
        %get3A_709 = arith.index_cast %get3A_707 : i32 to index
        %get3A_710 = arith.index_cast %scan3A_678 : i32 to index
        %get3A_711 = arith.constant 16 : index
        %get3A_712 = tpu.vector_load %arg6[%get3A_708, %get3A_709, %get3A_710, %get3A_711] {strides = array<i32>} : memref<4x2x100x32xf32, #tpu.memory_space<vmem>>, vector<1x1x1x16xf32>,
        %get3A_713 = vector.shape_cast %get3A_712 : vector<1x1x1x16xf32> to vector<16xf32>
        %add3A_714 = arith.addf %add3A_676, %get3A_713 : vector<16xf32>
        %scan3A_715 = arith.constant 6 : i32
        %scan3A_716 = arith.addi %scan3A_485, %scan3A_715 : i32
        %get3A_717 = arith.constant 3 : i32
        %get3A_718 = arith.constant 0 : i32
        %get3A_719 = arith.index_cast %get3A_717 : i32 to index
        %get3A_720 = arith.index_cast %get3A_718 : i32 to index
        %get3A_721 = arith.index_cast %scan3A_716 : i32 to index
        %get3A_722 = arith.constant 0 : index
        %get3A_723 = tpu.vector_load %arg6[%get3A_719, %get3A_720, %get3A_721, %get3A_722] {strides = array<i32>} : memref<4x2x100x32xf32, #tpu.memory_space<vmem>>, vector<1x1x1x16xf32>,
        %get3A_724 = vector.shape_cast %get3A_723 : vector<1x1x1x16xf32> to vector<16xf32>
        %add3A_725 = arith.addf %add3A_687, %get3A_724 : vector<16xf32>
        %get3A_726 = arith.constant 3 : i32
        %get3A_727 = arith.constant 0 : i32
        %get3A_728 = arith.index_cast %get3A_726 : i32 to index
        %get3A_729 = arith.index_cast %get3A_727 : i32 to index
        %get3A_730 = arith.index_cast %scan3A_716 : i32 to index
        %get3A_731 = arith.constant 16 : index
        %get3A_732 = tpu.vector_load %arg6[%get3A_728, %get3A_729, %get3A_730, %get3A_731] {strides = array<i32>} : memref<4x2x100x32xf32, #tpu.memory_space<vmem>>, vector<1x1x1x16xf32>,
        %get3A_733 = vector.shape_cast %get3A_732 : vector<1x1x1x16xf32> to vector<16xf32>
        %add3A_734 = arith.addf %add3A_696, %get3A_733 : vector<16xf32>
        %get3A_735 = arith.constant 3 : i32
        %get3A_736 = arith.constant 1 : i32
        %get3A_737 = arith.index_cast %get3A_735 : i32 to index
        %get3A_738 = arith.index_cast %get3A_736 : i32 to index
        %get3A_739 = arith.index_cast %scan3A_716 : i32 to index
        %get3A_740 = arith.constant 0 : index
        %get3A_741 = tpu.vector_load %arg6[%get3A_737, %get3A_738, %get3A_739, %get3A_740] {strides = array<i32>} : memref<4x2x100x32xf32, #tpu.memory_space<vmem>>, vector<1x1x1x16xf32>,
        %get3A_742 = vector.shape_cast %get3A_741 : vector<1x1x1x16xf32> to vector<16xf32>
        %add3A_743 = arith.addf %add3A_705, %get3A_742 : vector<16xf32>
        %get3A_744 = arith.constant 3 : i32
        %get3A_745 = arith.constant 1 : i32
        %get3A_746 = arith.index_cast %get3A_744 : i32 to index
        %get3A_747 = arith.index_cast %get3A_745 : i32 to index
        %get3A_748 = arith.index_cast %scan3A_716 : i32 to index
        %get3A_749 = arith.constant 16 : index
        %get3A_750 = tpu.vector_load %arg6[%get3A_746, %get3A_747, %get3A_748, %get3A_749] {strides = array<i32>} : memref<4x2x100x32xf32, #tpu.memory_space<vmem>>, vector<1x1x1x16xf32>,
        %get3A_751 = vector.shape_cast %get3A_750 : vector<1x1x1x16xf32> to vector<16xf32>
        %add3A_752 = arith.addf %add3A_714, %get3A_751 : vector<16xf32>
        %scan3A_753 = arith.constant 7 : i32
        %scan3A_754 = arith.addi %scan3A_485, %scan3A_753 : i32
        %get3A_755 = arith.constant 3 : i32
        %get3A_756 = arith.constant 0 : i32
        %get3A_757 = arith.index_cast %get3A_755 : i32 to index
        %get3A_758 = arith.index_cast %get3A_756 : i32 to index
        %get3A_759 = arith.index_cast %scan3A_754 : i32 to index
        %get3A_760 = arith.constant 0 : index
        %get3A_761 = tpu.vector_load %arg6[%get3A_757, %get3A_758, %get3A_759, %get3A_760] {strides = array<i32>} : memref<4x2x100x32xf32, #tpu.memory_space<vmem>>, vector<1x1x1x16xf32>,
        %get3A_762 = vector.shape_cast %get3A_761 : vector<1x1x1x16xf32> to vector<16xf32>
        %add3A_763 = arith.addf %add3A_725, %get3A_762 : vector<16xf32>
        %get3A_764 = arith.constant 3 : i32
        %get3A_765 = arith.constant 0 : i32
        %get3A_766 = arith.index_cast %get3A_764 : i32 to index
        %get3A_767 = arith.index_cast %get3A_765 : i32 to index
        %get3A_768 = arith.index_cast %scan3A_754 : i32 to index
        %get3A_769 = arith.constant 16 : index
        %get3A_770 = tpu.vector_load %arg6[%get3A_766, %get3A_767, %get3A_768, %get3A_769] {strides = array<i32>} : memref<4x2x100x32xf32, #tpu.memory_space<vmem>>, vector<1x1x1x16xf32>,
        %get3A_771 = vector.shape_cast %get3A_770 : vector<1x1x1x16xf32> to vector<16xf32>
        %add3A_772 = arith.addf %add3A_734, %get3A_771 : vector<16xf32>
        %get3A_773 = arith.constant 3 : i32
        %get3A_774 = arith.constant 1 : i32
        %get3A_775 = arith.index_cast %get3A_773 : i32 to index
        %get3A_776 = arith.index_cast %get3A_774 : i32 to index
        %get3A_777 = arith.index_cast %scan3A_754 : i32 to index
        %get3A_778 = arith.constant 0 : index
        %get3A_779 = tpu.vector_load %arg6[%get3A_775, %get3A_776, %get3A_777, %get3A_778] {strides = array<i32>} : memref<4x2x100x32xf32, #tpu.memory_space<vmem>>, vector<1x1x1x16xf32>,
        %get3A_780 = vector.shape_cast %get3A_779 : vector<1x1x1x16xf32> to vector<16xf32>
        %add3A_781 = arith.addf %add3A_743, %get3A_780 : vector<16xf32>
        %get3A_782 = arith.constant 3 : i32
        %get3A_783 = arith.constant 1 : i32
        %get3A_784 = arith.index_cast %get3A_782 : i32 to index
        %get3A_785 = arith.index_cast %get3A_783 : i32 to index
        %get3A_786 = arith.index_cast %scan3A_754 : i32 to index
        %get3A_787 = arith.constant 16 : index
        %get3A_788 = tpu.vector_load %arg6[%get3A_784, %get3A_785, %get3A_786, %get3A_787] {strides = array<i32>} : memref<4x2x100x32xf32, #tpu.memory_space<vmem>>, vector<1x1x1x16xf32>,
        %get3A_789 = vector.shape_cast %get3A_788 : vector<1x1x1x16xf32> to vector<16xf32>
        %add3A_790 = arith.addf %add3A_752, %get3A_789 : vector<16xf32>
        %scan3A_791 = arith.constant 8 : i32
        %scan3A_792 = arith.addi %scan3A_485, %scan3A_791 : i32
        %get3A_793 = arith.constant 3 : i32
        %get3A_794 = arith.constant 0 : i32
        %get3A_795 = arith.index_cast %get3A_793 : i32 to index
        %get3A_796 = arith.index_cast %get3A_794 : i32 to index
        %get3A_797 = arith.index_cast %scan3A_792 : i32 to index
        %get3A_798 = arith.constant 0 : index
        %get3A_799 = tpu.vector_load %arg6[%get3A_795, %get3A_796, %get3A_797, %get3A_798] {strides = array<i32>} : memref<4x2x100x32xf32, #tpu.memory_space<vmem>>, vector<1x1x1x16xf32>,
        %get3A_800 = vector.shape_cast %get3A_799 : vector<1x1x1x16xf32> to vector<16xf32>
        %add3A_801 = arith.addf %add3A_763, %get3A_800 : vector<16xf32>
        %get3A_802 = arith.constant 3 : i32
        %get3A_803 = arith.constant 0 : i32
        %get3A_804 = arith.index_cast %get3A_802 : i32 to index
        %get3A_805 = arith.index_cast %get3A_803 : i32 to index
        %get3A_806 = arith.index_cast %scan3A_792 : i32 to index
        %get3A_807 = arith.constant 16 : index
        %get3A_808 = tpu.vector_load %arg6[%get3A_804, %get3A_805, %get3A_806, %get3A_807] {strides = array<i32>} : memref<4x2x100x32xf32, #tpu.memory_space<vmem>>, vector<1x1x1x16xf32>,
        %get3A_809 = vector.shape_cast %get3A_808 : vector<1x1x1x16xf32> to vector<16xf32>
        %add3A_810 = arith.addf %add3A_772, %get3A_809 : vector<16xf32>
        %get3A_811 = arith.constant 3 : i32
        %get3A_812 = arith.constant 1 : i32
        %get3A_813 = arith.index_cast %get3A_811 : i32 to index
        %get3A_814 = arith.index_cast %get3A_812 : i32 to index
        %get3A_815 = arith.index_cast %scan3A_792 : i32 to index
        %get3A_816 = arith.constant 0 : index
        %get3A_817 = tpu.vector_load %arg6[%get3A_813, %get3A_814, %get3A_815, %get3A_816] {strides = array<i32>} : memref<4x2x100x32xf32, #tpu.memory_space<vmem>>, vector<1x1x1x16xf32>,
        %get3A_818 = vector.shape_cast %get3A_817 : vector<1x1x1x16xf32> to vector<16xf32>
        %add3A_819 = arith.addf %add3A_781, %get3A_818 : vector<16xf32>
        %get3A_820 = arith.constant 3 : i32
        %get3A_821 = arith.constant 1 : i32
        %get3A_822 = arith.index_cast %get3A_820 : i32 to index
        %get3A_823 = arith.index_cast %get3A_821 : i32 to index
        %get3A_824 = arith.index_cast %scan3A_792 : i32 to index
        %get3A_825 = arith.constant 16 : index
        %get3A_826 = tpu.vector_load %arg6[%get3A_822, %get3A_823, %get3A_824, %get3A_825] {strides = array<i32>} : memref<4x2x100x32xf32, #tpu.memory_space<vmem>>, vector<1x1x1x16xf32>,
        %get3A_827 = vector.shape_cast %get3A_826 : vector<1x1x1x16xf32> to vector<16xf32>
        %add3A_828 = arith.addf %add3A_790, %get3A_827 : vector<16xf32>
        %scan3A_829 = arith.constant 9 : i32
        %scan3A_830 = arith.addi %scan3A_485, %scan3A_829 : i32
        %get3A_831 = arith.constant 3 : i32
        %get3A_832 = arith.constant 0 : i32
        %get3A_833 = arith.index_cast %get3A_831 : i32 to index
        %get3A_834 = arith.index_cast %get3A_832 : i32 to index
        %get3A_835 = arith.index_cast %scan3A_830 : i32 to index
        %get3A_836 = arith.constant 0 : index
        %get3A_837 = tpu.vector_load %arg6[%get3A_833, %get3A_834, %get3A_835, %get3A_836] {strides = array<i32>} : memref<4x2x100x32xf32, #tpu.memory_space<vmem>>, vector<1x1x1x16xf32>,
        %get3A_838 = vector.shape_cast %get3A_837 : vector<1x1x1x16xf32> to vector<16xf32>
        %add3A_839 = arith.addf %add3A_801, %get3A_838 : vector<16xf32>
        %get3A_840 = arith.constant 3 : i32
        %get3A_841 = arith.constant 0 : i32
        %get3A_842 = arith.index_cast %get3A_840 : i32 to index
        %get3A_843 = arith.index_cast %get3A_841 : i32 to index
        %get3A_844 = arith.index_cast %scan3A_830 : i32 to index
        %get3A_845 = arith.constant 16 : index
        %get3A_846 = tpu.vector_load %arg6[%get3A_842, %get3A_843, %get3A_844, %get3A_845] {strides = array<i32>} : memref<4x2x100x32xf32, #tpu.memory_space<vmem>>, vector<1x1x1x16xf32>,
        %get3A_847 = vector.shape_cast %get3A_846 : vector<1x1x1x16xf32> to vector<16xf32>
        %add3A_848 = arith.addf %add3A_810, %get3A_847 : vector<16xf32>
        %get3A_849 = arith.constant 3 : i32
        %get3A_850 = arith.constant 1 : i32
        %get3A_851 = arith.index_cast %get3A_849 : i32 to index
        %get3A_852 = arith.index_cast %get3A_850 : i32 to index
        %get3A_853 = arith.index_cast %scan3A_830 : i32 to index
        %get3A_854 = arith.constant 0 : index
        %get3A_855 = tpu.vector_load %arg6[%get3A_851, %get3A_852, %get3A_853, %get3A_854] {strides = array<i32>} : memref<4x2x100x32xf32, #tpu.memory_space<vmem>>, vector<1x1x1x16xf32>,
        %get3A_856 = vector.shape_cast %get3A_855 : vector<1x1x1x16xf32> to vector<16xf32>
        %add3A_857 = arith.addf %add3A_819, %get3A_856 : vector<16xf32>
        %get3A_858 = arith.constant 3 : i32
        %get3A_859 = arith.constant 1 : i32
        %get3A_860 = arith.index_cast %get3A_858 : i32 to index
        %get3A_861 = arith.index_cast %get3A_859 : i32 to index
        %get3A_862 = arith.index_cast %scan3A_830 : i32 to index
        %get3A_863 = arith.constant 16 : index
        %get3A_864 = tpu.vector_load %arg6[%get3A_860, %get3A_861, %get3A_862, %get3A_863] {strides = array<i32>} : memref<4x2x100x32xf32, #tpu.memory_space<vmem>>, vector<1x1x1x16xf32>,
        %get3A_865 = vector.shape_cast %get3A_864 : vector<1x1x1x16xf32> to vector<16xf32>
        %add3A_866 = arith.addf %add3A_828, %get3A_865 : vector<16xf32>
        scf.yield %add3A_839, %add3A_857, %add3A_848, %add3A_866 : vector<16xf32>, vector<16xf32>, vector<16xf32>, vector<16xf32>
      }
      %scan3A_472 = arith.constant 100 : i32
      %add3A_473 = arith.addf %scan3A_471#0, %scan3A_471#1 : vector<16xf32>
      %swap3A_474 = arith.index_cast %add3A_420 : i32 to index
      %swap3A_475 = arith.constant 0 : index
      %swap3A_476 = tpu.vector_load %arg7[%swap3A_474, %swap3A_475] {strides = array<i32>} : memref<512x32xf32, #tpu.memory_space<vmem>>, vector<1x16xf32>,
      %swap3A_477 = vector.shape_cast %swap3A_476 : vector<1x16xf32> to vector<16xf32>
      %swap3A_478 = vector.shape_cast %add3A_473 : vector<16xf32> to vector<1x16xf32>
      tpu.vector_store %arg7[%swap3A_474, %swap3A_475], %swap3A_478 {strides = array<i32>} : memref<512x32xf32, #tpu.memory_space<vmem>>, vector<1x16xf32>,
      %add3A_479 = arith.addf %scan3A_471#2, %scan3A_471#3 : vector<16xf32>
      %swap3A_480 = arith.index_cast %add3A_420 : i32 to index
      %swap3A_481 = arith.constant 16 : index
      %swap3A_482 = tpu.vector_load %arg7[%swap3A_480, %swap3A_481] {strides = array<i32>} : memref<512x32xf32, #tpu.memory_space<vmem>>, vector<1x16xf32>,
      %swap3A_483 = vector.shape_cast %swap3A_482 : vector<1x16xf32> to vector<16xf32>
      %swap3A_484 = vector.shape_cast %add3A_479 : vector<16xf32> to vector<1x16xf32>
      tpu.vector_store %arg7[%swap3A_480, %swap3A_481], %swap3A_484 {strides = array<i32>} : memref<512x32xf32, #tpu.memory_space<vmem>>, vector<1x16xf32>,
    }
    %scan3A_221 = arith.constant 128 : i32
    "tpu.region"() ({
      %run_scoped3A = tpu.sem_alloc : memref<!tpu.dma_semaphore, #tpu.memory_space<semaphore_mem>>
      %dma_start3A_222 = arith.constant 0 : i32
      %dma_start3A_223 = tpu.memref_slice %arg4[%mul3A_2, %dma_start3A_222] : memref<16384x32xf32, #tpu.memory_space<hbm>> -> memref<512x32xf32, #tpu.memory_space<hbm>>
      %dma_start3A_224 = arith.constant 0 : i32
      %dma_start3A_225 = tpu.memref_slice %arg4[%mul3A_2, %dma_start3A_224] : memref<16384x32xf32, #tpu.memory_space<hbm>> -> memref<512x32xf32, #tpu.memory_space<hbm>>
      tpu.enqueue_dma source(%arg7 : memref<512x32xf32, #tpu.memory_space<vmem>>) target(%dma_start3A_225 : memref<512x32xf32, #tpu.memory_space<hbm>>) target_semaphore(%run_scoped3A : memref<!tpu.dma_semaphore, #tpu.memory_space<semaphore_mem>>)
      %dma_wait3A_226 = arith.constant 0 : i32
      %dma_wait3A_227 = tpu.memref_slice %arg4[%mul3A_2, %dma_wait3A_226] : memref<16384x32xf32, #tpu.memory_space<hbm>> -> memref<512x32xf32, #tpu.memory_space<hbm>>
      %dma_wait3A_228 = arith.constant 0 : i32
      %dma_wait3A_229 = tpu.memref_slice %arg4[%mul3A_2, %dma_wait3A_228] : memref<16384x32xf32, #tpu.memory_space<hbm>> -> memref<512x32xf32, #tpu.memory_space<hbm>>
      tpu.wait_dma2 semaphore(%run_scoped3A : memref<!tpu.dma_semaphore, #tpu.memory_space<semaphore_mem>>) src(%arg7 : memref<512x32xf32, #tpu.memory_space<vmem>>) dst(%dma_wait3A_229 : memref<512x32xf32, #tpu.memory_space<hbm>>)
      tpu.yield
    }) : () -> ()
    return
  }
}

</mosaic_0001>

<sc_bundles>
// kernel: kernel.3.cloned.1.call-start
scs
__scs_entry_jumppad:
0x0: {  	(pc) =	sbr.rel $0x88, $3  }
0x1: {  	(tag) =	ssettag $0x0;
	lr =	simm.s32 $0x1  }
0x2: {  	[smem:$0x3F9F] =	sst lr;
	_ =	strace $0xD0000000  }
0x3: {  	_ = 	snop  }
0x4: {  	_ = 	snop  }
0x5: {  	_ = 	snop  }
0x6: {  	_ = 	snop  }
0x7: {  	_ = 	snop  }
__scs_overlays_trampoline_lowered:
0x8: {  	[smem:$0x3FAE] =	sst s0  }
0x9: {  	[smem:$0x3FAF] =	sst s1  }
0xa: {  	[smem:$0x3FB0] =	sst s2  }
0xb: {  	[smem:$0x3FB1] =	sst s3  }
0xc: {  	[smem:$0x3FB2] =	sst s4  }
0xd: {  	[smem:$0x3FB3] =	sst s5  }
0xe: {  	[smem:$0x3FB4] =	sst s6  }
0xf: {  	[smem:$0x3FB5] =	sst s7  }
0x10: {  	[smem:$0x3FB6] =	sst s8  }
0x11: {  	[smem:$0x3FB7] =	sst s9;
	s0 =	simm.s32 @!p0 $0x0  }
0x12: {  	s1 =	sld [smem:$0x3F9D];
	s0 =	simm.s32 @p0 $0x1  }
0x13: {  	[smem:$0x3FB8] =	sst s0;
	s0 =	simm.s32 @!p1 $0x0  }
0x14: {  	s2 =	sld [smem:$0x3F9C];
	s0 =	simm.s32 @p1 $0x1  }
0x15: {  	[smem:$0x3FB9] =	sst s0;
	s0 =	simm.s32 @!p2 $0x0  }
0x16: {  	s3 =	sld [smem:$0x3FDB];
	s0 =	simm.s32 @p2 $0x1  }
0x17: {  	s4 =	simm.s32 $0x1BF5;
	[smem:$0x3FBB] =	sst s0  }
0x18: {  	s0 =	sld [smem:$0x3F9E];
	_ =	swait.ge [sflag:s4], $0x0  }
0x19: {  	s7 =	sld [smem:$0x3F9F]  }
0x1a: {  	s8 =	sadd.s32 $0xFFFFE003, lr  }
0x1b: {  	s9 =	sadd.s32 $0xFFFFFEF7, lr;
	s5 =	simm.s32 $0xFFFFFFFF;
	p2 =	slt.u32 s8, $0xFFFFF086  }
0x1c: {  	p1 =	slt.u32 s9, $0xF7A;
	s5 =	simm.s32 @!p2 $0x0  }
0x1d: {  	s5 =	simm.s32 @p1 $0x1;
	p0 =	seq.s32 s7, s2  }
0x1e: {  	s7 =	smul.u32 @!p0 $0xF7A, s2;
	p2 =	seq.s32 @!p0 s5, $0x0  }
0x1f: {  	s9 =	smul.u32 $0xF7A, s1;
	s8 =	simm.s32 @!p0 $0x1BF5;
	p2 =	por !p2, p0  }
0x20: {  	[sflag:s8] =	ssyncset.s32 @!p0 $0xFFFFF086;
	s6 =	sadd.s32 @!p0 s3, s7;
	s7 =	simm.s32 @!p0 $0x108  }
0x21: {  	s3 =	sadd.s32 s3, s9;
	s6 =	sadd.s32 @!p0 $0x88, s6;
	s7 =	simm.s32 @p2 $0x1082  }
0x22: {  	[simem:s7], [sflag:s8] =	dma.local @!p0 [hbm:s6], $0xF7A  }
0x23: {  	s9 =	sor.u32 $0xD0000000, s2;
	s6 =	simm.s32 $0x108;
	_ =	swait.ge @!p0 [sflag:s8], $0x0  }
0x24: {  	s3 =	sadd.s32 $0x88, s3;
	s6 =	simm.s32 @!p1 $0x1082;
	[sflag:s4] =	ssyncset.s32 $0xFFFFF086  }
0x25: {  	[simem:s6], [sflag:s4] =	dma.local [hbm:s3], $0xF7A  }
0x26: {  	[smem:$0x3F9F] =	sst s1;
	(tag) =	ssettag s2;
	_ =	strace s9  }
0x27: {  	s1 =	sld [smem:$0x3FAF]  }
0x28: {  	s2 =	sld [smem:$0x3FB0]  }
0x29: {  	s4 =	sld [smem:$0x3FB2]  }
0x2a: {  	p0 =	seq.s32 s5, $0x0;
	s5 =	sld [smem:$0x3FB3]  }
0x2b: {  	s6 =	sld [smem:$0x3FB4]  }
0x2c: {  	s7 =	sld [smem:$0x3FB5]  }
0x2d: {  	s3 =	simm.s32 $0x108;
	s8 =	sld [smem:$0x3FB6]  }
0x2e: {  	s3 =	simm.s32 @!p0 $0x1082;
	s9 =	sld [smem:$0x3FB7]  }
0x2f: {  	lr =	sadd.s32 s0, s3;
	s0 =	sld [smem:$0x3FAE]  }
0x30: {  	s3 =	sld [smem:$0x3FB1]  }
0x31: {  	[smem:$0x3FBA] =	sst s10  }
0x32: {  	s10 =	sld [smem:$0x3FB8];
	_ =	sdelay $0x3  }
0x33: {  	p0 =	seq.s32 s10, $0x1;
	s10 =	sld [smem:$0x3FBA];
	_ =	sdelay $0x3  }
0x34: {  	[smem:$0x3FBA] =	sst s10  }
0x35: {  	s10 =	sld [smem:$0x3FB9];
	_ =	sdelay $0x3  }
0x36: {  	p1 =	seq.s32 s10, $0x1;
	s10 =	sld [smem:$0x3FBA];
	_ =	sdelay $0x3  }
0x37: {  	[smem:$0x3FBA] =	sst s10  }
0x38: {  	s10 =	sld [smem:$0x3FBB]  }
0x39: {  	_ = 	snop;
	(pc) =	sbr.ind lr, $3  }
0x3a: {  	_ = 	snop  }
0x3b: {  	_ = 	snop  }
0x3c: {  	p2 =	seq.s32 s10, $0x1;
	s10 =	sld [smem:$0x3FBA]  }
0x3d: {  	_ =	shalt  }
0x3e: {  	_ =	shalt  }
0x3f: {  	_ =	shalt  }
0x40: {  	_ =	shalt  }
0x41: {  	_ =	shalt  }
0x42: {  	_ =	shalt  }
0x43: {  	_ =	shalt  }
0x44: {  	_ =	shalt  }
0x45: {  	_ =	shalt  }
0x46: {  	_ =	shalt  }
0x47: {  	_ =	shalt  }
0x48: {  	_ =	shalt  }
0x49: {  	_ =	shalt  }
0x4a: {  	_ =	shalt  }
0x4b: {  	_ =	shalt  }
0x4c: {  	_ =	shalt  }
0x4d: {  	_ =	shalt  }
0x4e: {  	_ =	shalt  }
0x4f: {  	_ =	shalt  }
0x50: {  	_ =	shalt  }
0x51: {  	_ =	shalt  }
0x52: {  	_ =	shalt  }
0x53: {  	_ =	shalt  }
0x54: {  	_ =	shalt  }
0x55: {  	_ =	shalt  }
0x56: {  	_ =	shalt  }
0x57: {  	_ =	shalt  }
0x58: {  	_ =	shalt  }
0x59: {  	_ =	shalt  }
0x5a: {  	_ =	shalt  }
0x5b: {  	_ =	shalt  }
0x5c: {  	_ =	shalt  }
0x5d: {  	_ =	shalt  }
0x5e: {  	_ =	shalt  }
0x5f: {  	_ =	shalt  }
0x60: {  	_ =	shalt  }
0x61: {  	_ =	shalt  }
0x62: {  	_ =	shalt  }
0x63: {  	_ =	shalt  }
0x64: {  	_ =	shalt  }
0x65: {  	_ =	shalt  }
0x66: {  	_ =	shalt  }
0x67: {  	_ =	shalt  }
0x68: {  	_ =	shalt  }
0x69: {  	_ =	shalt  }
0x6a: {  	_ =	shalt  }
0x6b: {  	_ =	shalt  }
0x6c: {  	_ =	shalt  }
0x6d: {  	_ =	shalt  }
0x6e: {  	_ =	shalt  }
0x6f: {  	_ =	shalt  }
0x70: {  	_ =	shalt  }
0x71: {  	_ =	shalt  }
0x72: {  	_ =	shalt  }
0x73: {  	_ =	shalt  }
0x74: {  	_ =	shalt  }
0x75: {  	_ =	shalt  }
0x76: {  	_ =	shalt  }
0x77: {  	_ =	shalt  }
0x78: {  	_ =	shalt  }
0x79: {  	_ =	shalt  }
0x7a: {  	_ =	shalt  }
0x7b: {  	_ =	shalt  }
0x7c: {  	_ =	shalt  }
0x7d: {  	_ =	shalt  }
0x7e: {  	_ =	shalt  }
0x7f: {  	_ =	shalt  }
0x80: {  	_ =	shalt  }
0x81: {  	_ =	shalt  }
0x82: {  	_ =	shalt  }
0x83: {  	_ =	shalt  }
0x84: {  	_ =	shalt  }
0x85: {  	_ =	shalt  }
0x86: {  	_ =	shalt  }
0x87: {  	_ =	shalt  }
.Lfunc_end0:
.L_simem_size_0:
called_computation_lowered:
.L_overlay_start_0:
0x88: {  	s2 =	sld [smem:$0x3FD9]  }
0x89: {  	s3 =	sld [smem:$0x3FFE];
	_ =	sdelay $0x1  }
0x8a: {  	s1 =	srdreg.scid  }
0x8b: {  	s0 =	sand.u32 $0x1, s1  }
0x8c: {  	s17 =	sshll.u32 s0, $0xA;
	s2 =	sadd.s32 s3, s2  }
0x8d: {  	s2 =	sadd.s32 s2, s17  }
0x8e: {  	[smem:$0x3FC6] =	sst s2  }
0x8f: {  	_ = 	snop  }
0x90: {  	s2 =	sld [smem:$0x3FD0];
	(tm) =	ssettm $0x1  }
0x91: {  	s18 =	sld [smem:$0x3FFB];
	_ =	sdelay $0x3  }
0x92: {  	_ =	strace s18  }
0x93: {  	s3 =	sld [smem:$0x3FFC];
	_ =	sdelay $0x3  }
0x94: {  	_ =	strace s3  }
0x95: {  	s3 =	sld [smem:$0x3FFD];
	_ =	sdelay $0x3  }
0x96: {  	_ =	strace s3  }
0x97: {  	_ =	strace $0x8FFFFFFF  }
0x98: {  	s19 =	sld [smem:$0x3FDB];
	_ =	sdelay $0x1  }
0x99: {  	s4 =	simm.s32 $_scs_section_size  }
0x9a: {  	s5 =	simm.s32 $_size__tile_overlayer_lowered;
	s6 =	simm.s32 $_tile_overlayer_lowered  }
0x9b: {  	s22 =	simm.s32 $0x1BFF;
	s21 =	sshll.u32 s6, $0x1;
	s3 =	sadd.s32 s4, s19  }
0x9c: {  	s7 =	simm.s32 $0x0;
	s20 =	sshll.u32 s5, $0x1;
	s5 =	sadd.s32 s21, s3  }
0x9d: {  	[timem:s7], [sflag:s22] =	dma.local [hbm:s5], s20  }
0x9e: {  	_ =	swait.ge [sflag:s22], s20  }
0x9f: {  	s4 =	ssub.s32 $0x0, s20;
	[sflag:s22] =	ssyncset.done $0x0  }
0xa0: {  	[sflag:s22] =	ssyncadd.s32 s4;
	_ =	sdelay $0x1  }
0xa1: {  	s23 =	simm.s32 $0x1B8B  }
0xa2: {  	_ =	swait.ge [sflag:s23], $0x1  }
0xa3: {  	[sflag:s23] =	ssyncset.done $0x0  }
0xa4: {  	s25 =	simm.s32 $0x1B8E;
	s24 =	sld [smem:$0x3FFE];
	[sflag:s23] =	ssyncadd.s32 $0xFFFFFFFF  }
0xa5: {  	s26 =	simm.s32 $execute0_lowered;
	[smem:$0x3FD2] =	sst s25  }
0xa6: {  	s5 =	sshll.u32 s26, $0x1;
	_ =	strace $0x80000046;
	[dreg:$0x1] =	wrdreg $0xFFFFFFFF  }
0xa7: {  	s28 =	simm.s32 $_size_execute0_lowered;
	s3 =	sadd.s32 s3, s5;
	[dreg:$0x0] =	wrdreg $0x0  }
0xa8: {  	s5 =	sshll.u32 s28, $0x1;
	[dreg:$0x2] =	wrdreg s3  }
0xa9: {  	[dreg:$0x3] =	wrdreg s5  }
0xaa: {  	[dreg:$0x4] =	wrdreg $0xC0  }
0xab: {  	_ =	task [dreg:s7], $0x5FFFF  }
0xac: {  	[dreg:$0x1] =	wrdreg $0xFFFFFFFF  }
0xad: {  	[dreg:$0x0] =	wrdreg $0x60  }
0xae: {  	[dreg:$0x2] =	wrdreg s24  }
0xaf: {  	[dreg:$0x3] =	wrdreg s2  }
0xb0: {  	[dreg:$0x4] =	wrdreg $0x9  }
0xb1: {  	_ =	task.clear_ibuf [dreg:s7], $0x5FFFF;
	_ =	strace $0x90000046  }
0xb2: {  	s29 =	simm.s32 $0x9;
	_ =	strace $0x80000048  }
0xb3: {  	_ =	swait.ge [sflag:s29], $0x1  }
0xb4: {  	[sflag:s29] =	ssyncadd.s32 $0xFFFFFFFF  }
0xb5: {  	_ =	strace $0x90000048  }
0xb6: {  	_ =	sfence  }
0xb7: {  	s30 =	sld [smem:$0x0];
	_ =	sdelay $0x2  }
0xb8: {  	s31 =	sshll.u32 s1, $0xD;
	s1 =	sshrl.u32 s1, $0x2  }
0xb9: {  	s3 =	sand.u32 $0x4000, s31;
	s1 =	sadd.s32 s1, s30  }
0xba: {  	s0 =	sor.u32 s3, s0;
	s1 =	sshll.u32 s1, $0x11  }
0xbb: {  	s0 =	sor.u32 s1, s0  }
0xbc: {  	s0 =	sadd.s32 $0x8F2B, s0  }
0xbd: {  	[sflag:s0] =	ssyncadd.remote.s32 $0x1  }
0xbe: {  	_ =	sfence.sel $0xFFFF  }
0xbf: {  	[dreg:$0x0] =	wrdreg $0xFFFFFFFF;
	(pc) =	sbr.abs _section_cstart, $3  }
0xc0: {  	[dreg:$0x1] =	wrdreg $0xFFFFFFFF  }
0xc1: {  	_ =	task.clear_ibuf [dreg:s7], $0x2FFFF;
	_ =	strace $0x9FFFFFFF  }
0xc2: {  	(tm) =	ssettm $0x7FFFFFFF  }
0xc3: {  	_ =	shalt  }
tec
execute0_lowered:
.L_overlay_start_1:
0x0: {  	(tag) =	ssettag $0x1  }
0x1: {  	s0 =	srdreg.scid  }
0x2: {  	s2 =	stileid.u32;
	s1 =	rddreg [dreg:$0x0]  }
0x3: {  	s13 =	rddreg [dreg:$0x1];
	s15 =	simm.s32 $0xD0;
	s16 =	simm.s32 $0x1A0  }
0x4: {  	s17 =	simm.s32 $0x270;
	s18 =	simm.s32 $0x1;
	s19 =	simm.s32 $0x64  }
0x5: {  	s30 =	simm.s32 $0x4E40;
	s31 =	simm.s32 $0x2D8;
	s21 =	simm.s32 $0x6  }
0x6: {  	s22 =	simm.s32 $0x0;
	s0 =	sand.u32 $0x1, s0;
	s2 =	sshll.u32 s2, $0xA  }
0x7: {  	s5 =	sadd.s32 $0x187E00, s1;
	s3 =	sshll.u32 s0, $0x9;
	s0 =	ssub.s32 $0x2, s0  }
0x8: {  	s12 =	sor.u32 s3, s2;
	s2 =	simm.s32 $0x0;
	s3 =	sadd.s32 $0x81400, s1  }
0x9: {  	s6 =	sshrl.u32 s0, $0x1;
	s1 =	simm.s32 $0x5AC0;
	s4 =	smul.u32 $0x1A, s12  }
0xa: {  	[smem:$0x7FF] =	sst s2;
	s0 =	ssub.s32 s0, s6;
	s9 =	sor.u32 $0x4, s12  }
0xb: {  	s10 =	sor.u32 $0x5, s12;
	s11 =	sor.u32 $0x6, s12;
	s29 =	sshll.u32 s12, $0x2  }
0xc: {  	s12 =	sor.u32 $0x7, s12;
	_ =	strace $0x80000047;
	s13 =	sadd.s32 s13, s29  }
0xd: {  	s14 =	smax.u32 s0, $0x1;
	s0 =	simm.s32 $0x2;
	s4 =	sadd.s32 s3, s4  }
0xe: {  	s6 =	sadd.s32 $0x1A, s4;
	s7 =	sadd.s32 $0x34, s4;
	s8 =	sadd.s32 $0x4E, s4  }
.LBB2_1:
0xf: {  	[tilespmem:s2], [sflag:$0x1] =	stream.linear.gather [hbm4b:s4+s2], $0xD0, $0x38;
	[tilespmem:$0xA740] =	vst v63  }
0x10: {  	_ = 	snop  }
0x11: {  	[tilespmem:s15], [sflag:$0x1] =	stream.linear.gather [hbm4b:s6+s2], $0xD0, $0x38;
	[tilespmem:$0xA740] =	vst v63  }
0x12: {  	_ = 	snop  }
0x13: {  	[tilespmem:s16], [sflag:$0x1] =	stream.linear.gather [hbm4b:s7+s2], $0xD0, $0x38;
	[tilespmem:$0xA740] =	vst v63  }
0x14: {  	_ = 	snop  }
0x15: {  	[tilespmem:s17], [sflag:$0x1] =	stream.linear.gather [hbm4b:s8+s2], $0xD0, $0x38;
	[tilespmem:$0xA740] =	vst v63  }
0x16: {  	_ =	swait.ge [sflag:s18], $0xD0  }
0x17: {  	[sflag:s18] =	ssyncset.done $0x0  }
0x18: {  	s20 =	simm.s32 $0x340;
	[sflag:s18] =	ssyncadd.s32 $0xFFFFFF30  }
0x19: {  	[tilespmem:s20], [sflag:$0x2] =	stream.indirect.gather [hbm4b:s5+s19], $0x20, s2, s19, $0xb8;
	[tilespmem:$0xA740] =	vst v63  }
0x1a: {  	s29 =	simm.s32 $0x68;
	s23 =	simm.s32 $0xFC0  }
0x1b: {  	[tilespmem:s23], [sflag:$0x2] =	stream.indirect.gather [hbm4b:s5+s19], $0x20, s29, s19, $0xb8;
	[tilespmem:$0xA740] =	vst v63  }
0x1c: {  	_ =	swait.ge [sflag:s18], $0xD0  }
0x1d: {  	[sflag:s18] =	ssyncset.done $0x0  }
0x1e: {  	s23 =	simm.s32 $0x1C40;
	[sflag:s18] =	ssyncadd.s32 $0xFFFFFF30  }
0x1f: {  	[tilespmem:s23], [sflag:$0x3] =	stream.indirect.gather [hbm4b:s5+s19], $0x20, s15, s19, $0xb8;
	[tilespmem:$0xA740] =	vst v63  }
0x20: {  	s24 =	simm.s32 $0x138;
	s25 =	simm.s32 $0x28C0  }
0x21: {  	[tilespmem:s25], [sflag:$0x3] =	stream.indirect.gather [hbm4b:s5+s19], $0x20, s24, s19, $0xb8;
	[tilespmem:$0xA740] =	vst v63  }
0x22: {  	_ =	swait.ge [sflag:s18], $0xD0  }
0x23: {  	[sflag:s18] =	ssyncset.done $0x0  }
0x24: {  	s26 =	simm.s32 $0x3540;
	[sflag:s18] =	ssyncadd.s32 $0xFFFFFF30  }
0x25: {  	[tilespmem:s26], [sflag:$0x4] =	stream.indirect.gather [hbm4b:s5+s19], $0x20, s16, s19, $0xb8;
	[tilespmem:$0xA740] =	vst v63  }
0x26: {  	s28 =	simm.s32 $0x208;
	s29 =	simm.s32 $0x41C0;
	s23 =	simm.s32 $0x0  }
0x27: {  	[tilespmem:s29], [sflag:$0x4] =	stream.indirect.gather [hbm4b:s5+s19], $0x20, s28, s19, $0xb8;
	[tilespmem:$0xA740] =	vst v63  }
.LBB2_2:
0x28: {  	_ =	swait.ge [sflag:s18], $0xD0  }
0x29: {  	[sflag:s18] =	ssyncset.done $0x0  }
0x2a: {  	[sflag:s18] =	ssyncadd.s32 $0xFFFFFF30  }
0x2b: {  	[tilespmem:s30], [sflag:$0x5] =	stream.indirect.gather [hbm4b:s5+s19], $0x20, s17, s19, $0xb8;
	[tilespmem:$0xA740] =	vst v63  }
0x2c: {  	_ = 	snop  }
0x2d: {  	[tilespmem:s1], [sflag:$0x5] =	stream.indirect.gather [hbm4b:s5+s19], $0x20, s31, s19, $0xb8;
	[tilespmem:$0xA740] =	vst v63  }
0x2e: {  	_ =	swait.ge [sflag:s0], $0xC80  }
0x2f: {  	s24 =	sshll.u32 s23, $0x2;
	p0 =	seq.s32 s23, $0x7F;
	[sflag:s0] =	ssyncset.done $0x0  }
0x30: {  	s25 =	sadd.s32 @!p0 s24, s9;
	[sflag:s0] =	ssyncadd.s32 $0xFFFFF380  }
0x31: {  	s25 =	smul.u32 @!p0 $0x1A, s25;
	_ =	swait.ge [sflag:s0], $0xC80  }
0x32: {  	s29 =	simm.s32 $0x10F0;
	[sflag:s0] =	ssyncset.done $0x0  }
0x33: {  	s26 =	simm.s32 @!p0 $0x0;
	s25 =	sadd.s32 @!p0 s3, s25;
	[sflag:s0] =	ssyncadd.s32 $0xFFFFF380  }
0x34: {  	[tilespmem:s26], [sflag:$0x1] =	stream.linear.gather @!p0 [hbm4b:s25+s26], $0xD0, $0x38;
	[tilespmem:$0xA740] =	vst v63  }
0x35: {  	v0 =	vld [tilespmem:s29+$0xFFFFF370]  }
0x36: {  	v1 =	vld [tilespmem:s29+$0xFFFFF380]  }
0x37: {  	v2 =	vld [tilespmem:s29+$0xFFFFF350]  }
0x38: {  	v3 =	vld [tilespmem:s29+$0xFFFFF360]  }
0x39: {  	v9 =	vld [tilespmem:s29+$0xFFFFF330]  }
0x3a: {  	v12 =	vld [tilespmem:s29+$0xFFFFF340]  }
0x3b: {  	v7 =	vld [tilespmem:s29+$0xFFFFF310]  }
0x3c: {  	v8 =	vld [tilespmem:s29+$0xFFFFF320]  }
0x3d: {  	v5 =	vld [tilespmem:s29+$0xFFFFF2F0]  }
0x3e: {  	v6 =	vld [tilespmem:s29+$0xFFFFF300]  }
0x3f: {  	v4 =	vld [tilespmem:s29+$0xFFFFF2D0]  }
0x40: {  	v10 =	vld [tilespmem:s29+$0xFFFFF2E0]  }
0x41: {  	v11 =	vld [tilespmem:s29+$0xFFFFF2B0]  }
0x42: {  	v13 =	vld [tilespmem:s29+$0xFFFFF2C0]  }
0x43: {  	v14 =	vld [tilespmem:s29+$0xFFFFF290]  }
0x44: {  	v15 =	vld [tilespmem:s29+$0xFFFFF2A0]  }
0x45: {  	v16 =	vld [tilespmem:s29+$0xFFFFF270]  }
0x46: {  	v17 =	vld [tilespmem:s29+$0xFFFFF280]  }
0x47: {  	v18 =	vld [tilespmem:s29+$0xFFFFF250]  }
0x48: {  	v19 =	vld [tilespmem:s29+$0xFFFFF260]  }
0x49: {  	v20 =	vld [tilespmem:s29+$0xFFFFFED0]  }
0x4a: {  	v21 =	vld [tilespmem:s29+$0xFFFFFEE0]  }
0x4b: {  	v22 =	vld [tilespmem:s29+$0xFFFFFEF0]  }
0x4c: {  	v23 =	vld [tilespmem:s29+$0xFFFFFF00]  }
0x4d: {  	v24 =	vimm.f32 $0.0e+00;
	v25 =	vld [tilespmem:s29+$0xFFFFFF10]  }
0x4e: {  	v26 =	vld [tilespmem:s29+$0xFFFFFF20];
	v18 =	vadd.f32 v18, v24;
	v19 =	vadd.f32 v19, v24  }
0x4f: {  	v51 =	vld [tilespmem:s29+$0xFFFFFF30];
	v20 =	vadd.f32 v20, v24;
	v21 =	vadd.f32 v21, v24  }
0x50: {  	v52 =	vld [tilespmem:s29+$0xFFFFFF40];
	v16 =	vadd.f32 v16, v18;
	v17 =	vadd.f32 v17, v19  }
0x51: {  	v55 =	vld [tilespmem:s29+$0xFFFFFF50];
	v53 =	vadd.f32 v22, v20;
	v54 =	vadd.f32 v23, v21  }
0x52: {  	v56 =	vld [tilespmem:s29+$0xFFFFFF60];
	v14 =	vadd.f32 v14, v16;
	v15 =	vadd.f32 v15, v17  }
0x53: {  	v59 =	vld [tilespmem:s29+$0xFFFFFF70];
	v57 =	vadd.f32 v25, v53;
	v58 =	vadd.f32 v26, v54  }
0x54: {  	v11 =	vadd.f32 v11, v14;
	v13 =	vadd.f32 v13, v15;
	v14 =	vld [tilespmem:s29+$0xFFFFFF80]  }
0x55: {  	v61 =	vld [tilespmem:s29+$0xFFFFFF90];
	v15 =	vadd.f32 v51, v57;
	v60 =	vadd.f32 v52, v58  }
0x56: {  	v11 =	vadd.f32 v4, v11;
	v10 =	vadd.f32 v10, v13;
	v13 =	vld [tilespmem:s29+$0xFFFFFFA0]  }
0x57: {  	v15 =	vadd.f32 v55, v15;
	v16 =	vadd.f32 v56, v60;
	v4 =	vld [tilespmem:s29+$0xFFFFFFB0]  }
0x58: {  	v11 =	vadd.f32 v5, v11;
	v10 =	vadd.f32 v6, v10;
	v6 =	vld [tilespmem:s29+$0xFFFFFFC0]  }
0x59: {  	v15 =	vadd.f32 v59, v15;
	v5 =	vld [tilespmem:s29+$0xFFFFFFD0];
	v14 =	vadd.f32 v14, v16  }
0x5a: {  	v62 =	vadd.f32 v7, v11;
	v63 =	vadd.f32 v8, v10;
	v8 =	vld [tilespmem:s29+$0xFFFFFFE0]  }
0x5b: {  	v10 =	vadd.f32 v61, v15;
	v7 =	vld [tilespmem:s29+$0xFFFFFFF0];
	v11 =	vadd.f32 v13, v14  }
0x5c: {  	s25 =	simm.s32 $0x0;
	s26 =	simm.s32 $0x1230;
	v13 =	vadd.f32 v9, v62;
	v12 =	vadd.f32 v12, v63;
	v9 =	vld [tilespmem:s29+$0x0]  }
.LBB2_3:
0x5d: {  	v14 =	vld [tilespmem:s26+$0xFFFFF370];
	v4 =	vadd.f32 v4, v10;
	v6 =	vadd.f32 v6, v11  }
0x5e: {  	v10 =	vld [tilespmem:s26+$0xFFFFF380];
	v11 =	vadd.f32 v2, v13;
	v12 =	vadd.f32 v3, v12  }
0x5f: {  	v2 =	vld [tilespmem:s26+$0xFFFFF350];
	v4 =	vadd.f32 v5, v4;
	v5 =	vadd.f32 v8, v6  }
0x60: {  	v3 =	vld [tilespmem:s26+$0xFFFFF360];
	v6 =	vadd.f32 v0, v11;
	v8 =	vadd.f32 v1, v12  }
0x61: {  	v12 =	vld [tilespmem:s26+$0xFFFFF330];
	v4 =	vadd.f32 v7, v4;
	v5 =	vadd.f32 v9, v5  }
0x62: {  	v9 =	vld [tilespmem:s26+$0xFFFFF340];
	v0 =	vmov v14  }
0x63: {  	v7 =	vld [tilespmem:s26+$0xFFFFF310];
	v1 =	vmov v10  }
0x64: {  	v10 =	vld [tilespmem:s26+$0xFFFFF320]  }
0x65: {  	v11 =	vld [tilespmem:s26+$0xFFFFF2F0]  }
0x66: {  	v13 =	vld [tilespmem:s26+$0xFFFFF300]  }
0x67: {  	v14 =	vld [tilespmem:s26+$0xFFFFF2D0]  }
0x68: {  	v15 =	vld [tilespmem:s26+$0xFFFFF2E0]  }
0x69: {  	v16 =	vld [tilespmem:s26+$0xFFFFF2B0]  }
0x6a: {  	v17 =	vld [tilespmem:s26+$0xFFFFF2C0]  }
0x6b: {  	v18 =	vld [tilespmem:s26+$0xFFFFF290]  }
0x6c: {  	v19 =	vld [tilespmem:s26+$0xFFFFF2A0]  }
0x6d: {  	v20 =	vld [tilespmem:s26+$0xFFFFF270]  }
0x6e: {  	v21 =	vld [tilespmem:s26+$0xFFFFF280]  }
0x6f: {  	v22 =	vld [tilespmem:s26+$0xFFFFF250]  }
0x70: {  	v23 =	vld [tilespmem:s26+$0xFFFFF260]  }
0x71: {  	v24 =	vld [tilespmem:s26+$0xFFFFFED0]  }
0x72: {  	s25 =	sadd.s32 $0xA, s25;
	v25 =	vld [tilespmem:s26+$0xFFFFFEE0]  }
0x73: {  	p1 =	slt.u32 s25, $0x5A;
	v26 =	vld [tilespmem:s26+$0xFFFFFEF0]  }
0x74: {  	v27 =	vld [tilespmem:s26+$0xFFFFFF00]  }
0x75: {  	v28 =	vld [tilespmem:s26+$0xFFFFFF10]  }
0x76: {  	v6 =	vadd.f32 v22, v6;
	v8 =	vadd.f32 v23, v8;
	v22 =	vld [tilespmem:s26+$0xFFFFFF20]  }
0x77: {  	v4 =	vadd.f32 v24, v4;
	v5 =	vadd.f32 v25, v5;
	v23 =	vld [tilespmem:s26+$0xFFFFFF30]  }
0x78: {  	v6 =	vadd.f32 v20, v6;
	v8 =	vadd.f32 v21, v8;
	v20 =	vld [tilespmem:s26+$0xFFFFFF40]  }
0x79: {  	v4 =	vadd.f32 v26, v4;
	v5 =	vadd.f32 v27, v5;
	v21 =	vld [tilespmem:s26+$0xFFFFFF50]  }
0x7a: {  	v6 =	vadd.f32 v18, v6;
	v8 =	vadd.f32 v19, v8;
	v18 =	vld [tilespmem:s26+$0xFFFFFF60]  }
0x7b: {  	v4 =	vadd.f32 v28, v4;
	v5 =	vadd.f32 v22, v5;
	v19 =	vld [tilespmem:s26+$0xFFFFFF70]  }
0x7c: {  	v6 =	vadd.f32 v16, v6;
	v8 =	vadd.f32 v17, v8;
	v16 =	vld [tilespmem:s26+$0xFFFFFF80]  }
0x7d: {  	v4 =	vadd.f32 v23, v4;
	v5 =	vadd.f32 v20, v5;
	v17 =	vld [tilespmem:s26+$0xFFFFFF90]  }
0x7e: {  	v6 =	vadd.f32 v14, v6;
	v8 =	vadd.f32 v15, v8;
	v14 =	vld [tilespmem:s26+$0xFFFFFFA0]  }
0x7f: {  	v15 =	vadd.f32 v21, v4;
	v5 =	vadd.f32 v18, v5;
	v4 =	vld [tilespmem:s26+$0xFFFFFFB0]  }
.Ltmp0:
0x80: {  	v11 =	vadd.f32 v11, v6;
	v8 =	vadd.f32 v13, v8;
	v6 =	vld [tilespmem:s26+$0xFFFFFFC0];
	(pc) =	sbr.rel @p1 .LBB2_3-.Ltmp0, $4  }
0x81: {  	v13 =	vadd.f32 v19, v15;
	v15 =	vadd.f32 v16, v5;
	v5 =	vld [tilespmem:s26+$0xFFFFFFD0]  }
0x82: {  	v16 =	vadd.f32 v7, v11;
	v18 =	vadd.f32 v10, v8;
	v8 =	vld [tilespmem:s26+$0xFFFFFFE0]  }
0x83: {  	v10 =	vadd.f32 v17, v13;
	v11 =	vadd.f32 v14, v15;
	v7 =	vld [tilespmem:s26+$0xFFFFFFF0]  }
0x84: {  	v13 =	vadd.f32 v12, v16;
	v12 =	vadd.f32 v9, v18;
	v9 =	vld [tilespmem:s26+$0x0];
	s26 =	sadd.s32 $0x140, s26  }
0x85: {  	v4 =	vadd.f32 v4, v10  }
0x86: {  	v6 =	vadd.f32 v6, v11  }
0x87: {  	v2 =	vadd.f32 v2, v13;
	v4 =	vadd.f32 v5, v4  }
0x88: {  	v3 =	vadd.f32 v3, v12;
	v5 =	vadd.f32 v8, v6  }
0x89: {  	v0 =	vadd.f32 v0, v2;
	v2 =	vadd.f32 v7, v4  }
0x8a: {  	v1 =	vadd.f32 v1, v3;
	v3 =	vadd.f32 v9, v5  }
0x8b: {  	s25 =	sshll.u32 s23, $0x9;
	v0 =	vadd.f32 v2, v0  }
0x8c: {  	s25 =	sshra.s32 s25, $0x2;
	v1 =	vadd.f32 v3, v1  }
0x8d: {  	[tilespmem:s25+$0x6740] =	vst v0  }
0x8e: {  	s26 =	simm.s32 @p0 $0x3;
	[tilespmem:s25+$0x6750] =	vst v1  }
0x8f: {  	_ =	swait.ge @p0 [sflag:s26], $0xC80  }
0x90: {  	[sflag:s26] =	ssyncset.done @p0 $0x0  }
0x91: {  	[sflag:s26] =	ssyncadd.s32 @p0 $0xFFFFF380  }
0x92: {  	_ =	swait.ge @p0 [sflag:s26], $0xC80  }
0x93: {  	[sflag:s26] =	ssyncset.done @p0 $0x0  }
0x94: {  	[sflag:s26] =	ssyncadd.s32 @p0 $0xFFFFF380;
	s26 =	simm.s32 @!p0 $0x1  }
0x95: {  	_ =	swait.ge @!p0 [sflag:s26], $0xD0  }
0x96: {  	s28 =	simm.s32 @!p0 $0x0;
	[sflag:s26] =	ssyncset.done @!p0 $0x0  }
0x97: {  	s29 =	simm.s32 @!p0 $0x340;
	[sflag:s26] =	ssyncadd.s32 @!p0 $0xFFFFFF30;
	s26 =	simm.s32 @!p0 $0x64  }
0x98: {  	[tilespmem:s29], [sflag:$0x2] =	stream.indirect.gather @!p0 [hbm4b:s5+s26], $0x20, s28, s26, $0xb8;
	[tilespmem:$0xA740] =	vst v63  }
0x99: {  	s20 =	simm.s32 @!p0 $0xFC0;
	s29 =	simm.s32 @!p0 $0x68  }
0x9a: {  	[tilespmem:s20], [sflag:$0x2] =	stream.indirect.gather @!p0 [hbm4b:s5+s26], $0x20, s29, s26, $0xb8;
	[tilespmem:$0xA740] =	vst v63  }
0x9b: {  	s20 =	simm.s32 @!p0 $0x3  }
0x9c: {  	_ =	swait.ge @!p0 [sflag:s20], $0xC80  }
0x9d: {  	[sflag:s20] =	ssyncset.done @!p0 $0x0  }
0x9e: {  	s26 =	sadd.s32 @!p0 s24, s10;
	[sflag:s20] =	ssyncadd.s32 @!p0 $0xFFFFF380  }
0x9f: {  	s26 =	smul.u32 @!p0 $0x1A, s26;
	_ =	swait.ge @!p0 [sflag:s20], $0xC80  }
0xa0: {  	[sflag:s20] =	ssyncset.done @!p0 $0x0  }
0xa1: {  	[sflag:s20] =	ssyncadd.s32 @!p0 $0xFFFFF380;
	s20 =	sadd.s32 @!p0 s3, s26;
	s26 =	simm.s32 @!p0 $0xD0  }
0xa2: {  	[tilespmem:s26], [sflag:$0x1] =	stream.linear.gather @!p0 [hbm4b:s20+s28], $0xD0, $0x38;
	[tilespmem:$0xA740] =	vst v63  }
0xa3: {  	s28 =	simm.s32 $0x29F0  }
0xa4: {  	v0 =	vld [tilespmem:s28+$0xFFFFF370]  }
0xa5: {  	v1 =	vld [tilespmem:s28+$0xFFFFF380]  }
0xa6: {  	v2 =	vld [tilespmem:s28+$0xFFFFF350]  }
0xa7: {  	v3 =	vld [tilespmem:s28+$0xFFFFF360]  }
0xa8: {  	v9 =	vld [tilespmem:s28+$0xFFFFF330]  }
0xa9: {  	v12 =	vld [tilespmem:s28+$0xFFFFF340]  }
0xaa: {  	v7 =	vld [tilespmem:s28+$0xFFFFF310]  }
0xab: {  	v8 =	vld [tilespmem:s28+$0xFFFFF320]  }
0xac: {  	v5 =	vld [tilespmem:s28+$0xFFFFF2F0]  }
0xad: {  	v6 =	vld [tilespmem:s28+$0xFFFFF300]  }
0xae: {  	v4 =	vld [tilespmem:s28+$0xFFFFF2D0]  }
0xaf: {  	v10 =	vld [tilespmem:s28+$0xFFFFF2E0]  }
0xb0: {  	v11 =	vld [tilespmem:s28+$0xFFFFF2B0]  }
0xb1: {  	v13 =	vld [tilespmem:s28+$0xFFFFF2C0]  }
0xb2: {  	v14 =	vld [tilespmem:s28+$0xFFFFF290]  }
0xb3: {  	v15 =	vld [tilespmem:s28+$0xFFFFF2A0]  }
0xb4: {  	v16 =	vld [tilespmem:s28+$0xFFFFF270]  }
0xb5: {  	v17 =	vld [tilespmem:s28+$0xFFFFF280]  }
0xb6: {  	v18 =	vld [tilespmem:s28+$0xFFFFF250]  }
0xb7: {  	v19 =	vld [tilespmem:s28+$0xFFFFF260]  }
0xb8: {  	v20 =	vld [tilespmem:s28+$0xFFFFFED0]  }
0xb9: {  	v21 =	vld [tilespmem:s28+$0xFFFFFEE0]  }
0xba: {  	v22 =	vld [tilespmem:s28+$0xFFFFFEF0]  }
0xbb: {  	v23 =	vld [tilespmem:s28+$0xFFFFFF00]  }
0xbc: {  	v24 =	vimm.f32 $0.0e+00;
	v25 =	vld [tilespmem:s28+$0xFFFFFF10]  }
0xbd: {  	v26 =	vld [tilespmem:s28+$0xFFFFFF20];
	v18 =	vadd.f32 v18, v24;
	v19 =	vadd.f32 v19, v24  }
0xbe: {  	v51 =	vld [tilespmem:s28+$0xFFFFFF30];
	v20 =	vadd.f32 v20, v24;
	v21 =	vadd.f32 v21, v24  }
0xbf: {  	v52 =	vld [tilespmem:s28+$0xFFFFFF40];
	v16 =	vadd.f32 v16, v18;
	v17 =	vadd.f32 v17, v19  }
0xc0: {  	v55 =	vld [tilespmem:s28+$0xFFFFFF50];
	v53 =	vadd.f32 v22, v20;
	v54 =	vadd.f32 v23, v21  }
0xc1: {  	v56 =	vld [tilespmem:s28+$0xFFFFFF60];
	v14 =	vadd.f32 v14, v16;
	v15 =	vadd.f32 v15, v17  }
0xc2: {  	v59 =	vld [tilespmem:s28+$0xFFFFFF70];
	v57 =	vadd.f32 v25, v53;
	v58 =	vadd.f32 v26, v54  }
0xc3: {  	v11 =	vadd.f32 v11, v14;
	v13 =	vadd.f32 v13, v15;
	v14 =	vld [tilespmem:s28+$0xFFFFFF80]  }
0xc4: {  	v61 =	vld [tilespmem:s28+$0xFFFFFF90];
	v15 =	vadd.f32 v51, v57;
	v60 =	vadd.f32 v52, v58  }
0xc5: {  	v11 =	vadd.f32 v4, v11;
	v10 =	vadd.f32 v10, v13;
	v13 =	vld [tilespmem:s28+$0xFFFFFFA0]  }
0xc6: {  	v15 =	vadd.f32 v55, v15;
	v16 =	vadd.f32 v56, v60;
	v4 =	vld [tilespmem:s28+$0xFFFFFFB0]  }
0xc7: {  	v11 =	vadd.f32 v5, v11;
	v10 =	vadd.f32 v6, v10;
	v6 =	vld [tilespmem:s28+$0xFFFFFFC0]  }
0xc8: {  	v15 =	vadd.f32 v59, v15;
	v5 =	vld [tilespmem:s28+$0xFFFFFFD0];
	v14 =	vadd.f32 v14, v16  }
0xc9: {  	v62 =	vadd.f32 v7, v11;
	v63 =	vadd.f32 v8, v10;
	v8 =	vld [tilespmem:s28+$0xFFFFFFE0]  }
0xca: {  	v10 =	vadd.f32 v61, v15;
	v7 =	vld [tilespmem:s28+$0xFFFFFFF0];
	v11 =	vadd.f32 v13, v14  }
0xcb: {  	s26 =	simm.s32 $0x0;
	v13 =	vadd.f32 v9, v62;
	v12 =	vadd.f32 v12, v63;
	v9 =	vld [tilespmem:s28+$0x0];
	s28 =	simm.s32 $0x2B30  }
.LBB2_5:
0xcc: {  	v14 =	vld [tilespmem:s28+$0xFFFFF370];
	v4 =	vadd.f32 v4, v10;
	v6 =	vadd.f32 v6, v11  }
0xcd: {  	v10 =	vld [tilespmem:s28+$0xFFFFF380];
	v11 =	vadd.f32 v2, v13;
	v12 =	vadd.f32 v3, v12  }
0xce: {  	v2 =	vld [tilespmem:s28+$0xFFFFF350];
	v4 =	vadd.f32 v5, v4;
	v5 =	vadd.f32 v8, v6  }
0xcf: {  	v3 =	vld [tilespmem:s28+$0xFFFFF360];
	v6 =	vadd.f32 v0, v11;
	v8 =	vadd.f32 v1, v12  }
0xd0: {  	v12 =	vld [tilespmem:s28+$0xFFFFF330];
	v4 =	vadd.f32 v7, v4;
	v5 =	vadd.f32 v9, v5  }
0xd1: {  	v9 =	vld [tilespmem:s28+$0xFFFFF340];
	v0 =	vmov v14  }
0xd2: {  	v7 =	vld [tilespmem:s28+$0xFFFFF310];
	v1 =	vmov v10  }
0xd3: {  	v10 =	vld [tilespmem:s28+$0xFFFFF320]  }
0xd4: {  	v11 =	vld [tilespmem:s28+$0xFFFFF2F0]  }
0xd5: {  	v13 =	vld [tilespmem:s28+$0xFFFFF300]  }
0xd6: {  	v14 =	vld [tilespmem:s28+$0xFFFFF2D0]  }
0xd7: {  	v15 =	vld [tilespmem:s28+$0xFFFFF2E0]  }
0xd8: {  	v16 =	vld [tilespmem:s28+$0xFFFFF2B0]  }
0xd9: {  	v17 =	vld [tilespmem:s28+$0xFFFFF2C0]  }
0xda: {  	v18 =	vld [tilespmem:s28+$0xFFFFF290]  }
0xdb: {  	v19 =	vld [tilespmem:s28+$0xFFFFF2A0]  }
0xdc: {  	v20 =	vld [tilespmem:s28+$0xFFFFF270]  }
0xdd: {  	v21 =	vld [tilespmem:s28+$0xFFFFF280]  }
0xde: {  	v22 =	vld [tilespmem:s28+$0xFFFFF250]  }
0xdf: {  	v23 =	vld [tilespmem:s28+$0xFFFFF260]  }
0xe0: {  	v24 =	vld [tilespmem:s28+$0xFFFFFED0]  }
0xe1: {  	s26 =	sadd.s32 $0xA, s26;
	v25 =	vld [tilespmem:s28+$0xFFFFFEE0]  }
0xe2: {  	p1 =	slt.u32 s26, $0x5A;
	v26 =	vld [tilespmem:s28+$0xFFFFFEF0]  }
0xe3: {  	v27 =	vld [tilespmem:s28+$0xFFFFFF00]  }
0xe4: {  	v28 =	vld [tilespmem:s28+$0xFFFFFF10]  }
0xe5: {  	v6 =	vadd.f32 v22, v6;
	v8 =	vadd.f32 v23, v8;
	v22 =	vld [tilespmem:s28+$0xFFFFFF20]  }
0xe6: {  	v4 =	vadd.f32 v24, v4;
	v5 =	vadd.f32 v25, v5;
	v23 =	vld [tilespmem:s28+$0xFFFFFF30]  }
0xe7: {  	v6 =	vadd.f32 v20, v6;
	v8 =	vadd.f32 v21, v8;
	v20 =	vld [tilespmem:s28+$0xFFFFFF40]  }
0xe8: {  	v4 =	vadd.f32 v26, v4;
	v5 =	vadd.f32 v27, v5;
	v21 =	vld [tilespmem:s28+$0xFFFFFF50]  }
0xe9: {  	v6 =	vadd.f32 v18, v6;
	v8 =	vadd.f32 v19, v8;
	v18 =	vld [tilespmem:s28+$0xFFFFFF60]  }
0xea: {  	v4 =	vadd.f32 v28, v4;
	v5 =	vadd.f32 v22, v5;
	v19 =	vld [tilespmem:s28+$0xFFFFFF70]  }
0xeb: {  	v6 =	vadd.f32 v16, v6;
	v8 =	vadd.f32 v17, v8;
	v16 =	vld [tilespmem:s28+$0xFFFFFF80]  }
0xec: {  	v4 =	vadd.f32 v23, v4;
	v5 =	vadd.f32 v20, v5;
	v17 =	vld [tilespmem:s28+$0xFFFFFF90]  }
0xed: {  	v6 =	vadd.f32 v14, v6;
	v8 =	vadd.f32 v15, v8;
	v14 =	vld [tilespmem:s28+$0xFFFFFFA0]  }
0xee: {  	v15 =	vadd.f32 v21, v4;
	v5 =	vadd.f32 v18, v5;
	v4 =	vld [tilespmem:s28+$0xFFFFFFB0]  }
.Ltmp1:
0xef: {  	v11 =	vadd.f32 v11, v6;
	v8 =	vadd.f32 v13, v8;
	v6 =	vld [tilespmem:s28+$0xFFFFFFC0];
	(pc) =	sbr.rel @p1 .LBB2_5-.Ltmp1, $4  }
0xf0: {  	v13 =	vadd.f32 v19, v15;
	v15 =	vadd.f32 v16, v5;
	v5 =	vld [tilespmem:s28+$0xFFFFFFD0]  }
0xf1: {  	v16 =	vadd.f32 v7, v11;
	v18 =	vadd.f32 v10, v8;
	v8 =	vld [tilespmem:s28+$0xFFFFFFE0]  }
0xf2: {  	v10 =	vadd.f32 v17, v13;
	v11 =	vadd.f32 v14, v15;
	v7 =	vld [tilespmem:s28+$0xFFFFFFF0]  }
0xf3: {  	v13 =	vadd.f32 v12, v16;
	v12 =	vadd.f32 v9, v18;
	v9 =	vld [tilespmem:s28+$0x0];
	s28 =	sadd.s32 $0x140, s28  }
0xf4: {  	v4 =	vadd.f32 v4, v10  }
0xf5: {  	v6 =	vadd.f32 v6, v11  }
0xf6: {  	v2 =	vadd.f32 v2, v13;
	v4 =	vadd.f32 v5, v4  }
0xf7: {  	v3 =	vadd.f32 v3, v12;
	v5 =	vadd.f32 v8, v6  }
0xf8: {  	v0 =	vadd.f32 v0, v2;
	v2 =	vadd.f32 v7, v4  }
0xf9: {  	v1 =	vadd.f32 v1, v3;
	v3 =	vadd.f32 v9, v5  }
0xfa: {  	v0 =	vadd.f32 v2, v0  }
0xfb: {  	v1 =	vadd.f32 v3, v1  }
0xfc: {  	[tilespmem:s25+$0x6760] =	vst v0  }
0xfd: {  	s20 =	simm.s32 @p0 $0x4;
	[tilespmem:s25+$0x6770] =	vst v1  }
0xfe: {  	_ =	swait.ge @p0 [sflag:s20], $0xC80  }
0xff: {  	[sflag:s20] =	ssyncset.done @p0 $0x0  }
0x100: {  	[sflag:s20] =	ssyncadd.s32 @p0 $0xFFFFF380  }
0x101: {  	_ =	swait.ge @p0 [sflag:s20], $0xC80  }
0x102: {  	[sflag:s20] =	ssyncset.done @p0 $0x0  }
0x103: {  	[sflag:s20] =	ssyncadd.s32 @p0 $0xFFFFF380;
	s20 =	simm.s32 @!p0 $0x1  }
0x104: {  	_ =	swait.ge @!p0 [sflag:s20], $0xD0  }
0x105: {  	s26 =	simm.s32 @!p0 $0xD0;
	[sflag:s20] =	ssyncset.done @!p0 $0x0  }
0x106: {  	s28 =	simm.s32 @!p0 $0x1C40;
	[sflag:s20] =	ssyncadd.s32 @!p0 $0xFFFFFF30;
	s20 =	simm.s32 @!p0 $0x64  }
0x107: {  	[tilespmem:s28], [sflag:$0x3] =	stream.indirect.gather @!p0 [hbm4b:s5+s20], $0x20, s26, s20, $0xb8;
	[tilespmem:$0xA740] =	vst v63  }
0x108: {  	s26 =	simm.s32 @!p0 $0x138;
	s28 =	simm.s32 @!p0 $0x28C0  }
0x109: {  	[tilespmem:s28], [sflag:$0x3] =	stream.indirect.gather @!p0 [hbm4b:s5+s20], $0x20, s26, s20, $0xb8;
	[tilespmem:$0xA740] =	vst v63  }
0x10a: {  	s20 =	simm.s32 @!p0 $0x4  }
0x10b: {  	_ =	swait.ge @!p0 [sflag:s20], $0xC80  }
0x10c: {  	[sflag:s20] =	ssyncset.done @!p0 $0x0  }
0x10d: {  	s26 =	sadd.s32 @!p0 s24, s11;
	[sflag:s20] =	ssyncadd.s32 @!p0 $0xFFFFF380  }
0x10e: {  	s26 =	smul.u32 @!p0 $0x1A, s26;
	_ =	swait.ge @!p0 [sflag:s20], $0xC80  }
0x10f: {  	s28 =	simm.s32 @!p0 $0x1A0;
	[sflag:s20] =	ssyncset.done @!p0 $0x0  }
0x110: {  	[sflag:s20] =	ssyncadd.s32 @!p0 $0xFFFFF380;
	s20 =	sadd.s32 @!p0 s3, s26;
	s26 =	simm.s32 @!p0 $0x0  }
0x111: {  	[tilespmem:s28], [sflag:$0x1] =	stream.linear.gather @!p0 [hbm4b:s20+s26], $0xD0, $0x38;
	[tilespmem:$0xA740] =	vst v63  }
0x112: {  	s28 =	simm.s32 $0x42F0  }
0x113: {  	v0 =	vld [tilespmem:s28+$0xFFFFF370]  }
0x114: {  	v1 =	vld [tilespmem:s28+$0xFFFFF380]  }
0x115: {  	v2 =	vld [tilespmem:s28+$0xFFFFF350]  }
0x116: {  	v3 =	vld [tilespmem:s28+$0xFFFFF360]  }
0x117: {  	v9 =	vld [tilespmem:s28+$0xFFFFF330]  }
0x118: {  	v12 =	vld [tilespmem:s28+$0xFFFFF340]  }
0x119: {  	v7 =	vld [tilespmem:s28+$0xFFFFF310]  }
0x11a: {  	v8 =	vld [tilespmem:s28+$0xFFFFF320]  }
0x11b: {  	v5 =	vld [tilespmem:s28+$0xFFFFF2F0]  }
0x11c: {  	v6 =	vld [tilespmem:s28+$0xFFFFF300]  }
0x11d: {  	v4 =	vld [tilespmem:s28+$0xFFFFF2D0]  }
0x11e: {  	v10 =	vld [tilespmem:s28+$0xFFFFF2E0]  }
0x11f: {  	v11 =	vld [tilespmem:s28+$0xFFFFF2B0]  }
0x120: {  	v13 =	vld [tilespmem:s28+$0xFFFFF2C0]  }
0x121: {  	v14 =	vld [tilespmem:s28+$0xFFFFF290]  }
0x122: {  	v15 =	vld [tilespmem:s28+$0xFFFFF2A0]  }
0x123: {  	v16 =	vld [tilespmem:s28+$0xFFFFF270]  }
0x124: {  	v17 =	vld [tilespmem:s28+$0xFFFFF280]  }
0x125: {  	v18 =	vld [tilespmem:s28+$0xFFFFF250]  }
0x126: {  	v19 =	vld [tilespmem:s28+$0xFFFFF260]  }
0x127: {  	v20 =	vld [tilespmem:s28+$0xFFFFFED0]  }
0x128: {  	v21 =	vld [tilespmem:s28+$0xFFFFFEE0]  }
0x129: {  	v22 =	vld [tilespmem:s28+$0xFFFFFEF0]  }
0x12a: {  	v23 =	vld [tilespmem:s28+$0xFFFFFF00]  }
0x12b: {  	v24 =	vimm.f32 $0.0e+00;
	v25 =	vld [tilespmem:s28+$0xFFFFFF10]  }
0x12c: {  	v26 =	vld [tilespmem:s28+$0xFFFFFF20];
	v18 =	vadd.f32 v18, v24;
	v19 =	vadd.f32 v19, v24  }
0x12d: {  	v51 =	vld [tilespmem:s28+$0xFFFFFF30];
	v20 =	vadd.f32 v20, v24;
	v21 =	vadd.f32 v21, v24  }
0x12e: {  	v52 =	vld [tilespmem:s28+$0xFFFFFF40];
	v16 =	vadd.f32 v16, v18;
	v17 =	vadd.f32 v17, v19  }
0x12f: {  	v55 =	vld [tilespmem:s28+$0xFFFFFF50];
	v53 =	vadd.f32 v22, v20;
	v54 =	vadd.f32 v23, v21  }
0x130: {  	v56 =	vld [tilespmem:s28+$0xFFFFFF60];
	v14 =	vadd.f32 v14, v16;
	v15 =	vadd.f32 v15, v17  }
0x131: {  	v59 =	vld [tilespmem:s28+$0xFFFFFF70];
	v57 =	vadd.f32 v25, v53;
	v58 =	vadd.f32 v26, v54  }
0x132: {  	v11 =	vadd.f32 v11, v14;
	v13 =	vadd.f32 v13, v15;
	v14 =	vld [tilespmem:s28+$0xFFFFFF80]  }
0x133: {  	v61 =	vld [tilespmem:s28+$0xFFFFFF90];
	v15 =	vadd.f32 v51, v57;
	v60 =	vadd.f32 v52, v58  }
0x134: {  	v11 =	vadd.f32 v4, v11;
	v10 =	vadd.f32 v10, v13;
	v13 =	vld [tilespmem:s28+$0xFFFFFFA0]  }
0x135: {  	v15 =	vadd.f32 v55, v15;
	v16 =	vadd.f32 v56, v60;
	v4 =	vld [tilespmem:s28+$0xFFFFFFB0]  }
0x136: {  	v11 =	vadd.f32 v5, v11;
	v10 =	vadd.f32 v6, v10;
	v6 =	vld [tilespmem:s28+$0xFFFFFFC0]  }
0x137: {  	v15 =	vadd.f32 v59, v15;
	v5 =	vld [tilespmem:s28+$0xFFFFFFD0];
	v14 =	vadd.f32 v14, v16  }
0x138: {  	v62 =	vadd.f32 v7, v11;
	v63 =	vadd.f32 v8, v10;
	v8 =	vld [tilespmem:s28+$0xFFFFFFE0]  }
0x139: {  	v10 =	vadd.f32 v61, v15;
	v7 =	vld [tilespmem:s28+$0xFFFFFFF0];
	v11 =	vadd.f32 v13, v14  }
0x13a: {  	s26 =	simm.s32 $0x0;
	v13 =	vadd.f32 v9, v62;
	v12 =	vadd.f32 v12, v63;
	v9 =	vld [tilespmem:s28+$0x0];
	s28 =	simm.s32 $0x4430  }
.LBB2_7:
0x13b: {  	v14 =	vld [tilespmem:s28+$0xFFFFF370];
	v4 =	vadd.f32 v4, v10;
	v6 =	vadd.f32 v6, v11  }
0x13c: {  	v10 =	vld [tilespmem:s28+$0xFFFFF380];
	v11 =	vadd.f32 v2, v13;
	v12 =	vadd.f32 v3, v12  }
0x13d: {  	v2 =	vld [tilespmem:s28+$0xFFFFF350];
	v4 =	vadd.f32 v5, v4;
	v5 =	vadd.f32 v8, v6  }
0x13e: {  	v3 =	vld [tilespmem:s28+$0xFFFFF360];
	v6 =	vadd.f32 v0, v11;
	v8 =	vadd.f32 v1, v12  }
0x13f: {  	v12 =	vld [tilespmem:s28+$0xFFFFF330];
	v4 =	vadd.f32 v7, v4;
	v5 =	vadd.f32 v9, v5  }
0x140: {  	v9 =	vld [tilespmem:s28+$0xFFFFF340];
	v0 =	vmov v14  }
0x141: {  	v7 =	vld [tilespmem:s28+$0xFFFFF310];
	v1 =	vmov v10  }
0x142: {  	v10 =	vld [tilespmem:s28+$0xFFFFF320]  }
0x143: {  	v11 =	vld [tilespmem:s28+$0xFFFFF2F0]  }
0x144: {  	v13 =	vld [tilespmem:s28+$0xFFFFF300]  }
0x145: {  	v14 =	vld [tilespmem:s28+$0xFFFFF2D0]  }
0x146: {  	v15 =	vld [tilespmem:s28+$0xFFFFF2E0]  }
0x147: {  	v16 =	vld [tilespmem:s28+$0xFFFFF2B0]  }
0x148: {  	v17 =	vld [tilespmem:s28+$0xFFFFF2C0]  }
0x149: {  	v18 =	vld [tilespmem:s28+$0xFFFFF290]  }
0x14a: {  	v19 =	vld [tilespmem:s28+$0xFFFFF2A0]  }
0x14b: {  	v20 =	vld [tilespmem:s28+$0xFFFFF270]  }
0x14c: {  	v21 =	vld [tilespmem:s28+$0xFFFFF280]  }
0x14d: {  	v22 =	vld [tilespmem:s28+$0xFFFFF250]  }
0x14e: {  	v23 =	vld [tilespmem:s28+$0xFFFFF260]  }
0x14f: {  	v24 =	vld [tilespmem:s28+$0xFFFFFED0]  }
0x150: {  	s26 =	sadd.s32 $0xA, s26;
	v25 =	vld [tilespmem:s28+$0xFFFFFEE0]  }
0x151: {  	p1 =	slt.u32 s26, $0x5A;
	v26 =	vld [tilespmem:s28+$0xFFFFFEF0]  }
0x152: {  	v27 =	vld [tilespmem:s28+$0xFFFFFF00]  }
0x153: {  	v28 =	vld [tilespmem:s28+$0xFFFFFF10]  }
0x154: {  	v6 =	vadd.f32 v22, v6;
	v8 =	vadd.f32 v23, v8;
	v22 =	vld [tilespmem:s28+$0xFFFFFF20]  }
0x155: {  	v4 =	vadd.f32 v24, v4;
	v5 =	vadd.f32 v25, v5;
	v23 =	vld [tilespmem:s28+$0xFFFFFF30]  }
0x156: {  	v6 =	vadd.f32 v20, v6;
	v8 =	vadd.f32 v21, v8;
	v20 =	vld [tilespmem:s28+$0xFFFFFF40]  }
0x157: {  	v4 =	vadd.f32 v26, v4;
	v5 =	vadd.f32 v27, v5;
	v21 =	vld [tilespmem:s28+$0xFFFFFF50]  }
0x158: {  	v6 =	vadd.f32 v18, v6;
	v8 =	vadd.f32 v19, v8;
	v18 =	vld [tilespmem:s28+$0xFFFFFF60]  }
0x159: {  	v4 =	vadd.f32 v28, v4;
	v5 =	vadd.f32 v22, v5;
	v19 =	vld [tilespmem:s28+$0xFFFFFF70]  }
0x15a: {  	v6 =	vadd.f32 v16, v6;
	v8 =	vadd.f32 v17, v8;
	v16 =	vld [tilespmem:s28+$0xFFFFFF80]  }
0x15b: {  	v4 =	vadd.f32 v23, v4;
	v5 =	vadd.f32 v20, v5;
	v17 =	vld [tilespmem:s28+$0xFFFFFF90]  }
0x15c: {  	v6 =	vadd.f32 v14, v6;
	v8 =	vadd.f32 v15, v8;
	v14 =	vld [tilespmem:s28+$0xFFFFFFA0]  }
0x15d: {  	v15 =	vadd.f32 v21, v4;
	v5 =	vadd.f32 v18, v5;
	v4 =	vld [tilespmem:s28+$0xFFFFFFB0]  }
.Ltmp2:
0x15e: {  	v11 =	vadd.f32 v11, v6;
	v8 =	vadd.f32 v13, v8;
	v6 =	vld [tilespmem:s28+$0xFFFFFFC0];
	(pc) =	sbr.rel @p1 .LBB2_7-.Ltmp2, $4  }
0x15f: {  	v13 =	vadd.f32 v19, v15;
	v15 =	vadd.f32 v16, v5;
	v5 =	vld [tilespmem:s28+$0xFFFFFFD0]  }
0x160: {  	v16 =	vadd.f32 v7, v11;
	v18 =	vadd.f32 v10, v8;
	v8 =	vld [tilespmem:s28+$0xFFFFFFE0]  }
0x161: {  	v10 =	vadd.f32 v17, v13;
	v11 =	vadd.f32 v14, v15;
	v7 =	vld [tilespmem:s28+$0xFFFFFFF0]  }
0x162: {  	v13 =	vadd.f32 v12, v16;
	v12 =	vadd.f32 v9, v18;
	v9 =	vld [tilespmem:s28+$0x0];
	s28 =	sadd.s32 $0x140, s28  }
0x163: {  	v4 =	vadd.f32 v4, v10  }
0x164: {  	v6 =	vadd.f32 v6, v11  }
0x165: {  	v2 =	vadd.f32 v2, v13;
	v4 =	vadd.f32 v5, v4  }
0x166: {  	v3 =	vadd.f32 v3, v12;
	v5 =	vadd.f32 v8, v6  }
0x167: {  	v0 =	vadd.f32 v0, v2;
	v2 =	vadd.f32 v7, v4  }
0x168: {  	v1 =	vadd.f32 v1, v3;
	v3 =	vadd.f32 v9, v5  }
0x169: {  	v0 =	vadd.f32 v2, v0  }
0x16a: {  	v1 =	vadd.f32 v3, v1  }
0x16b: {  	[tilespmem:s25+$0x6780] =	vst v0  }
0x16c: {  	s20 =	simm.s32 @p0 $0x5;
	[tilespmem:s25+$0x6790] =	vst v1  }
0x16d: {  	_ =	swait.ge @p0 [sflag:s20], $0xC80  }
0x16e: {  	[sflag:s20] =	ssyncset.done @p0 $0x0  }
0x16f: {  	[sflag:s20] =	ssyncadd.s32 @p0 $0xFFFFF380  }
0x170: {  	_ =	swait.ge @p0 [sflag:s20], $0xC80  }
0x171: {  	[sflag:s20] =	ssyncset.done @p0 $0x0  }
0x172: {  	[sflag:s20] =	ssyncadd.s32 @p0 $0xFFFFF380;
	s20 =	simm.s32 @!p0 $0x1  }
0x173: {  	_ =	swait.ge @!p0 [sflag:s20], $0xD0  }
0x174: {  	s26 =	simm.s32 @!p0 $0x1A0;
	[sflag:s20] =	ssyncset.done @!p0 $0x0  }
0x175: {  	s28 =	simm.s32 @!p0 $0x3540;
	[sflag:s20] =	ssyncadd.s32 @!p0 $0xFFFFFF30;
	s20 =	simm.s32 @!p0 $0x64  }
0x176: {  	[tilespmem:s28], [sflag:$0x4] =	stream.indirect.gather @!p0 [hbm4b:s5+s20], $0x20, s26, s20, $0xb8;
	[tilespmem:$0xA740] =	vst v63  }
0x177: {  	s26 =	simm.s32 @!p0 $0x208;
	s28 =	simm.s32 @!p0 $0x41C0  }
0x178: {  	[tilespmem:s28], [sflag:$0x4] =	stream.indirect.gather @!p0 [hbm4b:s5+s20], $0x20, s26, s20, $0xb8;
	[tilespmem:$0xA740] =	vst v63  }
0x179: {  	s20 =	simm.s32 @!p0 $0x5  }
0x17a: {  	_ =	swait.ge @!p0 [sflag:s20], $0xC80  }
0x17b: {  	[sflag:s20] =	ssyncset.done @!p0 $0x0  }
0x17c: {  	s24 =	sadd.s32 @!p0 s24, s12;
	[sflag:s20] =	ssyncadd.s32 @!p0 $0xFFFFF380  }
0x17d: {  	s24 =	smul.u32 @!p0 $0x1A, s24;
	_ =	swait.ge @!p0 [sflag:s20], $0xC80  }
0x17e: {  	s29 =	simm.s32 $0x4E40;
	s26 =	simm.s32 @!p0 $0x270;
	[sflag:s20] =	ssyncset.done @!p0 $0x0  }
0x17f: {  	[sflag:s20] =	ssyncadd.s32 @!p0 $0xFFFFF380;
	s20 =	sadd.s32 @!p0 s3, s24;
	s24 =	simm.s32 @!p0 $0x0  }
0x180: {  	[tilespmem:s26], [sflag:$0x1] =	stream.linear.gather @!p0 [hbm4b:s20+s24], $0xD0, $0x38;
	[tilespmem:$0xA740] =	vst v63  }
0x181: {  	v0 =	vld [tilespmem:s29+$0x120]  }
0x182: {  	v1 =	vld [tilespmem:s29+$0x130]  }
0x183: {  	v2 =	vld [tilespmem:s29+$0x100]  }
0x184: {  	v3 =	vld [tilespmem:s29+$0x110]  }
0x185: {  	v9 =	vld [tilespmem:s29+$0xE0]  }
0x186: {  	v12 =	vld [tilespmem:s29+$0xF0]  }
0x187: {  	v7 =	vld [tilespmem:s29+$0xC0]  }
0x188: {  	v8 =	vld [tilespmem:s29+$0xD0]  }
0x189: {  	v5 =	vld [tilespmem:s29+$0xA0]  }
0x18a: {  	v6 =	vld [tilespmem:s29+$0xB0]  }
0x18b: {  	v4 =	vld [tilespmem:s29+$0x80]  }
0x18c: {  	v10 =	vld [tilespmem:s29+$0x90]  }
0x18d: {  	v11 =	vld [tilespmem:s29+$0x60]  }
0x18e: {  	v13 =	vld [tilespmem:s29+$0x70]  }
0x18f: {  	v14 =	vld [tilespmem:s29+$0x40]  }
0x190: {  	v15 =	vld [tilespmem:s29+$0x50]  }
0x191: {  	v16 =	vld [tilespmem:s29+$0x20]  }
0x192: {  	v17 =	vld [tilespmem:s29+$0x30]  }
0x193: {  	v18 =	vld [tilespmem:s29+$0x0]  }
0x194: {  	v19 =	vld [tilespmem:s29+$0x10]  }
0x195: {  	v20 =	vld [tilespmem:s29+$0xC80]  }
0x196: {  	v21 =	vld [tilespmem:s29+$0xC90]  }
0x197: {  	v22 =	vld [tilespmem:s29+$0xCA0]  }
0x198: {  	v23 =	vld [tilespmem:s29+$0xCB0]  }
0x199: {  	v24 =	vimm.f32 $0.0e+00;
	v25 =	vld [tilespmem:s29+$0xCC0]  }
0x19a: {  	v26 =	vld [tilespmem:s29+$0xCD0];
	v18 =	vadd.f32 v18, v24;
	v19 =	vadd.f32 v19, v24  }
0x19b: {  	v51 =	vld [tilespmem:s29+$0xCE0];
	v20 =	vadd.f32 v20, v24;
	v21 =	vadd.f32 v21, v24  }
0x19c: {  	v52 =	vld [tilespmem:s29+$0xCF0];
	v16 =	vadd.f32 v16, v18;
	v17 =	vadd.f32 v17, v19  }
0x19d: {  	v55 =	vld [tilespmem:s29+$0xD00];
	v53 =	vadd.f32 v22, v20;
	v54 =	vadd.f32 v23, v21  }
0x19e: {  	v56 =	vld [tilespmem:s29+$0xD10];
	v14 =	vadd.f32 v14, v16;
	v15 =	vadd.f32 v15, v17  }
0x19f: {  	v59 =	vld [tilespmem:s29+$0xD20];
	v57 =	vadd.f32 v25, v53;
	v58 =	vadd.f32 v26, v54  }
0x1a0: {  	v11 =	vadd.f32 v11, v14;
	v13 =	vadd.f32 v13, v15;
	v14 =	vld [tilespmem:s29+$0xD30]  }
0x1a1: {  	v61 =	vld [tilespmem:s29+$0xD40];
	v15 =	vadd.f32 v51, v57;
	v60 =	vadd.f32 v52, v58  }
0x1a2: {  	v11 =	vadd.f32 v4, v11;
	v10 =	vadd.f32 v10, v13;
	v13 =	vld [tilespmem:s29+$0xD50]  }
0x1a3: {  	v15 =	vadd.f32 v55, v15;
	v16 =	vadd.f32 v56, v60;
	v4 =	vld [tilespmem:s29+$0xD60]  }
0x1a4: {  	v11 =	vadd.f32 v5, v11;
	v10 =	vadd.f32 v6, v10;
	v6 =	vld [tilespmem:s29+$0xD70]  }
0x1a5: {  	v15 =	vadd.f32 v59, v15;
	v5 =	vld [tilespmem:s29+$0xD80];
	v14 =	vadd.f32 v14, v16  }
0x1a6: {  	v62 =	vadd.f32 v7, v11;
	v63 =	vadd.f32 v8, v10;
	v8 =	vld [tilespmem:s29+$0xD90]  }
0x1a7: {  	v10 =	vadd.f32 v61, v15;
	v7 =	vld [tilespmem:s29+$0xDA0];
	v11 =	vadd.f32 v13, v14  }
0x1a8: {  	s24 =	simm.s32 $0x0;
	s26 =	simm.s32 $0x4F80;
	v13 =	vadd.f32 v9, v62;
	v12 =	vadd.f32 v12, v63;
	v9 =	vld [tilespmem:s29+$0xDB0]  }
.LBB2_9:
0x1a9: {  	v14 =	vld [tilespmem:s26+$0x120];
	v4 =	vadd.f32 v4, v10;
	v6 =	vadd.f32 v6, v11  }
0x1aa: {  	v10 =	vld [tilespmem:s26+$0x130];
	v11 =	vadd.f32 v2, v13;
	v12 =	vadd.f32 v3, v12  }
0x1ab: {  	v2 =	vld [tilespmem:s26+$0x100];
	v4 =	vadd.f32 v5, v4;
	v5 =	vadd.f32 v8, v6  }
0x1ac: {  	v3 =	vld [tilespmem:s26+$0x110];
	v6 =	vadd.f32 v0, v11;
	v8 =	vadd.f32 v1, v12  }
0x1ad: {  	v12 =	vld [tilespmem:s26+$0xE0];
	v4 =	vadd.f32 v7, v4;
	v5 =	vadd.f32 v9, v5  }
0x1ae: {  	v9 =	vld [tilespmem:s26+$0xF0];
	v0 =	vmov v14  }
0x1af: {  	v7 =	vld [tilespmem:s26+$0xC0];
	v1 =	vmov v10  }
0x1b0: {  	v10 =	vld [tilespmem:s26+$0xD0]  }
0x1b1: {  	v11 =	vld [tilespmem:s26+$0xA0]  }
0x1b2: {  	v13 =	vld [tilespmem:s26+$0xB0]  }
0x1b3: {  	v14 =	vld [tilespmem:s26+$0x80]  }
0x1b4: {  	v15 =	vld [tilespmem:s26+$0x90]  }
0x1b5: {  	v16 =	vld [tilespmem:s26+$0x60]  }
0x1b6: {  	v17 =	vld [tilespmem:s26+$0x70]  }
0x1b7: {  	v18 =	vld [tilespmem:s26+$0x40]  }
0x1b8: {  	v19 =	vld [tilespmem:s26+$0x50]  }
0x1b9: {  	v20 =	vld [tilespmem:s26+$0x20]  }
0x1ba: {  	v21 =	vld [tilespmem:s26+$0x30]  }
0x1bb: {  	v22 =	vld [tilespmem:s26+$0x0]  }
0x1bc: {  	v23 =	vld [tilespmem:s26+$0x10]  }
0x1bd: {  	v24 =	vld [tilespmem:s26+$0xC80]  }
0x1be: {  	s24 =	sadd.s32 $0xA, s24;
	v25 =	vld [tilespmem:s26+$0xC90]  }
0x1bf: {  	p0 =	slt.u32 s24, $0x5A;
	v26 =	vld [tilespmem:s26+$0xCA0]  }
0x1c0: {  	v27 =	vld [tilespmem:s26+$0xCB0]  }
0x1c1: {  	v28 =	vld [tilespmem:s26+$0xCC0]  }
0x1c2: {  	v6 =	vadd.f32 v22, v6;
	v8 =	vadd.f32 v23, v8;
	v22 =	vld [tilespmem:s26+$0xCD0]  }
0x1c3: {  	v4 =	vadd.f32 v24, v4;
	v5 =	vadd.f32 v25, v5;
	v23 =	vld [tilespmem:s26+$0xCE0]  }
0x1c4: {  	v6 =	vadd.f32 v20, v6;
	v8 =	vadd.f32 v21, v8;
	v20 =	vld [tilespmem:s26+$0xCF0]  }
0x1c5: {  	v4 =	vadd.f32 v26, v4;
	v5 =	vadd.f32 v27, v5;
	v21 =	vld [tilespmem:s26+$0xD00]  }
0x1c6: {  	v6 =	vadd.f32 v18, v6;
	v8 =	vadd.f32 v19, v8;
	v18 =	vld [tilespmem:s26+$0xD10]  }
0x1c7: {  	v4 =	vadd.f32 v28, v4;
	v5 =	vadd.f32 v22, v5;
	v19 =	vld [tilespmem:s26+$0xD20]  }
0x1c8: {  	v6 =	vadd.f32 v16, v6;
	v8 =	vadd.f32 v17, v8;
	v16 =	vld [tilespmem:s26+$0xD30]  }
0x1c9: {  	v4 =	vadd.f32 v23, v4;
	v5 =	vadd.f32 v20, v5;
	v17 =	vld [tilespmem:s26+$0xD40]  }
0x1ca: {  	v6 =	vadd.f32 v14, v6;
	v8 =	vadd.f32 v15, v8;
	v14 =	vld [tilespmem:s26+$0xD50]  }
0x1cb: {  	v15 =	vadd.f32 v21, v4;
	v5 =	vadd.f32 v18, v5;
	v4 =	vld [tilespmem:s26+$0xD60]  }
.Ltmp3:
0x1cc: {  	v11 =	vadd.f32 v11, v6;
	v8 =	vadd.f32 v13, v8;
	v6 =	vld [tilespmem:s26+$0xD70];
	(pc) =	sbr.rel @p0 .LBB2_9-.Ltmp3, $4  }
0x1cd: {  	v13 =	vadd.f32 v19, v15;
	v15 =	vadd.f32 v16, v5;
	v5 =	vld [tilespmem:s26+$0xD80]  }
0x1ce: {  	v16 =	vadd.f32 v7, v11;
	v18 =	vadd.f32 v10, v8;
	v8 =	vld [tilespmem:s26+$0xD90]  }
0x1cf: {  	v10 =	vadd.f32 v17, v13;
	v11 =	vadd.f32 v14, v15;
	v7 =	vld [tilespmem:s26+$0xDA0]  }
0x1d0: {  	v13 =	vadd.f32 v12, v16;
	v12 =	vadd.f32 v9, v18;
	v9 =	vld [tilespmem:s26+$0xDB0];
	s26 =	sadd.s32 $0x140, s26  }
0x1d1: {  	v4 =	vadd.f32 v4, v10  }
0x1d2: {  	v6 =	vadd.f32 v6, v11  }
0x1d3: {  	v2 =	vadd.f32 v2, v13;
	v4 =	vadd.f32 v5, v4  }
0x1d4: {  	s23 =	sadd.s32 $0x1, s23;
	v3 =	vadd.f32 v3, v12;
	v61 =	vadd.f32 v8, v6  }
0x1d5: {  	p0 =	sne.s32 s23, $0x80;
	v0 =	vadd.f32 v0, v2;
	v62 =	vadd.f32 v7, v4  }
.Ltmp4:
0x1d6: {  	v1 =	vadd.f32 v1, v3;
	v63 =	vadd.f32 v9, v61;
	(pc) =	sbr.rel @p0 .LBB2_2-.Ltmp4, $4  }
0x1d7: {  	v0 =	vadd.f32 v62, v0  }
0x1d8: {  	v1 =	vadd.f32 v63, v1  }
0x1d9: {  	[tilespmem:s25+$0x67A0] =	vst v0  }
0x1da: {  	[tilespmem:s25+$0x67B0] =	vst v1  }
0x1db: {  	s22 =	sadd.s32 $0x1, s22  }
0x1dc: {  	p0 =	sne.s32 s22, s14  }
.Ltmp5:
0x1dd: {  	s20 =	simm.s32 $0x6740;
	(pc) =	sbr.rel @p0 .LBB2_1-.Ltmp5, $4  }
0x1de: {  	[hbm4b:s13+s2] =	stream.linear.scatter [tilespmem:s20], [sflag:$0x6], $0x4000, $0x38;
	[tilespmem:$0xA740] =	vst v63  }
0x1df: {  	_ =	swait.ge [sflag:s21], $0x4000  }
0x1e0: {  	[sflag:s21] =	ssyncset.done $0x0  }
0x1e1: {  	[sflag:s21] =	ssyncadd.s32 $0xFFFFC000  }
0x1e2: {  	_ =	sfence.sel $0x180000  }
0x1e3: {  	[bflag:$0x0] =	sbarrier.arrive $0xFFFF  }
0x1e4: {  	_ =	strace $0x90000047  }
0x1e5: {  	s0 =	stileid.u32;
	[bflag:$0x2] =	sbarrier.arrive $0xFFFF  }
0x1e6: {  	p0 =	sne.s32 s0, $0x0;
	s0 =	rddreg [dreg:$0x2]  }
0x1e7: {  	s0 =	sadd.s32 @!p0 $0x100000, s0  }
0x1e8: {  	[sflag:s0] =	ssyncadd.tile.s32 @!p0 $0x1;
	_ =	shalt  }
.Lfunc_end2:
_tile_overlayer_lowered:
.L_overlay_start_2:
0x1e9: {  	(tag) =	ssettag $0x2  }
0x1ea: {  	s0 =	rddreg [dreg:$0x0];
	s2 =	stileid.u32  }
0x1eb: {  	s1 =	rddreg [dreg:$0x1];
	p0 =	sne.s32 s2, $0x0  }
0x1ec: {  	s3 =	rddreg [dreg:$0x2];
	[bflag:$0x3] =	sbarrier.arrive $0xFFFF;
	s2 =	simm.s32 @!p0 $0x1C06  }
0x1ed: {  	[timem:s3], [sflag:s2] =	dma.local @!p0 [hbm:s0], s1  }
0x1ee: {  	s0 =	simm.s32 @!p0 $0x6  }
0x1ef: {  	_ =	swait.ge @!p0 [sflag:s0], s1  }
0x1f0: {  	s1 =	ssub.s32 @!p0 $0x0, s1;
	[sflag:s0] =	ssyncset.done @!p0 $0x0  }
0x1f1: {  	[sflag:s0] =	ssyncadd.s32 @!p0 s1  }
0x1f2: {  	[bflag:$0x3] =	sbarrier.arrive $0xFFFF  }
0x1f3: {  	_ =	shalt  }

</sc_bundles>
